<compile_context>
chip_gen: v7x
topology: tpu7x:2x2x1
jax: 0.10.2.dev20260603
libtpu: 0.0.44.dev20260713+nightly
codegen_flags: <defaults>
</compile_context>

<pallas_src>
import functools

import jax
import jax.numpy as jnp
from jax import lax
from jax.experimental import pallas as pl
from jax.experimental.pallas import tpu as pltpu
from jax.experimental.pallas import tpu_sc as plsc

B = 2
C = 18
PVOX = 640_000
P = B * PVOX
NW = 32
WPC = PVOX // 64
NWORD = WPC // 16
CPW = PVOX // 4
NB = 128
NSEG = 2 * C
LSTRIDE = NSEG * NB
NHIST = 16 * LSTRIDE
XB = 8


def _pre_body(s_ref, l_ref, o_ref):
    s = s_ref[...]
    m = l_ref[...]
    e = jnp.exp(s)
    r = 1.0 / jnp.sum(e, axis=1, keepdims=True)
    p = e * r
    cls = lax.broadcasted_iota(jnp.int32, (1, C, 1, 1, 1), 1)
    fg = m[:, None] == cls
    err = jnp.where(fg, 1.0 - p, p)
    bq = jnp.minimum((err * NB + 0.5).astype(jnp.int32), NB - 1)
    code = bq + jnp.where(fg, NB, 0)
    c6 = code.reshape(1, C, XB, 4, 4, 200)
    w = (c6[:, :, :, :, 0, :] + (c6[:, :, :, :, 1, :] << 8)
         + (c6[:, :, :, :, 2, :] << 16) + (c6[:, :, :, :, 3, :] << 24))
    o_ref[...] = w


def _sc_body(bins_hbm, out_hbm, hist_v, buf_v, sem0, sem1):
    wid = lax.axis_index("s") * 2 + lax.axis_index("c")
    base = (wid // 16) * (C * CPW) + (wid % 16) * WPC

    def zero_body(i, carry):
        hist_v[pl.ds(i * 16, 16)] = jnp.zeros((16,), jnp.float32)
        return carry

    lax.fori_loop(0, NHIST // 16, zero_body, 0)

    sems = (sem0, sem1)

    def fire(c):
        return pltpu.async_copy(
            bins_hbm.at[pl.ds(base + c * CPW, WPC)],
            buf_v.at[pl.ds((c % 2) * WPC, WPC)], sems[c % 2])

    cur = fire(0)
    for c in range(C):
        nxt = fire(c + 1) if c + 1 < C else None
        cur.wait()

        def vreg_body(j, carry, c=c):
            lanes = lax.iota(jnp.int32, 16) * LSTRIDE
            ones = jnp.ones((16,), jnp.float32)
            w = buf_v[pl.ds((c % 2) * WPC + j * 16, 16)]
            for k in range(4):
                code = (w >> (8 * k)) & 0xFF
                fgo = (code >> 7) * (C * NB)
                b = code & (NB - 1)
                addr = lanes + fgo + (b + c * NB)
                plsc.addupdate_scatter(hist_v, [addr], ones)
            return carry

        lax.fori_loop(0, NWORD, vreg_body, 0)
        cur = nxt
    pltpu.sync_copy(hist_v, out_hbm.at[wid])


_sc_hist = functools.partial(
    pl.kernel,
    mesh=plsc.VectorSubcoreMesh(core_axis_name="c", subcore_axis_name="s"),
    out_type=jax.ShapeDtypeStruct((NW, NHIST), jnp.float32),
    scratch_types=[
        pltpu.VMEM((NHIST,), jnp.float32),
        pltpu.VMEM((2 * WPC,), jnp.int32),
        pltpu.SemaphoreType.DMA,
        pltpu.SemaphoreType.DMA,
    ],
    compiler_params=pltpu.CompilerParams(needs_layout_passes=False),
)(_sc_body)


def _tc_body(h_ref, o_ref):
    s = jnp.sum(h_ref[...], axis=0)
    hfg = s[C:NSEG]
    hall = s[0:C] + hfg
    bi = lax.broadcasted_iota(jnp.int32, (NB, NB), 0)
    ki = lax.broadcasted_iota(jnp.int32, (NB, NB), 1)
    tri = (bi >= ki).astype(jnp.float32)
    S = jnp.dot(hall, tri, preferred_element_type=jnp.float32)
    F = jnp.dot(hfg, tri, preferred_element_type=jnp.float32)
    G = F[:, 0:1]
    kpos = lax.broadcasted_iota(jnp.int32, (C, NB), 1) >= 1
    J = jnp.where((S > 0) & kpos, S / jnp.maximum(G + S - F, 1e-30), 0.0)
    loss_c = jnp.sum(J, axis=1) * (1.0 / NB)
    present = G[:, 0] > 0
    total = jnp.sum(jnp.where(present, loss_c, 0.0))
    cnt = jnp.sum(present.astype(jnp.float32))
    o_ref[...] = (total / jnp.maximum(cnt, 1.0)).reshape(1, 1)


def kernel(cls_score, label):
    xt = cls_score.transpose(0, 1, 2, 4, 3)
    lt = label.transpose(0, 1, 3, 2)
    bins = pl.pallas_call(
        _pre_body,
        grid=(B, 200 // XB),
        in_specs=[
            pl.BlockSpec((1, C, XB, 16, 200), lambda b, x: (b, 0, x, 0, 0)),
            pl.BlockSpec((1, XB, 16, 200), lambda b, x: (b, x, 0, 0)),
        ],
        out_specs=pl.BlockSpec((1, C, XB, 4, 200),
                               lambda b, x: (b, 0, x, 0, 0)),
        out_shape=jax.ShapeDtypeStruct((B, C, 200, 4, 200), jnp.int32),
    )(xt, lt)
    hist = _sc_hist(bins.reshape(-1))
    hist3 = hist.reshape(NW * 16, NSEG, NB)
    out = pl.pallas_call(
        _tc_body,
        out_shape=jax.ShapeDtypeStruct((1, 1), jnp.float32),
    )(hist3)
    return out[0, 0]

# --- scband reference (transcript-rebuilt; emitter-appended) ---
"""Pipeline reference for scband-occ-lovasz-loss-7610682049188 (READ-ONLY COPY).

The authoritative reference and input builder live on the scoring server;
editing this copy changes nothing except your own understanding.
"""

import jax, jax.numpy as jnp
import numpy as np


def setup_inputs(seed: int = 0) -> dict:
    key = jax.random.key(seed)
    k1, k2 = jax.random.split(key)
    cls_score = jax.random.normal(k1, (2, 18, 200, 200, 16), dtype=jnp.float32)
    label = jax.random.randint(k2, (2, 200, 200, 16), 0, 18, dtype=jnp.int32)
    return {"cls_score": cls_score, "label": label}


def _lovasz_softmax_loss(probs, labels, C, loss_weight=1.0):
    # probs: [P, C] softmax probabilities, labels: [P] int
    total = jnp.asarray(0.0, dtype=probs.dtype)
    count = jnp.asarray(0.0, dtype=probs.dtype)
    for c in range(C):
        fg = (labels == c).astype(probs.dtype)
        errors = jnp.abs(fg - probs[:, c])
        perm = jnp.argsort(-errors)  # descending sort of errors
        errors_sorted = errors[perm]
        fg_sorted = fg[perm]
        gts = jnp.sum(fg_sorted)
        intersection = gts - jnp.cumsum(fg_sorted)
        union = gts + jnp.cumsum(1.0 - fg_sorted)
        jaccard = 1.0 - intersection / union
        jaccard = jnp.concatenate([jaccard[:1], jaccard[1:] - jaccard[:-1]])
        loss_c = jnp.dot(errors_sorted, jaccard)
        present = (gts > 0).astype(probs.dtype)  # classes='present'
        total = total + loss_c * present
        count = count + present
    return loss_weight * total / jnp.maximum(count, 1.0)


def reference(cls_score, label):
    # OccLovaszLoss.forward: softmax over class dim, flatten 5D -> [P, C],
    # multi-class Lovasz-Softmax with classes='present', per_sample=False,
    # reduction='none' (returns scalar batch loss), loss_weight=1.0,
    # ignore_index=255 (no labels equal 255 here, so all voxels are valid).
    C = cls_score.shape[1]
    probs = jax.nn.softmax(cls_score, axis=1)
    probs = jnp.moveaxis(probs, 1, -1).reshape(-1, C)
    labels = label.reshape(-1)
    return _lovasz_softmax_loss(probs, labels, C, loss_weight=1.0)

if __name__ == "__main__":
    import jax
    _d = setup_inputs()
    print(jax.jit(kernel)(*tuple(_d.values())))

</pallas_src>

<mosaic_0001>
#map = affine_map<(d0, d1) -> (0)>
#map1 = affine_map<(d0, d1) -> (0, 0)>
module attributes {stable_mosaic.version = 14 : i64} {
  func.func @_sc_body(%arg0: i32, %arg1: i32, %arg2: memref<5760000xi32, #tpu.memory_space<hbm>>, %arg3: memref<32x73728xf32, #tpu.memory_space<hbm>>, %arg4: memref<73728xf32, #tpu.memory_space<vmem>>, %arg5: memref<20000xi32, #tpu.memory_space<vmem>>, %arg6: memref<!tpu.dma_semaphore, #tpu.memory_space<semaphore_mem>>, %arg7: memref<!tpu.dma_semaphore, #tpu.memory_space<semaphore_mem>>) attributes {dimension_semantics = [#tpu.dimension_semantics<core_parallel>, #tpu.dimension_semantics<subcore_parallel>], iteration_bounds = array<i64: 2, 16>, scalar_prefetch = 0 : i64, scratch_operands = 4 : i64, tpu.core_type = #tpu.core_type<sc_vector_subcore>, window_params = [{transform_indices = #map}, {transform_indices = #map1}]} {
    %mul3A = arith.constant 2 : i32
    %mul3A_0 = arith.muli %arg1, %mul3A : i32
    %add3A = arith.addi %mul3A_0, %arg0 : i32
    %jit3A = arith.constant 16 : i32
    %div3A = arith.divsi %add3A, %jit3A : i32
    %sign3A = arith.constant 0 : i32
    %sign3A_1 = arith.cmpi sgt, %add3A, %sign3A : i32
    %sign3A_2 = arith.extui %sign3A_1 : i1 to i32
    %sign3A_3 = arith.constant 0 : i32
    %sign3A_4 = arith.cmpi slt, %add3A, %sign3A_3 : i32
    %sign3A_5 = arith.extui %sign3A_4 : i1 to i32
    %sign3A_6 = arith.subi %sign3A_2, %sign3A_5 : i32
    %sign3A_7 = arith.constant 0 : i32
    %sign3A_8 = arith.cmpi sgt, %jit3A, %sign3A_7 : i32
    %sign3A_9 = arith.extui %sign3A_8 : i1 to i32
    %sign3A_10 = arith.constant 0 : i32
    %sign3A_11 = arith.cmpi slt, %jit3A, %sign3A_10 : i32
    %sign3A_12 = arith.extui %sign3A_11 : i1 to i32
    %sign3A_13 = arith.subi %sign3A_9, %sign3A_12 : i32
    %ne3A = arith.cmpi ne, %sign3A_6, %sign3A_13 : i32
    %rem3A = arith.remsi %add3A, %jit3A : i32
    %ne3A_14 = arith.constant 0 : i32
    %ne3A_15 = arith.cmpi ne, %rem3A, %ne3A_14 : i32
    %and3A = arith.andi %ne3A, %ne3A_15 : i1
    %sub3A = arith.constant 1 : i32
    %sub3A_16 = arith.subi %div3A, %sub3A : i32
    %select_n3A = arith.select %and3A, %sub3A_16, %div3A : i32
    %mul3A_17 = arith.constant 2880000 : i32
    %mul3A_18 = arith.muli %select_n3A, %mul3A_17 : i32
    %jit3A_19 = arith.constant 16 : i32
    %eq3A = arith.constant 0 : i32
    %eq3A_20 = arith.cmpi eq, %jit3A_19, %eq3A : i32
    %jit3A_21 = arith.constant 1 : i32
    %select_n3A_22 = arith.select %eq3A_20, %jit3A_21, %jit3A_19 : i32
    %rem3A_23 = arith.remsi %add3A, %select_n3A_22 : i32
    %ne3A_24 = arith.constant 0 : i32
    %ne3A_25 = arith.cmpi ne, %rem3A_23, %ne3A_24 : i32
    %lt3A = arith.constant 0 : i32
    %lt3A_26 = arith.cmpi slt, %rem3A_23, %lt3A : i32
    %lt3A_27 = arith.constant 0 : i32
    %lt3A_28 = arith.cmpi slt, %select_n3A_22, %lt3A_27 : i32
    %ne3A_29 = arith.xori %lt3A_26, %lt3A_28 : i1
    %and3A_30 = arith.andi %ne3A_29, %ne3A_25 : i1
    %add3A_31 = arith.addi %rem3A_23, %select_n3A_22 : i32
    %select_n3A_32 = arith.select %and3A_30, %add3A_31, %rem3A_23 : i32
    %mul3A_33 = arith.constant 10000 : i32
    %mul3A_34 = arith.muli %select_n3A_32, %mul3A_33 : i32
    %add3A_35 = arith.addi %mul3A_18, %mul3A_34 : i32
    %scan3A = arith.constant 0 : i32
    %scan3A_36 = arith.constant 0 : i32
    %scan3A_37 = arith.constant 4608 : i32
    %scan3A_38 = arith.addi %scan3A_36, %scan3A_37 : i32
    %scan3A_39 = arith.constant 1 : i32
    scf.for %scan3A_399 = %scan3A_36 to %scan3A_38 step %scan3A_39  : i32 {
      %broadcast_in_dim3A = arith.constant 0.000000e+00 : f32
      %broadcast_in_dim3A_400 = vector.broadcast %broadcast_in_dim3A : f32 to vector<16xf32>
      %mul3A_401 = arith.constant 16 : i32
      %mul3A_402 = arith.muli %scan3A_399, %mul3A_401 : i32
      %swap3A = arith.index_cast %mul3A_402 : i32 to index
      %swap3A_403 = tpu.vector_load %arg4[%swap3A] {strides = array<i32>} : memref<73728xf32, #tpu.memory_space<vmem>>, vector<16xf32>,
      tpu.vector_store %arg4[%swap3A], %broadcast_in_dim3A_400 {strides = array<i32>} : memref<73728xf32, #tpu.memory_space<vmem>>, vector<16xf32>,
    }
    %scan3A_40 = arith.constant 4608 : i32
    %add3A_41 = arith.constant 0 : i32
    %add3A_42 = arith.addi %add3A_35, %add3A_41 : i32
    %dma_start3A = arith.constant 0 : i32
    %dma_start3A_43 = tpu.memref_slice %arg5[%dma_start3A] : memref<20000xi32, #tpu.memory_space<vmem>> -> memref<10000xi32, #tpu.memory_space<vmem>>
    %dma_start3A_44 = tpu.memref_slice %arg2[%add3A_42] : memref<5760000xi32, #tpu.memory_space<hbm>> -> memref<10000xi32, #tpu.memory_space<hbm>>
    %dma_start3A_45 = arith.constant 0 : i32
    %dma_start3A_46 = tpu.memref_slice %arg5[%dma_start3A_45] : memref<20000xi32, #tpu.memory_space<vmem>> -> memref<10000xi32, #tpu.memory_space<vmem>>
    %dma_start3A_47 = tpu.memref_slice %arg2[%add3A_42] : memref<5760000xi32, #tpu.memory_space<hbm>> -> memref<10000xi32, #tpu.memory_space<hbm>>
    tpu.enqueue_dma source(%dma_start3A_47 : memref<10000xi32, #tpu.memory_space<hbm>>) target(%dma_start3A_46 : memref<10000xi32, #tpu.memory_space<vmem>>) target_semaphore(%arg6 : memref<!tpu.dma_semaphore, #tpu.memory_space<semaphore_mem>>)
    %add3A_48 = arith.constant 160000 : i32
    %add3A_49 = arith.addi %add3A_35, %add3A_48 : i32
    %dma_start3A_50 = arith.constant 10000 : i32
    %dma_start3A_51 = tpu.memref_slice %arg5[%dma_start3A_50] : memref<20000xi32, #tpu.memory_space<vmem>> -> memref<10000xi32, #tpu.memory_space<vmem>>
    %dma_start3A_52 = tpu.memref_slice %arg2[%add3A_49] : memref<5760000xi32, #tpu.memory_space<hbm>> -> memref<10000xi32, #tpu.memory_space<hbm>>
    %dma_start3A_53 = arith.constant 10000 : i32
    %dma_start3A_54 = tpu.memref_slice %arg5[%dma_start3A_53] : memref<20000xi32, #tpu.memory_space<vmem>> -> memref<10000xi32, #tpu.memory_space<vmem>>
    %dma_start3A_55 = tpu.memref_slice %arg2[%add3A_49] : memref<5760000xi32, #tpu.memory_space<hbm>> -> memref<10000xi32, #tpu.memory_space<hbm>>
    tpu.enqueue_dma source(%dma_start3A_55 : memref<10000xi32, #tpu.memory_space<hbm>>) target(%dma_start3A_54 : memref<10000xi32, #tpu.memory_space<vmem>>) target_semaphore(%arg7 : memref<!tpu.dma_semaphore, #tpu.memory_space<semaphore_mem>>)
    %dma_wait3A = arith.constant 0 : i32
    %dma_wait3A_56 = tpu.memref_slice %arg5[%dma_wait3A] : memref<20000xi32, #tpu.memory_space<vmem>> -> memref<10000xi32, #tpu.memory_space<vmem>>
    %dma_wait3A_57 = tpu.memref_slice %arg2[%add3A_42] : memref<5760000xi32, #tpu.memory_space<hbm>> -> memref<10000xi32, #tpu.memory_space<hbm>>
    %dma_wait3A_58 = arith.constant 0 : i32
    %dma_wait3A_59 = tpu.memref_slice %arg5[%dma_wait3A_58] : memref<20000xi32, #tpu.memory_space<vmem>> -> memref<10000xi32, #tpu.memory_space<vmem>>
    %dma_wait3A_60 = tpu.memref_slice %arg2[%add3A_42] : memref<5760000xi32, #tpu.memory_space<hbm>> -> memref<10000xi32, #tpu.memory_space<hbm>>
    tpu.wait_dma2 semaphore(%arg6 : memref<!tpu.dma_semaphore, #tpu.memory_space<semaphore_mem>>) src(%dma_wait3A_60 : memref<10000xi32, #tpu.memory_space<hbm>>) dst(%dma_wait3A_59 : memref<10000xi32, #tpu.memory_space<vmem>>)
    %scan3A_61 = arith.constant 0 : i32
    %scan3A_62 = arith.constant 0 : i32
    %scan3A_63 = arith.constant 625 : i32
    %scan3A_64 = arith.addi %scan3A_62, %scan3A_63 : i32
    %scan3A_65 = arith.constant 1 : i32
    scf.for %scan3A_399 = %scan3A_62 to %scan3A_64 step %scan3A_65  : i32 {
      %iota3A = tpu.iota {dimensions = array<i32: 0>} : vector<16xi32>
      %mul3A_400 = arith.constant 4608 : i32
      %mul3A_401 = vector.broadcast %mul3A_400 : i32 to vector<16xi32>
      %mul3A_402 = arith.muli %iota3A, %mul3A_401 : vector<16xi32>
      %broadcast_in_dim3A = arith.constant 1.000000e+00 : f32
      %broadcast_in_dim3A_403 = vector.broadcast %broadcast_in_dim3A : f32 to vector<16xf32>
      %mul3A_404 = arith.constant 16 : i32
      %mul3A_405 = arith.muli %scan3A_399, %mul3A_404 : i32
      %add3A_406 = arith.constant 0 : i32
      %add3A_407 = arith.addi %add3A_406, %mul3A_405 : i32
      %get3A = arith.index_cast %add3A_407 : i32 to index
      %get3A_408 = tpu.vector_load %arg5[%get3A] {strides = array<i32>} : memref<20000xi32, #tpu.memory_space<vmem>>, vector<16xi32>,
      %shift_right_arithmetic3A = arith.constant 0 : i32
      %shift_right_arithmetic3A_409 = vector.broadcast %shift_right_arithmetic3A : i32 to vector<16xi32>
      %shift_right_arithmetic3A_410 = arith.shrsi %get3A_408, %shift_right_arithmetic3A_409 : vector<16xi32>
      %and3A_411 = arith.constant 255 : i32
      %and3A_412 = vector.broadcast %and3A_411 : i32 to vector<16xi32>
      %and3A_413 = arith.andi %shift_right_arithmetic3A_410, %and3A_412 : vector<16xi32>
      %shift_right_arithmetic3A_414 = arith.constant 7 : i32
      %shift_right_arithmetic3A_415 = vector.broadcast %shift_right_arithmetic3A_414 : i32 to vector<16xi32>
      %shift_right_arithmetic3A_416 = arith.shrsi %and3A_413, %shift_right_arithmetic3A_415 : vector<16xi32>
      %mul3A_417 = arith.constant 2304 : i32
      %mul3A_418 = vector.broadcast %mul3A_417 : i32 to vector<16xi32>
      %mul3A_419 = arith.muli %shift_right_arithmetic3A_416, %mul3A_418 : vector<16xi32>
      %and3A_420 = arith.constant 127 : i32
      %and3A_421 = vector.broadcast %and3A_420 : i32 to vector<16xi32>
      %and3A_422 = arith.andi %and3A_413, %and3A_421 : vector<16xi32>
      %add3A_423 = arith.addi %mul3A_402, %mul3A_419 : vector<16xi32>
      %add3A_424 = arith.constant 0 : i32
      %add3A_425 = vector.broadcast %add3A_424 : i32 to vector<16xi32>
      %add3A_426 = arith.addi %and3A_422, %add3A_425 : vector<16xi32>
      %add3A_427 = arith.addi %add3A_423, %add3A_426 : vector<16xi32>
      tpu.vector_store_idx %arg4[%add3A_427], %broadcast_in_dim3A_403 {add = true} : memref<73728xf32, #tpu.memory_space<vmem>>[vector<16xi32>], vector<16xf32>,
      %shift_right_arithmetic3A_428 = arith.constant 8 : i32
      %shift_right_arithmetic3A_429 = vector.broadcast %shift_right_arithmetic3A_428 : i32 to vector<16xi32>
      %shift_right_arithmetic3A_430 = arith.shrsi %get3A_408, %shift_right_arithmetic3A_429 : vector<16xi32>
      %and3A_431 = arith.constant 255 : i32
      %and3A_432 = vector.broadcast %and3A_431 : i32 to vector<16xi32>
      %and3A_433 = arith.andi %shift_right_arithmetic3A_430, %and3A_432 : vector<16xi32>
      %shift_right_arithmetic3A_434 = arith.constant 7 : i32
      %shift_right_arithmetic3A_435 = vector.broadcast %shift_right_arithmetic3A_434 : i32 to vector<16xi32>
      %shift_right_arithmetic3A_436 = arith.shrsi %and3A_433, %shift_right_arithmetic3A_435 : vector<16xi32>
      %mul3A_437 = arith.constant 2304 : i32
      %mul3A_438 = vector.broadcast %mul3A_437 : i32 to vector<16xi32>
      %mul3A_439 = arith.muli %shift_right_arithmetic3A_436, %mul3A_438 : vector<16xi32>
      %and3A_440 = arith.constant 127 : i32
      %and3A_441 = vector.broadcast %and3A_440 : i32 to vector<16xi32>
      %and3A_442 = arith.andi %and3A_433, %and3A_441 : vector<16xi32>
      %add3A_443 = arith.addi %mul3A_402, %mul3A_439 : vector<16xi32>
      %add3A_444 = arith.constant 0 : i32
      %add3A_445 = vector.broadcast %add3A_444 : i32 to vector<16xi32>
      %add3A_446 = arith.addi %and3A_442, %add3A_445 : vector<16xi32>
      %add3A_447 = arith.addi %add3A_443, %add3A_446 : vector<16xi32>
      tpu.vector_store_idx %arg4[%add3A_447], %broadcast_in_dim3A_403 {add = true} : memref<73728xf32, #tpu.memory_space<vmem>>[vector<16xi32>], vector<16xf32>,
      %shift_right_arithmetic3A_448 = arith.constant 16 : i32
      %shift_right_arithmetic3A_449 = vector.broadcast %shift_right_arithmetic3A_448 : i32 to vector<16xi32>
      %shift_right_arithmetic3A_450 = arith.shrsi %get3A_408, %shift_right_arithmetic3A_449 : vector<16xi32>
      %and3A_451 = arith.constant 255 : i32
      %and3A_452 = vector.broadcast %and3A_451 : i32 to vector<16xi32>
      %and3A_453 = arith.andi %shift_right_arithmetic3A_450, %and3A_452 : vector<16xi32>
      %shift_right_arithmetic3A_454 = arith.constant 7 : i32
      %shift_right_arithmetic3A_455 = vector.broadcast %shift_right_arithmetic3A_454 : i32 to vector<16xi32>
      %shift_right_arithmetic3A_456 = arith.shrsi %and3A_453, %shift_right_arithmetic3A_455 : vector<16xi32>
      %mul3A_457 = arith.constant 2304 : i32
      %mul3A_458 = vector.broadcast %mul3A_457 : i32 to vector<16xi32>
      %mul3A_459 = arith.muli %shift_right_arithmetic3A_456, %mul3A_458 : vector<16xi32>
      %and3A_460 = arith.constant 127 : i32
      %and3A_461 = vector.broadcast %and3A_460 : i32 to vector<16xi32>
      %and3A_462 = arith.andi %and3A_453, %and3A_461 : vector<16xi32>
      %add3A_463 = arith.addi %mul3A_402, %mul3A_459 : vector<16xi32>
      %add3A_464 = arith.constant 0 : i32
      %add3A_465 = vector.broadcast %add3A_464 : i32 to vector<16xi32>
      %add3A_466 = arith.addi %and3A_462, %add3A_465 : vector<16xi32>
      %add3A_467 = arith.addi %add3A_463, %add3A_466 : vector<16xi32>
      tpu.vector_store_idx %arg4[%add3A_467], %broadcast_in_dim3A_403 {add = true} : memref<73728xf32, #tpu.memory_space<vmem>>[vector<16xi32>], vector<16xf32>,
      %shift_right_arithmetic3A_468 = arith.constant 24 : i32
      %shift_right_arithmetic3A_469 = vector.broadcast %shift_right_arithmetic3A_468 : i32 to vector<16xi32>
      %shift_right_arithmetic3A_470 = arith.shrsi %get3A_408, %shift_right_arithmetic3A_469 : vector<16xi32>
      %and3A_471 = arith.constant 255 : i32
      %and3A_472 = vector.broadcast %and3A_471 : i32 to vector<16xi32>
      %and3A_473 = arith.andi %shift_right_arithmetic3A_470, %and3A_472 : vector<16xi32>
      %shift_right_arithmetic3A_474 = arith.constant 7 : i32
      %shift_right_arithmetic3A_475 = vector.broadcast %shift_right_arithmetic3A_474 : i32 to vector<16xi32>
      %shift_right_arithmetic3A_476 = arith.shrsi %and3A_473, %shift_right_arithmetic3A_475 : vector<16xi32>
      %mul3A_477 = arith.constant 2304 : i32
      %mul3A_478 = vector.broadcast %mul3A_477 : i32 to vector<16xi32>
      %mul3A_479 = arith.muli %shift_right_arithmetic3A_476, %mul3A_478 : vector<16xi32>
      %and3A_480 = arith.constant 127 : i32
      %and3A_481 = vector.broadcast %and3A_480 : i32 to vector<16xi32>
      %and3A_482 = arith.andi %and3A_473, %and3A_481 : vector<16xi32>
      %add3A_483 = arith.addi %mul3A_402, %mul3A_479 : vector<16xi32>
      %add3A_484 = arith.constant 0 : i32
      %add3A_485 = vector.broadcast %add3A_484 : i32 to vector<16xi32>
      %add3A_486 = arith.addi %and3A_482, %add3A_485 : vector<16xi32>
      %add3A_487 = arith.addi %add3A_483, %add3A_486 : vector<16xi32>
      tpu.vector_store_idx %arg4[%add3A_487], %broadcast_in_dim3A_403 {add = true} : memref<73728xf32, #tpu.memory_space<vmem>>[vector<16xi32>], vector<16xf32>,
    }
    %scan3A_66 = arith.constant 625 : i32
    %add3A_67 = arith.constant 320000 : i32
    %add3A_68 = arith.addi %add3A_35, %add3A_67 : i32
    %dma_start3A_69 = arith.constant 0 : i32
    %dma_start3A_70 = tpu.memref_slice %arg5[%dma_start3A_69] : memref<20000xi32, #tpu.memory_space<vmem>> -> memref<10000xi32, #tpu.memory_space<vmem>>
    %dma_start3A_71 = tpu.memref_slice %arg2[%add3A_68] : memref<5760000xi32, #tpu.memory_space<hbm>> -> memref<10000xi32, #tpu.memory_space<hbm>>
    %dma_start3A_72 = arith.constant 0 : i32
    %dma_start3A_73 = tpu.memref_slice %arg5[%dma_start3A_72] : memref<20000xi32, #tpu.memory_space<vmem>> -> memref<10000xi32, #tpu.memory_space<vmem>>
    %dma_start3A_74 = tpu.memref_slice %arg2[%add3A_68] : memref<5760000xi32, #tpu.memory_space<hbm>> -> memref<10000xi32, #tpu.memory_space<hbm>>
    tpu.enqueue_dma source(%dma_start3A_74 : memref<10000xi32, #tpu.memory_space<hbm>>) target(%dma_start3A_73 : memref<10000xi32, #tpu.memory_space<vmem>>) target_semaphore(%arg6 : memref<!tpu.dma_semaphore, #tpu.memory_space<semaphore_mem>>)
    %dma_wait3A_75 = arith.constant 10000 : i32
    %dma_wait3A_76 = tpu.memref_slice %arg5[%dma_wait3A_75] : memref<20000xi32, #tpu.memory_space<vmem>> -> memref<10000xi32, #tpu.memory_space<vmem>>
    %dma_wait3A_77 = tpu.memref_slice %arg2[%add3A_49] : memref<5760000xi32, #tpu.memory_space<hbm>> -> memref<10000xi32, #tpu.memory_space<hbm>>
    %dma_wait3A_78 = arith.constant 10000 : i32
    %dma_wait3A_79 = tpu.memref_slice %arg5[%dma_wait3A_78] : memref<20000xi32, #tpu.memory_space<vmem>> -> memref<10000xi32, #tpu.memory_space<vmem>>
    %dma_wait3A_80 = tpu.memref_slice %arg2[%add3A_49] : memref<5760000xi32, #tpu.memory_space<hbm>> -> memref<10000xi32, #tpu.memory_space<hbm>>
    tpu.wait_dma2 semaphore(%arg7 : memref<!tpu.dma_semaphore, #tpu.memory_space<semaphore_mem>>) src(%dma_wait3A_80 : memref<10000xi32, #tpu.memory_space<hbm>>) dst(%dma_wait3A_79 : memref<10000xi32, #tpu.memory_space<vmem>>)
    %scan3A_81 = arith.constant 0 : i32
    %scan3A_82 = arith.constant 0 : i32
    %scan3A_83 = arith.constant 625 : i32
    %scan3A_84 = arith.addi %scan3A_82, %scan3A_83 : i32
    %scan3A_85 = arith.constant 1 : i32
    scf.for %scan3A_399 = %scan3A_82 to %scan3A_84 step %scan3A_85  : i32 {
      %iota3A = tpu.iota {dimensions = array<i32: 0>} : vector<16xi32>
      %mul3A_400 = arith.constant 4608 : i32
      %mul3A_401 = vector.broadcast %mul3A_400 : i32 to vector<16xi32>
      %mul3A_402 = arith.muli %iota3A, %mul3A_401 : vector<16xi32>
      %broadcast_in_dim3A = arith.constant 1.000000e+00 : f32
      %broadcast_in_dim3A_403 = vector.broadcast %broadcast_in_dim3A : f32 to vector<16xf32>
      %mul3A_404 = arith.constant 16 : i32
      %mul3A_405 = arith.muli %scan3A_399, %mul3A_404 : i32
      %add3A_406 = arith.constant 10000 : i32
      %add3A_407 = arith.addi %add3A_406, %mul3A_405 : i32
      %get3A = arith.index_cast %add3A_407 : i32 to index
      %get3A_408 = tpu.vector_load %arg5[%get3A] {strides = array<i32>} : memref<20000xi32, #tpu.memory_space<vmem>>, vector<16xi32>,
      %shift_right_arithmetic3A = arith.constant 0 : i32
      %shift_right_arithmetic3A_409 = vector.broadcast %shift_right_arithmetic3A : i32 to vector<16xi32>
      %shift_right_arithmetic3A_410 = arith.shrsi %get3A_408, %shift_right_arithmetic3A_409 : vector<16xi32>
      %and3A_411 = arith.constant 255 : i32
      %and3A_412 = vector.broadcast %and3A_411 : i32 to vector<16xi32>
      %and3A_413 = arith.andi %shift_right_arithmetic3A_410, %and3A_412 : vector<16xi32>
      %shift_right_arithmetic3A_414 = arith.constant 7 : i32
      %shift_right_arithmetic3A_415 = vector.broadcast %shift_right_arithmetic3A_414 : i32 to vector<16xi32>
      %shift_right_arithmetic3A_416 = arith.shrsi %and3A_413, %shift_right_arithmetic3A_415 : vector<16xi32>
      %mul3A_417 = arith.constant 2304 : i32
      %mul3A_418 = vector.broadcast %mul3A_417 : i32 to vector<16xi32>
      %mul3A_419 = arith.muli %shift_right_arithmetic3A_416, %mul3A_418 : vector<16xi32>
      %and3A_420 = arith.constant 127 : i32
      %and3A_421 = vector.broadcast %and3A_420 : i32 to vector<16xi32>
      %and3A_422 = arith.andi %and3A_413, %and3A_421 : vector<16xi32>
      %add3A_423 = arith.addi %mul3A_402, %mul3A_419 : vector<16xi32>
      %add3A_424 = arith.constant 128 : i32
      %add3A_425 = vector.broadcast %add3A_424 : i32 to vector<16xi32>
      %add3A_426 = arith.addi %and3A_422, %add3A_425 : vector<16xi32>
      %add3A_427 = arith.addi %add3A_423, %add3A_426 : vector<16xi32>
      tpu.vector_store_idx %arg4[%add3A_427], %broadcast_in_dim3A_403 {add = true} : memref<73728xf32, #tpu.memory_space<vmem>>[vector<16xi32>], vector<16xf32>,
      %shift_right_arithmetic3A_428 = arith.constant 8 : i32
      %shift_right_arithmetic3A_429 = vector.broadcast %shift_right_arithmetic3A_428 : i32 to vector<16xi32>
      %shift_right_arithmetic3A_430 = arith.shrsi %get3A_408, %shift_right_arithmetic3A_429 : vector<16xi32>
      %and3A_431 = arith.constant 255 : i32
      %and3A_432 = vector.broadcast %and3A_431 : i32 to vector<16xi32>
      %and3A_433 = arith.andi %shift_right_arithmetic3A_430, %and3A_432 : vector<16xi32>
      %shift_right_arithmetic3A_434 = arith.constant 7 : i32
      %shift_right_arithmetic3A_435 = vector.broadcast %shift_right_arithmetic3A_434 : i32 to vector<16xi32>
      %shift_right_arithmetic3A_436 = arith.shrsi %and3A_433, %shift_right_arithmetic3A_435 : vector<16xi32>
      %mul3A_437 = arith.constant 2304 : i32
      %mul3A_438 = vector.broadcast %mul3A_437 : i32 to vector<16xi32>
      %mul3A_439 = arith.muli %shift_right_arithmetic3A_436, %mul3A_438 : vector<16xi32>
      %and3A_440 = arith.constant 127 : i32
      %and3A_441 = vector.broadcast %and3A_440 : i32 to vector<16xi32>
      %and3A_442 = arith.andi %and3A_433, %and3A_441 : vector<16xi32>
      %add3A_443 = arith.addi %mul3A_402, %mul3A_439 : vector<16xi32>
      %add3A_444 = arith.constant 128 : i32
      %add3A_445 = vector.broadcast %add3A_444 : i32 to vector<16xi32>
      %add3A_446 = arith.addi %and3A_442, %add3A_445 : vector<16xi32>
      %add3A_447 = arith.addi %add3A_443, %add3A_446 : vector<16xi32>
      tpu.vector_store_idx %arg4[%add3A_447], %broadcast_in_dim3A_403 {add = true} : memref<73728xf32, #tpu.memory_space<vmem>>[vector<16xi32>], vector<16xf32>,
      %shift_right_arithmetic3A_448 = arith.constant 16 : i32
      %shift_right_arithmetic3A_449 = vector.broadcast %shift_right_arithmetic3A_448 : i32 to vector<16xi32>
      %shift_right_arithmetic3A_450 = arith.shrsi %get3A_408, %shift_right_arithmetic3A_449 : vector<16xi32>
      %and3A_451 = arith.constant 255 : i32
      %and3A_452 = vector.broadcast %and3A_451 : i32 to vector<16xi32>
      %and3A_453 = arith.andi %shift_right_arithmetic3A_450, %and3A_452 : vector<16xi32>
      %shift_right_arithmetic3A_454 = arith.constant 7 : i32
      %shift_right_arithmetic3A_455 = vector.broadcast %shift_right_arithmetic3A_454 : i32 to vector<16xi32>
      %shift_right_arithmetic3A_456 = arith.shrsi %and3A_453, %shift_right_arithmetic3A_455 : vector<16xi32>
      %mul3A_457 = arith.constant 2304 : i32
      %mul3A_458 = vector.broadcast %mul3A_457 : i32 to vector<16xi32>
      %mul3A_459 = arith.muli %shift_right_arithmetic3A_456, %mul3A_458 : vector<16xi32>
      %and3A_460 = arith.constant 127 : i32
      %and3A_461 = vector.broadcast %and3A_460 : i32 to vector<16xi32>
      %and3A_462 = arith.andi %and3A_453, %and3A_461 : vector<16xi32>
      %add3A_463 = arith.addi %mul3A_402, %mul3A_459 : vector<16xi32>
      %add3A_464 = arith.constant 128 : i32
      %add3A_465 = vector.broadcast %add3A_464 : i32 to vector<16xi32>
      %add3A_466 = arith.addi %and3A_462, %add3A_465 : vector<16xi32>
      %add3A_467 = arith.addi %add3A_463, %add3A_466 : vector<16xi32>
      tpu.vector_store_idx %arg4[%add3A_467], %broadcast_in_dim3A_403 {add = true} : memref<73728xf32, #tpu.memory_space<vmem>>[vector<16xi32>], vector<16xf32>,
      %shift_right_arithmetic3A_468 = arith.constant 24 : i32
      %shift_right_arithmetic3A_469 = vector.broadcast %shift_right_arithmetic3A_468 : i32 to vector<16xi32>
      %shift_right_arithmetic3A_470 = arith.shrsi %get3A_408, %shift_right_arithmetic3A_469 : vector<16xi32>
      %and3A_471 = arith.constant 255 : i32
      %and3A_472 = vector.broadcast %and3A_471 : i32 to vector<16xi32>
      %and3A_473 = arith.andi %shift_right_arithmetic3A_470, %and3A_472 : vector<16xi32>
      %shift_right_arithmetic3A_474 = arith.constant 7 : i32
      %shift_right_arithmetic3A_475 = vector.broadcast %shift_right_arithmetic3A_474 : i32 to vector<16xi32>
      %shift_right_arithmetic3A_476 = arith.shrsi %and3A_473, %shift_right_arithmetic3A_475 : vector<16xi32>
      %mul3A_477 = arith.constant 2304 : i32
      %mul3A_478 = vector.broadcast %mul3A_477 : i32 to vector<16xi32>
      %mul3A_479 = arith.muli %shift_right_arithmetic3A_476, %mul3A_478 : vector<16xi32>
      %and3A_480 = arith.constant 127 : i32
      %and3A_481 = vector.broadcast %and3A_480 : i32 to vector<16xi32>
      %and3A_482 = arith.andi %and3A_473, %and3A_481 : vector<16xi32>
      %add3A_483 = arith.addi %mul3A_402, %mul3A_479 : vector<16xi32>
      %add3A_484 = arith.constant 128 : i32
      %add3A_485 = vector.broadcast %add3A_484 : i32 to vector<16xi32>
      %add3A_486 = arith.addi %and3A_482, %add3A_485 : vector<16xi32>
      %add3A_487 = arith.addi %add3A_483, %add3A_486 : vector<16xi32>
      tpu.vector_store_idx %arg4[%add3A_487], %broadcast_in_dim3A_403 {add = true} : memref<73728xf32, #tpu.memory_space<vmem>>[vector<16xi32>], vector<16xf32>,
    }
    %scan3A_86 = arith.constant 625 : i32
    %add3A_87 = arith.constant 480000 : i32
    %add3A_88 = arith.addi %add3A_35, %add3A_87 : i32
    %dma_start3A_89 = arith.constant 10000 : i32
    %dma_start3A_90 = tpu.memref_slice %arg5[%dma_start3A_89] : memref<20000xi32, #tpu.memory_space<vmem>> -> memref<10000xi32, #tpu.memory_space<vmem>>
    %dma_start3A_91 = tpu.memref_slice %arg2[%add3A_88] : memref<5760000xi32, #tpu.memory_space<hbm>> -> memref<10000xi32, #tpu.memory_space<hbm>>
    %dma_start3A_92 = arith.constant 10000 : i32
    %dma_start3A_93 = tpu.memref_slice %arg5[%dma_start3A_92] : memref<20000xi32, #tpu.memory_space<vmem>> -> memref<10000xi32, #tpu.memory_space<vmem>>
    %dma_start3A_94 = tpu.memref_slice %arg2[%add3A_88] : memref<5760000xi32, #tpu.memory_space<hbm>> -> memref<10000xi32, #tpu.memory_space<hbm>>
    tpu.enqueue_dma source(%dma_start3A_94 : memref<10000xi32, #tpu.memory_space<hbm>>) target(%dma_start3A_93 : memref<10000xi32, #tpu.memory_space<vmem>>) target_semaphore(%arg7 : memref<!tpu.dma_semaphore, #tpu.memory_space<semaphore_mem>>)
    %dma_wait3A_95 = arith.constant 0 : i32
    %dma_wait3A_96 = tpu.memref_slice %arg5[%dma_wait3A_95] : memref<20000xi32, #tpu.memory_space<vmem>> -> memref<10000xi32, #tpu.memory_space<vmem>>
    %dma_wait3A_97 = tpu.memref_slice %arg2[%add3A_68] : memref<5760000xi32, #tpu.memory_space<hbm>> -> memref<10000xi32, #tpu.memory_space<hbm>>
    %dma_wait3A_98 = arith.constant 0 : i32
    %dma_wait3A_99 = tpu.memref_slice %arg5[%dma_wait3A_98] : memref<20000xi32, #tpu.memory_space<vmem>> -> memref<10000xi32, #tpu.memory_space<vmem>>
    %dma_wait3A_100 = tpu.memref_slice %arg2[%add3A_68] : memref<5760000xi32, #tpu.memory_space<hbm>> -> memref<10000xi32, #tpu.memory_space<hbm>>
    tpu.wait_dma2 semaphore(%arg6 : memref<!tpu.dma_semaphore, #tpu.memory_space<semaphore_mem>>) src(%dma_wait3A_100 : memref<10000xi32, #tpu.memory_space<hbm>>) dst(%dma_wait3A_99 : memref<10000xi32, #tpu.memory_space<vmem>>)
    %scan3A_101 = arith.constant 0 : i32
    %scan3A_102 = arith.constant 0 : i32
    %scan3A_103 = arith.constant 625 : i32
    %scan3A_104 = arith.addi %scan3A_102, %scan3A_103 : i32
    %scan3A_105 = arith.constant 1 : i32
    scf.for %scan3A_399 = %scan3A_102 to %scan3A_104 step %scan3A_105  : i32 {
      %iota3A = tpu.iota {dimensions = array<i32: 0>} : vector<16xi32>
      %mul3A_400 = arith.constant 4608 : i32
      %mul3A_401 = vector.broadcast %mul3A_400 : i32 to vector<16xi32>
      %mul3A_402 = arith.muli %iota3A, %mul3A_401 : vector<16xi32>
      %broadcast_in_dim3A = arith.constant 1.000000e+00 : f32
      %broadcast_in_dim3A_403 = vector.broadcast %broadcast_in_dim3A : f32 to vector<16xf32>
      %mul3A_404 = arith.constant 16 : i32
      %mul3A_405 = arith.muli %scan3A_399, %mul3A_404 : i32
      %add3A_406 = arith.constant 0 : i32
      %add3A_407 = arith.addi %add3A_406, %mul3A_405 : i32
      %get3A = arith.index_cast %add3A_407 : i32 to index
      %get3A_408 = tpu.vector_load %arg5[%get3A] {strides = array<i32>} : memref<20000xi32, #tpu.memory_space<vmem>>, vector<16xi32>,
      %shift_right_arithmetic3A = arith.constant 0 : i32
      %shift_right_arithmetic3A_409 = vector.broadcast %shift_right_arithmetic3A : i32 to vector<16xi32>
      %shift_right_arithmetic3A_410 = arith.shrsi %get3A_408, %shift_right_arithmetic3A_409 : vector<16xi32>
      %and3A_411 = arith.constant 255 : i32
      %and3A_412 = vector.broadcast %and3A_411 : i32 to vector<16xi32>
      %and3A_413 = arith.andi %shift_right_arithmetic3A_410, %and3A_412 : vector<16xi32>
      %shift_right_arithmetic3A_414 = arith.constant 7 : i32
      %shift_right_arithmetic3A_415 = vector.broadcast %shift_right_arithmetic3A_414 : i32 to vector<16xi32>
      %shift_right_arithmetic3A_416 = arith.shrsi %and3A_413, %shift_right_arithmetic3A_415 : vector<16xi32>
      %mul3A_417 = arith.constant 2304 : i32
      %mul3A_418 = vector.broadcast %mul3A_417 : i32 to vector<16xi32>
      %mul3A_419 = arith.muli %shift_right_arithmetic3A_416, %mul3A_418 : vector<16xi32>
      %and3A_420 = arith.constant 127 : i32
      %and3A_421 = vector.broadcast %and3A_420 : i32 to vector<16xi32>
      %and3A_422 = arith.andi %and3A_413, %and3A_421 : vector<16xi32>
      %add3A_423 = arith.addi %mul3A_402, %mul3A_419 : vector<16xi32>
      %add3A_424 = arith.constant 256 : i32
      %add3A_425 = vector.broadcast %add3A_424 : i32 to vector<16xi32>
      %add3A_426 = arith.addi %and3A_422, %add3A_425 : vector<16xi32>
      %add3A_427 = arith.addi %add3A_423, %add3A_426 : vector<16xi32>
      tpu.vector_store_idx %arg4[%add3A_427], %broadcast_in_dim3A_403 {add = true} : memref<73728xf32, #tpu.memory_space<vmem>>[vector<16xi32>], vector<16xf32>,
      %shift_right_arithmetic3A_428 = arith.constant 8 : i32
      %shift_right_arithmetic3A_429 = vector.broadcast %shift_right_arithmetic3A_428 : i32 to vector<16xi32>
      %shift_right_arithmetic3A_430 = arith.shrsi %get3A_408, %shift_right_arithmetic3A_429 : vector<16xi32>
      %and3A_431 = arith.constant 255 : i32
      %and3A_432 = vector.broadcast %and3A_431 : i32 to vector<16xi32>
      %and3A_433 = arith.andi %shift_right_arithmetic3A_430, %and3A_432 : vector<16xi32>
      %shift_right_arithmetic3A_434 = arith.constant 7 : i32
      %shift_right_arithmetic3A_435 = vector.broadcast %shift_right_arithmetic3A_434 : i32 to vector<16xi32>
      %shift_right_arithmetic3A_436 = arith.shrsi %and3A_433, %shift_right_arithmetic3A_435 : vector<16xi32>
      %mul3A_437 = arith.constant 2304 : i32
      %mul3A_438 = vector.broadcast %mul3A_437 : i32 to vector<16xi32>
      %mul3A_439 = arith.muli %shift_right_arithmetic3A_436, %mul3A_438 : vector<16xi32>
      %and3A_440 = arith.constant 127 : i32
      %and3A_441 = vector.broadcast %and3A_440 : i32 to vector<16xi32>
      %and3A_442 = arith.andi %and3A_433, %and3A_441 : vector<16xi32>
      %add3A_443 = arith.addi %mul3A_402, %mul3A_439 : vector<16xi32>
      %add3A_444 = arith.constant 256 : i32
      %add3A_445 = vector.broadcast %add3A_444 : i32 to vector<16xi32>
      %add3A_446 = arith.addi %and3A_442, %add3A_445 : vector<16xi32>
      %add3A_447 = arith.addi %add3A_443, %add3A_446 : vector<16xi32>
      tpu.vector_store_idx %arg4[%add3A_447], %broadcast_in_dim3A_403 {add = true} : memref<73728xf32, #tpu.memory_space<vmem>>[vector<16xi32>], vector<16xf32>,
      %shift_right_arithmetic3A_448 = arith.constant 16 : i32
      %shift_right_arithmetic3A_449 = vector.broadcast %shift_right_arithmetic3A_448 : i32 to vector<16xi32>
      %shift_right_arithmetic3A_450 = arith.shrsi %get3A_408, %shift_right_arithmetic3A_449 : vector<16xi32>
      %and3A_451 = arith.constant 255 : i32
      %and3A_452 = vector.broadcast %and3A_451 : i32 to vector<16xi32>
      %and3A_453 = arith.andi %shift_right_arithmetic3A_450, %and3A_452 : vector<16xi32>
      %shift_right_arithmetic3A_454 = arith.constant 7 : i32
      %shift_right_arithmetic3A_455 = vector.broadcast %shift_right_arithmetic3A_454 : i32 to vector<16xi32>
      %shift_right_arithmetic3A_456 = arith.shrsi %and3A_453, %shift_right_arithmetic3A_455 : vector<16xi32>
      %mul3A_457 = arith.constant 2304 : i32
      %mul3A_458 = vector.broadcast %mul3A_457 : i32 to vector<16xi32>
      %mul3A_459 = arith.muli %shift_right_arithmetic3A_456, %mul3A_458 : vector<16xi32>
      %and3A_460 = arith.constant 127 : i32
      %and3A_461 = vector.broadcast %and3A_460 : i32 to vector<16xi32>
      %and3A_462 = arith.andi %and3A_453, %and3A_461 : vector<16xi32>
      %add3A_463 = arith.addi %mul3A_402, %mul3A_459 : vector<16xi32>
      %add3A_464 = arith.constant 256 : i32
      %add3A_465 = vector.broadcast %add3A_464 : i32 to vector<16xi32>
      %add3A_466 = arith.addi %and3A_462, %add3A_465 : vector<16xi32>
      %add3A_467 = arith.addi %add3A_463, %add3A_466 : vector<16xi32>
      tpu.vector_store_idx %arg4[%add3A_467], %broadcast_in_dim3A_403 {add = true} : memref<73728xf32, #tpu.memory_space<vmem>>[vector<16xi32>], vector<16xf32>,
      %shift_right_arithmetic3A_468 = arith.constant 24 : i32
      %shift_right_arithmetic3A_469 = vector.broadcast %shift_right_arithmetic3A_468 : i32 to vector<16xi32>
      %shift_right_arithmetic3A_470 = arith.shrsi %get3A_408, %shift_right_arithmetic3A_469 : vector<16xi32>
      %and3A_471 = arith.constant 255 : i32
      %and3A_472 = vector.broadcast %and3A_471 : i32 to vector<16xi32>
      %and3A_473 = arith.andi %shift_right_arithmetic3A_470, %and3A_472 : vector<16xi32>
      %shift_right_arithmetic3A_474 = arith.constant 7 : i32
      %shift_right_arithmetic3A_475 = vector.broadcast %shift_right_arithmetic3A_474 : i32 to vector<16xi32>
      %shift_right_arithmetic3A_476 = arith.shrsi %and3A_473, %shift_right_arithmetic3A_475 : vector<16xi32>
      %mul3A_477 = arith.constant 2304 : i32
      %mul3A_478 = vector.broadcast %mul3A_477 : i32 to vector<16xi32>
      %mul3A_479 = arith.muli %shift_right_arithmetic3A_476, %mul3A_478 : vector<16xi32>
      %and3A_480 = arith.constant 127 : i32
      %and3A_481 = vector.broadcast %and3A_480 : i32 to vector<16xi32>
      %and3A_482 = arith.andi %and3A_473, %and3A_481 : vector<16xi32>
      %add3A_483 = arith.addi %mul3A_402, %mul3A_479 : vector<16xi32>
      %add3A_484 = arith.constant 256 : i32
      %add3A_485 = vector.broadcast %add3A_484 : i32 to vector<16xi32>
      %add3A_486 = arith.addi %and3A_482, %add3A_485 : vector<16xi32>
      %add3A_487 = arith.addi %add3A_483, %add3A_486 : vector<16xi32>
      tpu.vector_store_idx %arg4[%add3A_487], %broadcast_in_dim3A_403 {add = true} : memref<73728xf32, #tpu.memory_space<vmem>>[vector<16xi32>], vector<16xf32>,
    }
    %scan3A_106 = arith.constant 625 : i32
    %add3A_107 = arith.constant 640000 : i32
    %add3A_108 = arith.addi %add3A_35, %add3A_107 : i32
    %dma_start3A_109 = arith.constant 0 : i32
    %dma_start3A_110 = tpu.memref_slice %arg5[%dma_start3A_109] : memref<20000xi32, #tpu.memory_space<vmem>> -> memref<10000xi32, #tpu.memory_space<vmem>>
    %dma_start3A_111 = tpu.memref_slice %arg2[%add3A_108] : memref<5760000xi32, #tpu.memory_space<hbm>> -> memref<10000xi32, #tpu.memory_space<hbm>>
    %dma_start3A_112 = arith.constant 0 : i32
    %dma_start3A_113 = tpu.memref_slice %arg5[%dma_start3A_112] : memref<20000xi32, #tpu.memory_space<vmem>> -> memref<10000xi32, #tpu.memory_space<vmem>>
    %dma_start3A_114 = tpu.memref_slice %arg2[%add3A_108] : memref<5760000xi32, #tpu.memory_space<hbm>> -> memref<10000xi32, #tpu.memory_space<hbm>>
    tpu.enqueue_dma source(%dma_start3A_114 : memref<10000xi32, #tpu.memory_space<hbm>>) target(%dma_start3A_113 : memref<10000xi32, #tpu.memory_space<vmem>>) target_semaphore(%arg6 : memref<!tpu.dma_semaphore, #tpu.memory_space<semaphore_mem>>)
    %dma_wait3A_115 = arith.constant 10000 : i32
    %dma_wait3A_116 = tpu.memref_slice %arg5[%dma_wait3A_115] : memref<20000xi32, #tpu.memory_space<vmem>> -> memref<10000xi32, #tpu.memory_space<vmem>>
    %dma_wait3A_117 = tpu.memref_slice %arg2[%add3A_88] : memref<5760000xi32, #tpu.memory_space<hbm>> -> memref<10000xi32, #tpu.memory_space<hbm>>
    %dma_wait3A_118 = arith.constant 10000 : i32
    %dma_wait3A_119 = tpu.memref_slice %arg5[%dma_wait3A_118] : memref<20000xi32, #tpu.memory_space<vmem>> -> memref<10000xi32, #tpu.memory_space<vmem>>
    %dma_wait3A_120 = tpu.memref_slice %arg2[%add3A_88] : memref<5760000xi32, #tpu.memory_space<hbm>> -> memref<10000xi32, #tpu.memory_space<hbm>>
    tpu.wait_dma2 semaphore(%arg7 : memref<!tpu.dma_semaphore, #tpu.memory_space<semaphore_mem>>) src(%dma_wait3A_120 : memref<10000xi32, #tpu.memory_space<hbm>>) dst(%dma_wait3A_119 : memref<10000xi32, #tpu.memory_space<vmem>>)
    %scan3A_121 = arith.constant 0 : i32
    %scan3A_122 = arith.constant 0 : i32
    %scan3A_123 = arith.constant 625 : i32
    %scan3A_124 = arith.addi %scan3A_122, %scan3A_123 : i32
    %scan3A_125 = arith.constant 1 : i32
    scf.for %scan3A_399 = %scan3A_122 to %scan3A_124 step %scan3A_125  : i32 {
      %iota3A = tpu.iota {dimensions = array<i32: 0>} : vector<16xi32>
      %mul3A_400 = arith.constant 4608 : i32
      %mul3A_401 = vector.broadcast %mul3A_400 : i32 to vector<16xi32>
      %mul3A_402 = arith.muli %iota3A, %mul3A_401 : vector<16xi32>
      %broadcast_in_dim3A = arith.constant 1.000000e+00 : f32
      %broadcast_in_dim3A_403 = vector.broadcast %broadcast_in_dim3A : f32 to vector<16xf32>
      %mul3A_404 = arith.constant 16 : i32
      %mul3A_405 = arith.muli %scan3A_399, %mul3A_404 : i32
      %add3A_406 = arith.constant 10000 : i32
      %add3A_407 = arith.addi %add3A_406, %mul3A_405 : i32
      %get3A = arith.index_cast %add3A_407 : i32 to index
      %get3A_408 = tpu.vector_load %arg5[%get3A] {strides = array<i32>} : memref<20000xi32, #tpu.memory_space<vmem>>, vector<16xi32>,
      %shift_right_arithmetic3A = arith.constant 0 : i32
      %shift_right_arithmetic3A_409 = vector.broadcast %shift_right_arithmetic3A : i32 to vector<16xi32>
      %shift_right_arithmetic3A_410 = arith.shrsi %get3A_408, %shift_right_arithmetic3A_409 : vector<16xi32>
      %and3A_411 = arith.constant 255 : i32
      %and3A_412 = vector.broadcast %and3A_411 : i32 to vector<16xi32>
      %and3A_413 = arith.andi %shift_right_arithmetic3A_410, %and3A_412 : vector<16xi32>
      %shift_right_arithmetic3A_414 = arith.constant 7 : i32
      %shift_right_arithmetic3A_415 = vector.broadcast %shift_right_arithmetic3A_414 : i32 to vector<16xi32>
      %shift_right_arithmetic3A_416 = arith.shrsi %and3A_413, %shift_right_arithmetic3A_415 : vector<16xi32>
      %mul3A_417 = arith.constant 2304 : i32
      %mul3A_418 = vector.broadcast %mul3A_417 : i32 to vector<16xi32>
      %mul3A_419 = arith.muli %shift_right_arithmetic3A_416, %mul3A_418 : vector<16xi32>
      %and3A_420 = arith.constant 127 : i32
      %and3A_421 = vector.broadcast %and3A_420 : i32 to vector<16xi32>
      %and3A_422 = arith.andi %and3A_413, %and3A_421 : vector<16xi32>
      %add3A_423 = arith.addi %mul3A_402, %mul3A_419 : vector<16xi32>
      %add3A_424 = arith.constant 384 : i32
      %add3A_425 = vector.broadcast %add3A_424 : i32 to vector<16xi32>
      %add3A_426 = arith.addi %and3A_422, %add3A_425 : vector<16xi32>
      %add3A_427 = arith.addi %add3A_423, %add3A_426 : vector<16xi32>
      tpu.vector_store_idx %arg4[%add3A_427], %broadcast_in_dim3A_403 {add = true} : memref<73728xf32, #tpu.memory_space<vmem>>[vector<16xi32>], vector<16xf32>,
      %shift_right_arithmetic3A_428 = arith.constant 8 : i32
      %shift_right_arithmetic3A_429 = vector.broadcast %shift_right_arithmetic3A_428 : i32 to vector<16xi32>
      %shift_right_arithmetic3A_430 = arith.shrsi %get3A_408, %shift_right_arithmetic3A_429 : vector<16xi32>
      %and3A_431 = arith.constant 255 : i32
      %and3A_432 = vector.broadcast %and3A_431 : i32 to vector<16xi32>
      %and3A_433 = arith.andi %shift_right_arithmetic3A_430, %and3A_432 : vector<16xi32>
      %shift_right_arithmetic3A_434 = arith.constant 7 : i32
      %shift_right_arithmetic3A_435 = vector.broadcast %shift_right_arithmetic3A_434 : i32 to vector<16xi32>
      %shift_right_arithmetic3A_436 = arith.shrsi %and3A_433, %shift_right_arithmetic3A_435 : vector<16xi32>
      %mul3A_437 = arith.constant 2304 : i32
      %mul3A_438 = vector.broadcast %mul3A_437 : i32 to vector<16xi32>
      %mul3A_439 = arith.muli %shift_right_arithmetic3A_436, %mul3A_438 : vector<16xi32>
      %and3A_440 = arith.constant 127 : i32
      %and3A_441 = vector.broadcast %and3A_440 : i32 to vector<16xi32>
      %and3A_442 = arith.andi %and3A_433, %and3A_441 : vector<16xi32>
      %add3A_443 = arith.addi %mul3A_402, %mul3A_439 : vector<16xi32>
      %add3A_444 = arith.constant 384 : i32
      %add3A_445 = vector.broadcast %add3A_444 : i32 to vector<16xi32>
      %add3A_446 = arith.addi %and3A_442, %add3A_445 : vector<16xi32>
      %add3A_447 = arith.addi %add3A_443, %add3A_446 : vector<16xi32>
      tpu.vector_store_idx %arg4[%add3A_447], %broadcast_in_dim3A_403 {add = true} : memref<73728xf32, #tpu.memory_space<vmem>>[vector<16xi32>], vector<16xf32>,
      %shift_right_arithmetic3A_448 = arith.constant 16 : i32
      %shift_right_arithmetic3A_449 = vector.broadcast %shift_right_arithmetic3A_448 : i32 to vector<16xi32>
      %shift_right_arithmetic3A_450 = arith.shrsi %get3A_408, %shift_right_arithmetic3A_449 : vector<16xi32>
      %and3A_451 = arith.constant 255 : i32
      %and3A_452 = vector.broadcast %and3A_451 : i32 to vector<16xi32>
      %and3A_453 = arith.andi %shift_right_arithmetic3A_450, %and3A_452 : vector<16xi32>
      %shift_right_arithmetic3A_454 = arith.constant 7 : i32
      %shift_right_arithmetic3A_455 = vector.broadcast %shift_right_arithmetic3A_454 : i32 to vector<16xi32>
      %shift_right_arithmetic3A_456 = arith.shrsi %and3A_453, %shift_right_arithmetic3A_455 : vector<16xi32>
      %mul3A_457 = arith.constant 2304 : i32
      %mul3A_458 = vector.broadcast %mul3A_457 : i32 to vector<16xi32>
      %mul3A_459 = arith.muli %shift_right_arithmetic3A_456, %mul3A_458 : vector<16xi32>
      %and3A_460 = arith.constant 127 : i32
      %and3A_461 = vector.broadcast %and3A_460 : i32 to vector<16xi32>
      %and3A_462 = arith.andi %and3A_453, %and3A_461 : vector<16xi32>
      %add3A_463 = arith.addi %mul3A_402, %mul3A_459 : vector<16xi32>
      %add3A_464 = arith.constant 384 : i32
      %add3A_465 = vector.broadcast %add3A_464 : i32 to vector<16xi32>
      %add3A_466 = arith.addi %and3A_462, %add3A_465 : vector<16xi32>
      %add3A_467 = arith.addi %add3A_463, %add3A_466 : vector<16xi32>
      tpu.vector_store_idx %arg4[%add3A_467], %broadcast_in_dim3A_403 {add = true} : memref<73728xf32, #tpu.memory_space<vmem>>[vector<16xi32>], vector<16xf32>,
      %shift_right_arithmetic3A_468 = arith.constant 24 : i32
      %shift_right_arithmetic3A_469 = vector.broadcast %shift_right_arithmetic3A_468 : i32 to vector<16xi32>
      %shift_right_arithmetic3A_470 = arith.shrsi %get3A_408, %shift_right_arithmetic3A_469 : vector<16xi32>
      %and3A_471 = arith.constant 255 : i32
      %and3A_472 = vector.broadcast %and3A_471 : i32 to vector<16xi32>
      %and3A_473 = arith.andi %shift_right_arithmetic3A_470, %and3A_472 : vector<16xi32>
      %shift_right_arithmetic3A_474 = arith.constant 7 : i32
      %shift_right_arithmetic3A_475 = vector.broadcast %shift_right_arithmetic3A_474 : i32 to vector<16xi32>
      %shift_right_arithmetic3A_476 = arith.shrsi %and3A_473, %shift_right_arithmetic3A_475 : vector<16xi32>
      %mul3A_477 = arith.constant 2304 : i32
      %mul3A_478 = vector.broadcast %mul3A_477 : i32 to vector<16xi32>
      %mul3A_479 = arith.muli %shift_right_arithmetic3A_476, %mul3A_478 : vector<16xi32>
      %and3A_480 = arith.constant 127 : i32
      %and3A_481 = vector.broadcast %and3A_480 : i32 to vector<16xi32>
      %and3A_482 = arith.andi %and3A_473, %and3A_481 : vector<16xi32>
      %add3A_483 = arith.addi %mul3A_402, %mul3A_479 : vector<16xi32>
      %add3A_484 = arith.constant 384 : i32
      %add3A_485 = vector.broadcast %add3A_484 : i32 to vector<16xi32>
      %add3A_486 = arith.addi %and3A_482, %add3A_485 : vector<16xi32>
      %add3A_487 = arith.addi %add3A_483, %add3A_486 : vector<16xi32>
      tpu.vector_store_idx %arg4[%add3A_487], %broadcast_in_dim3A_403 {add = true} : memref<73728xf32, #tpu.memory_space<vmem>>[vector<16xi32>], vector<16xf32>,
    }
    %scan3A_126 = arith.constant 625 : i32
    %add3A_127 = arith.constant 800000 : i32
    %add3A_128 = arith.addi %add3A_35, %add3A_127 : i32
    %dma_start3A_129 = arith.constant 10000 : i32
    %dma_start3A_130 = tpu.memref_slice %arg5[%dma_start3A_129] : memref<20000xi32, #tpu.memory_space<vmem>> -> memref<10000xi32, #tpu.memory_space<vmem>>
    %dma_start3A_131 = tpu.memref_slice %arg2[%add3A_128] : memref<5760000xi32, #tpu.memory_space<hbm>> -> memref<10000xi32, #tpu.memory_space<hbm>>
    %dma_start3A_132 = arith.constant 10000 : i32
    %dma_start3A_133 = tpu.memref_slice %arg5[%dma_start3A_132] : memref<20000xi32, #tpu.memory_space<vmem>> -> memref<10000xi32, #tpu.memory_space<vmem>>
    %dma_start3A_134 = tpu.memref_slice %arg2[%add3A_128] : memref<5760000xi32, #tpu.memory_space<hbm>> -> memref<10000xi32, #tpu.memory_space<hbm>>
    tpu.enqueue_dma source(%dma_start3A_134 : memref<10000xi32, #tpu.memory_space<hbm>>) target(%dma_start3A_133 : memref<10000xi32, #tpu.memory_space<vmem>>) target_semaphore(%arg7 : memref<!tpu.dma_semaphore, #tpu.memory_space<semaphore_mem>>)
    %dma_wait3A_135 = arith.constant 0 : i32
    %dma_wait3A_136 = tpu.memref_slice %arg5[%dma_wait3A_135] : memref<20000xi32, #tpu.memory_space<vmem>> -> memref<10000xi32, #tpu.memory_space<vmem>>
    %dma_wait3A_137 = tpu.memref_slice %arg2[%add3A_108] : memref<5760000xi32, #tpu.memory_space<hbm>> -> memref<10000xi32, #tpu.memory_space<hbm>>
    %dma_wait3A_138 = arith.constant 0 : i32
    %dma_wait3A_139 = tpu.memref_slice %arg5[%dma_wait3A_138] : memref<20000xi32, #tpu.memory_space<vmem>> -> memref<10000xi32, #tpu.memory_space<vmem>>
    %dma_wait3A_140 = tpu.memref_slice %arg2[%add3A_108] : memref<5760000xi32, #tpu.memory_space<hbm>> -> memref<10000xi32, #tpu.memory_space<hbm>>
    tpu.wait_dma2 semaphore(%arg6 : memref<!tpu.dma_semaphore, #tpu.memory_space<semaphore_mem>>) src(%dma_wait3A_140 : memref<10000xi32, #tpu.memory_space<hbm>>) dst(%dma_wait3A_139 : memref<10000xi32, #tpu.memory_space<vmem>>)
    %scan3A_141 = arith.constant 0 : i32
    %scan3A_142 = arith.constant 0 : i32
    %scan3A_143 = arith.constant 625 : i32
    %scan3A_144 = arith.addi %scan3A_142, %scan3A_143 : i32
    %scan3A_145 = arith.constant 1 : i32
    scf.for %scan3A_399 = %scan3A_142 to %scan3A_144 step %scan3A_145  : i32 {
      %iota3A = tpu.iota {dimensions = array<i32: 0>} : vector<16xi32>
      %mul3A_400 = arith.constant 4608 : i32
      %mul3A_401 = vector.broadcast %mul3A_400 : i32 to vector<16xi32>
      %mul3A_402 = arith.muli %iota3A, %mul3A_401 : vector<16xi32>
      %broadcast_in_dim3A = arith.constant 1.000000e+00 : f32
      %broadcast_in_dim3A_403 = vector.broadcast %broadcast_in_dim3A : f32 to vector<16xf32>
      %mul3A_404 = arith.constant 16 : i32
      %mul3A_405 = arith.muli %scan3A_399, %mul3A_404 : i32
      %add3A_406 = arith.constant 0 : i32
      %add3A_407 = arith.addi %add3A_406, %mul3A_405 : i32
      %get3A = arith.index_cast %add3A_407 : i32 to index
      %get3A_408 = tpu.vector_load %arg5[%get3A] {strides = array<i32>} : memref<20000xi32, #tpu.memory_space<vmem>>, vector<16xi32>,
      %shift_right_arithmetic3A = arith.constant 0 : i32
      %shift_right_arithmetic3A_409 = vector.broadcast %shift_right_arithmetic3A : i32 to vector<16xi32>
      %shift_right_arithmetic3A_410 = arith.shrsi %get3A_408, %shift_right_arithmetic3A_409 : vector<16xi32>
      %and3A_411 = arith.constant 255 : i32
      %and3A_412 = vector.broadcast %and3A_411 : i32 to vector<16xi32>
      %and3A_413 = arith.andi %shift_right_arithmetic3A_410, %and3A_412 : vector<16xi32>
      %shift_right_arithmetic3A_414 = arith.constant 7 : i32
      %shift_right_arithmetic3A_415 = vector.broadcast %shift_right_arithmetic3A_414 : i32 to vector<16xi32>
      %shift_right_arithmetic3A_416 = arith.shrsi %and3A_413, %shift_right_arithmetic3A_415 : vector<16xi32>
      %mul3A_417 = arith.constant 2304 : i32
      %mul3A_418 = vector.broadcast %mul3A_417 : i32 to vector<16xi32>
      %mul3A_419 = arith.muli %shift_right_arithmetic3A_416, %mul3A_418 : vector<16xi32>
      %and3A_420 = arith.constant 127 : i32
      %and3A_421 = vector.broadcast %and3A_420 : i32 to vector<16xi32>
      %and3A_422 = arith.andi %and3A_413, %and3A_421 : vector<16xi32>
      %add3A_423 = arith.addi %mul3A_402, %mul3A_419 : vector<16xi32>
      %add3A_424 = arith.constant 512 : i32
      %add3A_425 = vector.broadcast %add3A_424 : i32 to vector<16xi32>
      %add3A_426 = arith.addi %and3A_422, %add3A_425 : vector<16xi32>
      %add3A_427 = arith.addi %add3A_423, %add3A_426 : vector<16xi32>
      tpu.vector_store_idx %arg4[%add3A_427], %broadcast_in_dim3A_403 {add = true} : memref<73728xf32, #tpu.memory_space<vmem>>[vector<16xi32>], vector<16xf32>,
      %shift_right_arithmetic3A_428 = arith.constant 8 : i32
      %shift_right_arithmetic3A_429 = vector.broadcast %shift_right_arithmetic3A_428 : i32 to vector<16xi32>
      %shift_right_arithmetic3A_430 = arith.shrsi %get3A_408, %shift_right_arithmetic3A_429 : vector<16xi32>
      %and3A_431 = arith.constant 255 : i32
      %and3A_432 = vector.broadcast %and3A_431 : i32 to vector<16xi32>
      %and3A_433 = arith.andi %shift_right_arithmetic3A_430, %and3A_432 : vector<16xi32>
      %shift_right_arithmetic3A_434 = arith.constant 7 : i32
      %shift_right_arithmetic3A_435 = vector.broadcast %shift_right_arithmetic3A_434 : i32 to vector<16xi32>
      %shift_right_arithmetic3A_436 = arith.shrsi %and3A_433, %shift_right_arithmetic3A_435 : vector<16xi32>
      %mul3A_437 = arith.constant 2304 : i32
      %mul3A_438 = vector.broadcast %mul3A_437 : i32 to vector<16xi32>
      %mul3A_439 = arith.muli %shift_right_arithmetic3A_436, %mul3A_438 : vector<16xi32>
      %and3A_440 = arith.constant 127 : i32
      %and3A_441 = vector.broadcast %and3A_440 : i32 to vector<16xi32>
      %and3A_442 = arith.andi %and3A_433, %and3A_441 : vector<16xi32>
      %add3A_443 = arith.addi %mul3A_402, %mul3A_439 : vector<16xi32>
      %add3A_444 = arith.constant 512 : i32
      %add3A_445 = vector.broadcast %add3A_444 : i32 to vector<16xi32>
      %add3A_446 = arith.addi %and3A_442, %add3A_445 : vector<16xi32>
      %add3A_447 = arith.addi %add3A_443, %add3A_446 : vector<16xi32>
      tpu.vector_store_idx %arg4[%add3A_447], %broadcast_in_dim3A_403 {add = true} : memref<73728xf32, #tpu.memory_space<vmem>>[vector<16xi32>], vector<16xf32>,
      %shift_right_arithmetic3A_448 = arith.constant 16 : i32
      %shift_right_arithmetic3A_449 = vector.broadcast %shift_right_arithmetic3A_448 : i32 to vector<16xi32>
      %shift_right_arithmetic3A_450 = arith.shrsi %get3A_408, %shift_right_arithmetic3A_449 : vector<16xi32>
      %and3A_451 = arith.constant 255 : i32
      %and3A_452 = vector.broadcast %and3A_451 : i32 to vector<16xi32>
      %and3A_453 = arith.andi %shift_right_arithmetic3A_450, %and3A_452 : vector<16xi32>
      %shift_right_arithmetic3A_454 = arith.constant 7 : i32
      %shift_right_arithmetic3A_455 = vector.broadcast %shift_right_arithmetic3A_454 : i32 to vector<16xi32>
      %shift_right_arithmetic3A_456 = arith.shrsi %and3A_453, %shift_right_arithmetic3A_455 : vector<16xi32>
      %mul3A_457 = arith.constant 2304 : i32
      %mul3A_458 = vector.broadcast %mul3A_457 : i32 to vector<16xi32>
      %mul3A_459 = arith.muli %shift_right_arithmetic3A_456, %mul3A_458 : vector<16xi32>
      %and3A_460 = arith.constant 127 : i32
      %and3A_461 = vector.broadcast %and3A_460 : i32 to vector<16xi32>
      %and3A_462 = arith.andi %and3A_453, %and3A_461 : vector<16xi32>
      %add3A_463 = arith.addi %mul3A_402, %mul3A_459 : vector<16xi32>
      %add3A_464 = arith.constant 512 : i32
      %add3A_465 = vector.broadcast %add3A_464 : i32 to vector<16xi32>
      %add3A_466 = arith.addi %and3A_462, %add3A_465 : vector<16xi32>
      %add3A_467 = arith.addi %add3A_463, %add3A_466 : vector<16xi32>
      tpu.vector_store_idx %arg4[%add3A_467], %broadcast_in_dim3A_403 {add = true} : memref<73728xf32, #tpu.memory_space<vmem>>[vector<16xi32>], vector<16xf32>,
      %shift_right_arithmetic3A_468 = arith.constant 24 : i32
      %shift_right_arithmetic3A_469 = vector.broadcast %shift_right_arithmetic3A_468 : i32 to vector<16xi32>
      %shift_right_arithmetic3A_470 = arith.shrsi %get3A_408, %shift_right_arithmetic3A_469 : vector<16xi32>
      %and3A_471 = arith.constant 255 : i32
      %and3A_472 = vector.broadcast %and3A_471 : i32 to vector<16xi32>
      %and3A_473 = arith.andi %shift_right_arithmetic3A_470, %and3A_472 : vector<16xi32>
      %shift_right_arithmetic3A_474 = arith.constant 7 : i32
      %shift_right_arithmetic3A_475 = vector.broadcast %shift_right_arithmetic3A_474 : i32 to vector<16xi32>
      %shift_right_arithmetic3A_476 = arith.shrsi %and3A_473, %shift_right_arithmetic3A_475 : vector<16xi32>
      %mul3A_477 = arith.constant 2304 : i32
      %mul3A_478 = vector.broadcast %mul3A_477 : i32 to vector<16xi32>
      %mul3A_479 = arith.muli %shift_right_arithmetic3A_476, %mul3A_478 : vector<16xi32>
      %and3A_480 = arith.constant 127 : i32
      %and3A_481 = vector.broadcast %and3A_480 : i32 to vector<16xi32>
      %and3A_482 = arith.andi %and3A_473, %and3A_481 : vector<16xi32>
      %add3A_483 = arith.addi %mul3A_402, %mul3A_479 : vector<16xi32>
      %add3A_484 = arith.constant 512 : i32
      %add3A_485 = vector.broadcast %add3A_484 : i32 to vector<16xi32>
      %add3A_486 = arith.addi %and3A_482, %add3A_485 : vector<16xi32>
      %add3A_487 = arith.addi %add3A_483, %add3A_486 : vector<16xi32>
      tpu.vector_store_idx %arg4[%add3A_487], %broadcast_in_dim3A_403 {add = true} : memref<73728xf32, #tpu.memory_space<vmem>>[vector<16xi32>], vector<16xf32>,
    }
    %scan3A_146 = arith.constant 625 : i32
    %add3A_147 = arith.constant 960000 : i32
    %add3A_148 = arith.addi %add3A_35, %add3A_147 : i32
    %dma_start3A_149 = arith.constant 0 : i32
    %dma_start3A_150 = tpu.memref_slice %arg5[%dma_start3A_149] : memref<20000xi32, #tpu.memory_space<vmem>> -> memref<10000xi32, #tpu.memory_space<vmem>>
    %dma_start3A_151 = tpu.memref_slice %arg2[%add3A_148] : memref<5760000xi32, #tpu.memory_space<hbm>> -> memref<10000xi32, #tpu.memory_space<hbm>>
    %dma_start3A_152 = arith.constant 0 : i32
    %dma_start3A_153 = tpu.memref_slice %arg5[%dma_start3A_152] : memref<20000xi32, #tpu.memory_space<vmem>> -> memref<10000xi32, #tpu.memory_space<vmem>>
    %dma_start3A_154 = tpu.memref_slice %arg2[%add3A_148] : memref<5760000xi32, #tpu.memory_space<hbm>> -> memref<10000xi32, #tpu.memory_space<hbm>>
    tpu.enqueue_dma source(%dma_start3A_154 : memref<10000xi32, #tpu.memory_space<hbm>>) target(%dma_start3A_153 : memref<10000xi32, #tpu.memory_space<vmem>>) target_semaphore(%arg6 : memref<!tpu.dma_semaphore, #tpu.memory_space<semaphore_mem>>)
    %dma_wait3A_155 = arith.constant 10000 : i32
    %dma_wait3A_156 = tpu.memref_slice %arg5[%dma_wait3A_155] : memref<20000xi32, #tpu.memory_space<vmem>> -> memref<10000xi32, #tpu.memory_space<vmem>>
    %dma_wait3A_157 = tpu.memref_slice %arg2[%add3A_128] : memref<5760000xi32, #tpu.memory_space<hbm>> -> memref<10000xi32, #tpu.memory_space<hbm>>
    %dma_wait3A_158 = arith.constant 10000 : i32
    %dma_wait3A_159 = tpu.memref_slice %arg5[%dma_wait3A_158] : memref<20000xi32, #tpu.memory_space<vmem>> -> memref<10000xi32, #tpu.memory_space<vmem>>
    %dma_wait3A_160 = tpu.memref_slice %arg2[%add3A_128] : memref<5760000xi32, #tpu.memory_space<hbm>> -> memref<10000xi32, #tpu.memory_space<hbm>>
    tpu.wait_dma2 semaphore(%arg7 : memref<!tpu.dma_semaphore, #tpu.memory_space<semaphore_mem>>) src(%dma_wait3A_160 : memref<10000xi32, #tpu.memory_space<hbm>>) dst(%dma_wait3A_159 : memref<10000xi32, #tpu.memory_space<vmem>>)
    %scan3A_161 = arith.constant 0 : i32
    %scan3A_162 = arith.constant 0 : i32
    %scan3A_163 = arith.constant 625 : i32
    %scan3A_164 = arith.addi %scan3A_162, %scan3A_163 : i32
    %scan3A_165 = arith.constant 1 : i32
    scf.for %scan3A_399 = %scan3A_162 to %scan3A_164 step %scan3A_165  : i32 {
      %iota3A = tpu.iota {dimensions = array<i32: 0>} : vector<16xi32>
      %mul3A_400 = arith.constant 4608 : i32
      %mul3A_401 = vector.broadcast %mul3A_400 : i32 to vector<16xi32>
      %mul3A_402 = arith.muli %iota3A, %mul3A_401 : vector<16xi32>
      %broadcast_in_dim3A = arith.constant 1.000000e+00 : f32
      %broadcast_in_dim3A_403 = vector.broadcast %broadcast_in_dim3A : f32 to vector<16xf32>
      %mul3A_404 = arith.constant 16 : i32
      %mul3A_405 = arith.muli %scan3A_399, %mul3A_404 : i32
      %add3A_406 = arith.constant 10000 : i32
      %add3A_407 = arith.addi %add3A_406, %mul3A_405 : i32
      %get3A = arith.index_cast %add3A_407 : i32 to index
      %get3A_408 = tpu.vector_load %arg5[%get3A] {strides = array<i32>} : memref<20000xi32, #tpu.memory_space<vmem>>, vector<16xi32>,
      %shift_right_arithmetic3A = arith.constant 0 : i32
      %shift_right_arithmetic3A_409 = vector.broadcast %shift_right_arithmetic3A : i32 to vector<16xi32>
      %shift_right_arithmetic3A_410 = arith.shrsi %get3A_408, %shift_right_arithmetic3A_409 : vector<16xi32>
      %and3A_411 = arith.constant 255 : i32
      %and3A_412 = vector.broadcast %and3A_411 : i32 to vector<16xi32>
      %and3A_413 = arith.andi %shift_right_arithmetic3A_410, %and3A_412 : vector<16xi32>
      %shift_right_arithmetic3A_414 = arith.constant 7 : i32
      %shift_right_arithmetic3A_415 = vector.broadcast %shift_right_arithmetic3A_414 : i32 to vector<16xi32>
      %shift_right_arithmetic3A_416 = arith.shrsi %and3A_413, %shift_right_arithmetic3A_415 : vector<16xi32>
      %mul3A_417 = arith.constant 2304 : i32
      %mul3A_418 = vector.broadcast %mul3A_417 : i32 to vector<16xi32>
      %mul3A_419 = arith.muli %shift_right_arithmetic3A_416, %mul3A_418 : vector<16xi32>
      %and3A_420 = arith.constant 127 : i32
      %and3A_421 = vector.broadcast %and3A_420 : i32 to vector<16xi32>
      %and3A_422 = arith.andi %and3A_413, %and3A_421 : vector<16xi32>
      %add3A_423 = arith.addi %mul3A_402, %mul3A_419 : vector<16xi32>
      %add3A_424 = arith.constant 640 : i32
      %add3A_425 = vector.broadcast %add3A_424 : i32 to vector<16xi32>
      %add3A_426 = arith.addi %and3A_422, %add3A_425 : vector<16xi32>
      %add3A_427 = arith.addi %add3A_423, %add3A_426 : vector<16xi32>
      tpu.vector_store_idx %arg4[%add3A_427], %broadcast_in_dim3A_403 {add = true} : memref<73728xf32, #tpu.memory_space<vmem>>[vector<16xi32>], vector<16xf32>,
      %shift_right_arithmetic3A_428 = arith.constant 8 : i32
      %shift_right_arithmetic3A_429 = vector.broadcast %shift_right_arithmetic3A_428 : i32 to vector<16xi32>
      %shift_right_arithmetic3A_430 = arith.shrsi %get3A_408, %shift_right_arithmetic3A_429 : vector<16xi32>
      %and3A_431 = arith.constant 255 : i32
      %and3A_432 = vector.broadcast %and3A_431 : i32 to vector<16xi32>
      %and3A_433 = arith.andi %shift_right_arithmetic3A_430, %and3A_432 : vector<16xi32>
      %shift_right_arithmetic3A_434 = arith.constant 7 : i32
      %shift_right_arithmetic3A_435 = vector.broadcast %shift_right_arithmetic3A_434 : i32 to vector<16xi32>
      %shift_right_arithmetic3A_436 = arith.shrsi %and3A_433, %shift_right_arithmetic3A_435 : vector<16xi32>
      %mul3A_437 = arith.constant 2304 : i32
      %mul3A_438 = vector.broadcast %mul3A_437 : i32 to vector<16xi32>
      %mul3A_439 = arith.muli %shift_right_arithmetic3A_436, %mul3A_438 : vector<16xi32>
      %and3A_440 = arith.constant 127 : i32
      %and3A_441 = vector.broadcast %and3A_440 : i32 to vector<16xi32>
      %and3A_442 = arith.andi %and3A_433, %and3A_441 : vector<16xi32>
      %add3A_443 = arith.addi %mul3A_402, %mul3A_439 : vector<16xi32>
      %add3A_444 = arith.constant 640 : i32
      %add3A_445 = vector.broadcast %add3A_444 : i32 to vector<16xi32>
      %add3A_446 = arith.addi %and3A_442, %add3A_445 : vector<16xi32>
      %add3A_447 = arith.addi %add3A_443, %add3A_446 : vector<16xi32>
      tpu.vector_store_idx %arg4[%add3A_447], %broadcast_in_dim3A_403 {add = true} : memref<73728xf32, #tpu.memory_space<vmem>>[vector<16xi32>], vector<16xf32>,
      %shift_right_arithmetic3A_448 = arith.constant 16 : i32
      %shift_right_arithmetic3A_449 = vector.broadcast %shift_right_arithmetic3A_448 : i32 to vector<16xi32>
      %shift_right_arithmetic3A_450 = arith.shrsi %get3A_408, %shift_right_arithmetic3A_449 : vector<16xi32>
      %and3A_451 = arith.constant 255 : i32
      %and3A_452 = vector.broadcast %and3A_451 : i32 to vector<16xi32>
      %and3A_453 = arith.andi %shift_right_arithmetic3A_450, %and3A_452 : vector<16xi32>
      %shift_right_arithmetic3A_454 = arith.constant 7 : i32
      %shift_right_arithmetic3A_455 = vector.broadcast %shift_right_arithmetic3A_454 : i32 to vector<16xi32>
      %shift_right_arithmetic3A_456 = arith.shrsi %and3A_453, %shift_right_arithmetic3A_455 : vector<16xi32>
      %mul3A_457 = arith.constant 2304 : i32
      %mul3A_458 = vector.broadcast %mul3A_457 : i32 to vector<16xi32>
      %mul3A_459 = arith.muli %shift_right_arithmetic3A_456, %mul3A_458 : vector<16xi32>
      %and3A_460 = arith.constant 127 : i32
      %and3A_461 = vector.broadcast %and3A_460 : i32 to vector<16xi32>
      %and3A_462 = arith.andi %and3A_453, %and3A_461 : vector<16xi32>
      %add3A_463 = arith.addi %mul3A_402, %mul3A_459 : vector<16xi32>
      %add3A_464 = arith.constant 640 : i32
      %add3A_465 = vector.broadcast %add3A_464 : i32 to vector<16xi32>
      %add3A_466 = arith.addi %and3A_462, %add3A_465 : vector<16xi32>
      %add3A_467 = arith.addi %add3A_463, %add3A_466 : vector<16xi32>
      tpu.vector_store_idx %arg4[%add3A_467], %broadcast_in_dim3A_403 {add = true} : memref<73728xf32, #tpu.memory_space<vmem>>[vector<16xi32>], vector<16xf32>,
      %shift_right_arithmetic3A_468 = arith.constant 24 : i32
      %shift_right_arithmetic3A_469 = vector.broadcast %shift_right_arithmetic3A_468 : i32 to vector<16xi32>
      %shift_right_arithmetic3A_470 = arith.shrsi %get3A_408, %shift_right_arithmetic3A_469 : vector<16xi32>
      %and3A_471 = arith.constant 255 : i32
      %and3A_472 = vector.broadcast %and3A_471 : i32 to vector<16xi32>
      %and3A_473 = arith.andi %shift_right_arithmetic3A_470, %and3A_472 : vector<16xi32>
      %shift_right_arithmetic3A_474 = arith.constant 7 : i32
      %shift_right_arithmetic3A_475 = vector.broadcast %shift_right_arithmetic3A_474 : i32 to vector<16xi32>
      %shift_right_arithmetic3A_476 = arith.shrsi %and3A_473, %shift_right_arithmetic3A_475 : vector<16xi32>
      %mul3A_477 = arith.constant 2304 : i32
      %mul3A_478 = vector.broadcast %mul3A_477 : i32 to vector<16xi32>
      %mul3A_479 = arith.muli %shift_right_arithmetic3A_476, %mul3A_478 : vector<16xi32>
      %and3A_480 = arith.constant 127 : i32
      %and3A_481 = vector.broadcast %and3A_480 : i32 to vector<16xi32>
      %and3A_482 = arith.andi %and3A_473, %and3A_481 : vector<16xi32>
      %add3A_483 = arith.addi %mul3A_402, %mul3A_479 : vector<16xi32>
      %add3A_484 = arith.constant 640 : i32
      %add3A_485 = vector.broadcast %add3A_484 : i32 to vector<16xi32>
      %add3A_486 = arith.addi %and3A_482, %add3A_485 : vector<16xi32>
      %add3A_487 = arith.addi %add3A_483, %add3A_486 : vector<16xi32>
      tpu.vector_store_idx %arg4[%add3A_487], %broadcast_in_dim3A_403 {add = true} : memref<73728xf32, #tpu.memory_space<vmem>>[vector<16xi32>], vector<16xf32>,
    }
    %scan3A_166 = arith.constant 625 : i32
    %add3A_167 = arith.constant 1120000 : i32
    %add3A_168 = arith.addi %add3A_35, %add3A_167 : i32
    %dma_start3A_169 = arith.constant 10000 : i32
    %dma_start3A_170 = tpu.memref_slice %arg5[%dma_start3A_169] : memref<20000xi32, #tpu.memory_space<vmem>> -> memref<10000xi32, #tpu.memory_space<vmem>>
    %dma_start3A_171 = tpu.memref_slice %arg2[%add3A_168] : memref<5760000xi32, #tpu.memory_space<hbm>> -> memref<10000xi32, #tpu.memory_space<hbm>>
    %dma_start3A_172 = arith.constant 10000 : i32
    %dma_start3A_173 = tpu.memref_slice %arg5[%dma_start3A_172] : memref<20000xi32, #tpu.memory_space<vmem>> -> memref<10000xi32, #tpu.memory_space<vmem>>
    %dma_start3A_174 = tpu.memref_slice %arg2[%add3A_168] : memref<5760000xi32, #tpu.memory_space<hbm>> -> memref<10000xi32, #tpu.memory_space<hbm>>
    tpu.enqueue_dma source(%dma_start3A_174 : memref<10000xi32, #tpu.memory_space<hbm>>) target(%dma_start3A_173 : memref<10000xi32, #tpu.memory_space<vmem>>) target_semaphore(%arg7 : memref<!tpu.dma_semaphore, #tpu.memory_space<semaphore_mem>>)
    %dma_wait3A_175 = arith.constant 0 : i32
    %dma_wait3A_176 = tpu.memref_slice %arg5[%dma_wait3A_175] : memref<20000xi32, #tpu.memory_space<vmem>> -> memref<10000xi32, #tpu.memory_space<vmem>>
    %dma_wait3A_177 = tpu.memref_slice %arg2[%add3A_148] : memref<5760000xi32, #tpu.memory_space<hbm>> -> memref<10000xi32, #tpu.memory_space<hbm>>
    %dma_wait3A_178 = arith.constant 0 : i32
    %dma_wait3A_179 = tpu.memref_slice %arg5[%dma_wait3A_178] : memref<20000xi32, #tpu.memory_space<vmem>> -> memref<10000xi32, #tpu.memory_space<vmem>>
    %dma_wait3A_180 = tpu.memref_slice %arg2[%add3A_148] : memref<5760000xi32, #tpu.memory_space<hbm>> -> memref<10000xi32, #tpu.memory_space<hbm>>
    tpu.wait_dma2 semaphore(%arg6 : memref<!tpu.dma_semaphore, #tpu.memory_space<semaphore_mem>>) src(%dma_wait3A_180 : memref<10000xi32, #tpu.memory_space<hbm>>) dst(%dma_wait3A_179 : memref<10000xi32, #tpu.memory_space<vmem>>)
    %scan3A_181 = arith.constant 0 : i32
    %scan3A_182 = arith.constant 0 : i32
    %scan3A_183 = arith.constant 625 : i32
    %scan3A_184 = arith.addi %scan3A_182, %scan3A_183 : i32
    %scan3A_185 = arith.constant 1 : i32
    scf.for %scan3A_399 = %scan3A_182 to %scan3A_184 step %scan3A_185  : i32 {
      %iota3A = tpu.iota {dimensions = array<i32: 0>} : vector<16xi32>
      %mul3A_400 = arith.constant 4608 : i32
      %mul3A_401 = vector.broadcast %mul3A_400 : i32 to vector<16xi32>
      %mul3A_402 = arith.muli %iota3A, %mul3A_401 : vector<16xi32>
      %broadcast_in_dim3A = arith.constant 1.000000e+00 : f32
      %broadcast_in_dim3A_403 = vector.broadcast %broadcast_in_dim3A : f32 to vector<16xf32>
      %mul3A_404 = arith.constant 16 : i32
      %mul3A_405 = arith.muli %scan3A_399, %mul3A_404 : i32
      %add3A_406 = arith.constant 0 : i32
      %add3A_407 = arith.addi %add3A_406, %mul3A_405 : i32
      %get3A = arith.index_cast %add3A_407 : i32 to index
      %get3A_408 = tpu.vector_load %arg5[%get3A] {strides = array<i32>} : memref<20000xi32, #tpu.memory_space<vmem>>, vector<16xi32>,
      %shift_right_arithmetic3A = arith.constant 0 : i32
      %shift_right_arithmetic3A_409 = vector.broadcast %shift_right_arithmetic3A : i32 to vector<16xi32>
      %shift_right_arithmetic3A_410 = arith.shrsi %get3A_408, %shift_right_arithmetic3A_409 : vector<16xi32>
      %and3A_411 = arith.constant 255 : i32
      %and3A_412 = vector.broadcast %and3A_411 : i32 to vector<16xi32>
      %and3A_413 = arith.andi %shift_right_arithmetic3A_410, %and3A_412 : vector<16xi32>
      %shift_right_arithmetic3A_414 = arith.constant 7 : i32
      %shift_right_arithmetic3A_415 = vector.broadcast %shift_right_arithmetic3A_414 : i32 to vector<16xi32>
      %shift_right_arithmetic3A_416 = arith.shrsi %and3A_413, %shift_right_arithmetic3A_415 : vector<16xi32>
      %mul3A_417 = arith.constant 2304 : i32
      %mul3A_418 = vector.broadcast %mul3A_417 : i32 to vector<16xi32>
      %mul3A_419 = arith.muli %shift_right_arithmetic3A_416, %mul3A_418 : vector<16xi32>
      %and3A_420 = arith.constant 127 : i32
      %and3A_421 = vector.broadcast %and3A_420 : i32 to vector<16xi32>
      %and3A_422 = arith.andi %and3A_413, %and3A_421 : vector<16xi32>
      %add3A_423 = arith.addi %mul3A_402, %mul3A_419 : vector<16xi32>
      %add3A_424 = arith.constant 768 : i32
      %add3A_425 = vector.broadcast %add3A_424 : i32 to vector<16xi32>
      %add3A_426 = arith.addi %and3A_422, %add3A_425 : vector<16xi32>
      %add3A_427 = arith.addi %add3A_423, %add3A_426 : vector<16xi32>
      tpu.vector_store_idx %arg4[%add3A_427], %broadcast_in_dim3A_403 {add = true} : memref<73728xf32, #tpu.memory_space<vmem>>[vector<16xi32>], vector<16xf32>,
      %shift_right_arithmetic3A_428 = arith.constant 8 : i32
      %shift_right_arithmetic3A_429 = vector.broadcast %shift_right_arithmetic3A_428 : i32 to vector<16xi32>
      %shift_right_arithmetic3A_430 = arith.shrsi %get3A_408, %shift_right_arithmetic3A_429 : vector<16xi32>
      %and3A_431 = arith.constant 255 : i32
      %and3A_432 = vector.broadcast %and3A_431 : i32 to vector<16xi32>
      %and3A_433 = arith.andi %shift_right_arithmetic3A_430, %and3A_432 : vector<16xi32>
      %shift_right_arithmetic3A_434 = arith.constant 7 : i32
      %shift_right_arithmetic3A_435 = vector.broadcast %shift_right_arithmetic3A_434 : i32 to vector<16xi32>
      %shift_right_arithmetic3A_436 = arith.shrsi %and3A_433, %shift_right_arithmetic3A_435 : vector<16xi32>
      %mul3A_437 = arith.constant 2304 : i32
      %mul3A_438 = vector.broadcast %mul3A_437 : i32 to vector<16xi32>
      %mul3A_439 = arith.muli %shift_right_arithmetic3A_436, %mul3A_438 : vector<16xi32>
      %and3A_440 = arith.constant 127 : i32
      %and3A_441 = vector.broadcast %and3A_440 : i32 to vector<16xi32>
      %and3A_442 = arith.andi %and3A_433, %and3A_441 : vector<16xi32>
      %add3A_443 = arith.addi %mul3A_402, %mul3A_439 : vector<16xi32>
      %add3A_444 = arith.constant 768 : i32
      %add3A_445 = vector.broadcast %add3A_444 : i32 to vector<16xi32>
      %add3A_446 = arith.addi %and3A_442, %add3A_445 : vector<16xi32>
      %add3A_447 = arith.addi %add3A_443, %add3A_446 : vector<16xi32>
      tpu.vector_store_idx %arg4[%add3A_447], %broadcast_in_dim3A_403 {add = true} : memref<73728xf32, #tpu.memory_space<vmem>>[vector<16xi32>], vector<16xf32>,
      %shift_right_arithmetic3A_448 = arith.constant 16 : i32
      %shift_right_arithmetic3A_449 = vector.broadcast %shift_right_arithmetic3A_448 : i32 to vector<16xi32>
      %shift_right_arithmetic3A_450 = arith.shrsi %get3A_408, %shift_right_arithmetic3A_449 : vector<16xi32>
      %and3A_451 = arith.constant 255 : i32
      %and3A_452 = vector.broadcast %and3A_451 : i32 to vector<16xi32>
      %and3A_453 = arith.andi %shift_right_arithmetic3A_450, %and3A_452 : vector<16xi32>
      %shift_right_arithmetic3A_454 = arith.constant 7 : i32
      %shift_right_arithmetic3A_455 = vector.broadcast %shift_right_arithmetic3A_454 : i32 to vector<16xi32>
      %shift_right_arithmetic3A_456 = arith.shrsi %and3A_453, %shift_right_arithmetic3A_455 : vector<16xi32>
      %mul3A_457 = arith.constant 2304 : i32
      %mul3A_458 = vector.broadcast %mul3A_457 : i32 to vector<16xi32>
      %mul3A_459 = arith.muli %shift_right_arithmetic3A_456, %mul3A_458 : vector<16xi32>
      %and3A_460 = arith.constant 127 : i32
      %and3A_461 = vector.broadcast %and3A_460 : i32 to vector<16xi32>
      %and3A_462 = arith.andi %and3A_453, %and3A_461 : vector<16xi32>
      %add3A_463 = arith.addi %mul3A_402, %mul3A_459 : vector<16xi32>
      %add3A_464 = arith.constant 768 : i32
      %add3A_465 = vector.broadcast %add3A_464 : i32 to vector<16xi32>
      %add3A_466 = arith.addi %and3A_462, %add3A_465 : vector<16xi32>
      %add3A_467 = arith.addi %add3A_463, %add3A_466 : vector<16xi32>
      tpu.vector_store_idx %arg4[%add3A_467], %broadcast_in_dim3A_403 {add = true} : memref<73728xf32, #tpu.memory_space<vmem>>[vector<16xi32>], vector<16xf32>,
      %shift_right_arithmetic3A_468 = arith.constant 24 : i32
      %shift_right_arithmetic3A_469 = vector.broadcast %shift_right_arithmetic3A_468 : i32 to vector<16xi32>
      %shift_right_arithmetic3A_470 = arith.shrsi %get3A_408, %shift_right_arithmetic3A_469 : vector<16xi32>
      %and3A_471 = arith.constant 255 : i32
      %and3A_472 = vector.broadcast %and3A_471 : i32 to vector<16xi32>
      %and3A_473 = arith.andi %shift_right_arithmetic3A_470, %and3A_472 : vector<16xi32>
      %shift_right_arithmetic3A_474 = arith.constant 7 : i32
      %shift_right_arithmetic3A_475 = vector.broadcast %shift_right_arithmetic3A_474 : i32 to vector<16xi32>
      %shift_right_arithmetic3A_476 = arith.shrsi %and3A_473, %shift_right_arithmetic3A_475 : vector<16xi32>
      %mul3A_477 = arith.constant 2304 : i32
      %mul3A_478 = vector.broadcast %mul3A_477 : i32 to vector<16xi32>
      %mul3A_479 = arith.muli %shift_right_arithmetic3A_476, %mul3A_478 : vector<16xi32>
      %and3A_480 = arith.constant 127 : i32
      %and3A_481 = vector.broadcast %and3A_480 : i32 to vector<16xi32>
      %and3A_482 = arith.andi %and3A_473, %and3A_481 : vector<16xi32>
      %add3A_483 = arith.addi %mul3A_402, %mul3A_479 : vector<16xi32>
      %add3A_484 = arith.constant 768 : i32
      %add3A_485 = vector.broadcast %add3A_484 : i32 to vector<16xi32>
      %add3A_486 = arith.addi %and3A_482, %add3A_485 : vector<16xi32>
      %add3A_487 = arith.addi %add3A_483, %add3A_486 : vector<16xi32>
      tpu.vector_store_idx %arg4[%add3A_487], %broadcast_in_dim3A_403 {add = true} : memref<73728xf32, #tpu.memory_space<vmem>>[vector<16xi32>], vector<16xf32>,
    }
    %scan3A_186 = arith.constant 625 : i32
    %add3A_187 = arith.constant 1280000 : i32
    %add3A_188 = arith.addi %add3A_35, %add3A_187 : i32
    %dma_start3A_189 = arith.constant 0 : i32
    %dma_start3A_190 = tpu.memref_slice %arg5[%dma_start3A_189] : memref<20000xi32, #tpu.memory_space<vmem>> -> memref<10000xi32, #tpu.memory_space<vmem>>
    %dma_start3A_191 = tpu.memref_slice %arg2[%add3A_188] : memref<5760000xi32, #tpu.memory_space<hbm>> -> memref<10000xi32, #tpu.memory_space<hbm>>
    %dma_start3A_192 = arith.constant 0 : i32
    %dma_start3A_193 = tpu.memref_slice %arg5[%dma_start3A_192] : memref<20000xi32, #tpu.memory_space<vmem>> -> memref<10000xi32, #tpu.memory_space<vmem>>
    %dma_start3A_194 = tpu.memref_slice %arg2[%add3A_188] : memref<5760000xi32, #tpu.memory_space<hbm>> -> memref<10000xi32, #tpu.memory_space<hbm>>
    tpu.enqueue_dma source(%dma_start3A_194 : memref<10000xi32, #tpu.memory_space<hbm>>) target(%dma_start3A_193 : memref<10000xi32, #tpu.memory_space<vmem>>) target_semaphore(%arg6 : memref<!tpu.dma_semaphore, #tpu.memory_space<semaphore_mem>>)
    %dma_wait3A_195 = arith.constant 10000 : i32
    %dma_wait3A_196 = tpu.memref_slice %arg5[%dma_wait3A_195] : memref<20000xi32, #tpu.memory_space<vmem>> -> memref<10000xi32, #tpu.memory_space<vmem>>
    %dma_wait3A_197 = tpu.memref_slice %arg2[%add3A_168] : memref<5760000xi32, #tpu.memory_space<hbm>> -> memref<10000xi32, #tpu.memory_space<hbm>>
    %dma_wait3A_198 = arith.constant 10000 : i32
    %dma_wait3A_199 = tpu.memref_slice %arg5[%dma_wait3A_198] : memref<20000xi32, #tpu.memory_space<vmem>> -> memref<10000xi32, #tpu.memory_space<vmem>>
    %dma_wait3A_200 = tpu.memref_slice %arg2[%add3A_168] : memref<5760000xi32, #tpu.memory_space<hbm>> -> memref<10000xi32, #tpu.memory_space<hbm>>
    tpu.wait_dma2 semaphore(%arg7 : memref<!tpu.dma_semaphore, #tpu.memory_space<semaphore_mem>>) src(%dma_wait3A_200 : memref<10000xi32, #tpu.memory_space<hbm>>) dst(%dma_wait3A_199 : memref<10000xi32, #tpu.memory_space<vmem>>)
    %scan3A_201 = arith.constant 0 : i32
    %scan3A_202 = arith.constant 0 : i32
    %scan3A_203 = arith.constant 625 : i32
    %scan3A_204 = arith.addi %scan3A_202, %scan3A_203 : i32
    %scan3A_205 = arith.constant 1 : i32
    scf.for %scan3A_399 = %scan3A_202 to %scan3A_204 step %scan3A_205  : i32 {
      %iota3A = tpu.iota {dimensions = array<i32: 0>} : vector<16xi32>
      %mul3A_400 = arith.constant 4608 : i32
      %mul3A_401 = vector.broadcast %mul3A_400 : i32 to vector<16xi32>
      %mul3A_402 = arith.muli %iota3A, %mul3A_401 : vector<16xi32>
      %broadcast_in_dim3A = arith.constant 1.000000e+00 : f32
      %broadcast_in_dim3A_403 = vector.broadcast %broadcast_in_dim3A : f32 to vector<16xf32>
      %mul3A_404 = arith.constant 16 : i32
      %mul3A_405 = arith.muli %scan3A_399, %mul3A_404 : i32
      %add3A_406 = arith.constant 10000 : i32
      %add3A_407 = arith.addi %add3A_406, %mul3A_405 : i32
      %get3A = arith.index_cast %add3A_407 : i32 to index
      %get3A_408 = tpu.vector_load %arg5[%get3A] {strides = array<i32>} : memref<20000xi32, #tpu.memory_space<vmem>>, vector<16xi32>,
      %shift_right_arithmetic3A = arith.constant 0 : i32
      %shift_right_arithmetic3A_409 = vector.broadcast %shift_right_arithmetic3A : i32 to vector<16xi32>
      %shift_right_arithmetic3A_410 = arith.shrsi %get3A_408, %shift_right_arithmetic3A_409 : vector<16xi32>
      %and3A_411 = arith.constant 255 : i32
      %and3A_412 = vector.broadcast %and3A_411 : i32 to vector<16xi32>
      %and3A_413 = arith.andi %shift_right_arithmetic3A_410, %and3A_412 : vector<16xi32>
      %shift_right_arithmetic3A_414 = arith.constant 7 : i32
      %shift_right_arithmetic3A_415 = vector.broadcast %shift_right_arithmetic3A_414 : i32 to vector<16xi32>
      %shift_right_arithmetic3A_416 = arith.shrsi %and3A_413, %shift_right_arithmetic3A_415 : vector<16xi32>
      %mul3A_417 = arith.constant 2304 : i32
      %mul3A_418 = vector.broadcast %mul3A_417 : i32 to vector<16xi32>
      %mul3A_419 = arith.muli %shift_right_arithmetic3A_416, %mul3A_418 : vector<16xi32>
      %and3A_420 = arith.constant 127 : i32
      %and3A_421 = vector.broadcast %and3A_420 : i32 to vector<16xi32>
      %and3A_422 = arith.andi %and3A_413, %and3A_421 : vector<16xi32>
      %add3A_423 = arith.addi %mul3A_402, %mul3A_419 : vector<16xi32>
      %add3A_424 = arith.constant 896 : i32
      %add3A_425 = vector.broadcast %add3A_424 : i32 to vector<16xi32>
      %add3A_426 = arith.addi %and3A_422, %add3A_425 : vector<16xi32>
      %add3A_427 = arith.addi %add3A_423, %add3A_426 : vector<16xi32>
      tpu.vector_store_idx %arg4[%add3A_427], %broadcast_in_dim3A_403 {add = true} : memref<73728xf32, #tpu.memory_space<vmem>>[vector<16xi32>], vector<16xf32>,
      %shift_right_arithmetic3A_428 = arith.constant 8 : i32
      %shift_right_arithmetic3A_429 = vector.broadcast %shift_right_arithmetic3A_428 : i32 to vector<16xi32>
      %shift_right_arithmetic3A_430 = arith.shrsi %get3A_408, %shift_right_arithmetic3A_429 : vector<16xi32>
      %and3A_431 = arith.constant 255 : i32
      %and3A_432 = vector.broadcast %and3A_431 : i32 to vector<16xi32>
      %and3A_433 = arith.andi %shift_right_arithmetic3A_430, %and3A_432 : vector<16xi32>
      %shift_right_arithmetic3A_434 = arith.constant 7 : i32
      %shift_right_arithmetic3A_435 = vector.broadcast %shift_right_arithmetic3A_434 : i32 to vector<16xi32>
      %shift_right_arithmetic3A_436 = arith.shrsi %and3A_433, %shift_right_arithmetic3A_435 : vector<16xi32>
      %mul3A_437 = arith.constant 2304 : i32
      %mul3A_438 = vector.broadcast %mul3A_437 : i32 to vector<16xi32>
      %mul3A_439 = arith.muli %shift_right_arithmetic3A_436, %mul3A_438 : vector<16xi32>
      %and3A_440 = arith.constant 127 : i32
      %and3A_441 = vector.broadcast %and3A_440 : i32 to vector<16xi32>
      %and3A_442 = arith.andi %and3A_433, %and3A_441 : vector<16xi32>
      %add3A_443 = arith.addi %mul3A_402, %mul3A_439 : vector<16xi32>
      %add3A_444 = arith.constant 896 : i32
      %add3A_445 = vector.broadcast %add3A_444 : i32 to vector<16xi32>
      %add3A_446 = arith.addi %and3A_442, %add3A_445 : vector<16xi32>
      %add3A_447 = arith.addi %add3A_443, %add3A_446 : vector<16xi32>
      tpu.vector_store_idx %arg4[%add3A_447], %broadcast_in_dim3A_403 {add = true} : memref<73728xf32, #tpu.memory_space<vmem>>[vector<16xi32>], vector<16xf32>,
      %shift_right_arithmetic3A_448 = arith.constant 16 : i32
      %shift_right_arithmetic3A_449 = vector.broadcast %shift_right_arithmetic3A_448 : i32 to vector<16xi32>
      %shift_right_arithmetic3A_450 = arith.shrsi %get3A_408, %shift_right_arithmetic3A_449 : vector<16xi32>
      %and3A_451 = arith.constant 255 : i32
      %and3A_452 = vector.broadcast %and3A_451 : i32 to vector<16xi32>
      %and3A_453 = arith.andi %shift_right_arithmetic3A_450, %and3A_452 : vector<16xi32>
      %shift_right_arithmetic3A_454 = arith.constant 7 : i32
      %shift_right_arithmetic3A_455 = vector.broadcast %shift_right_arithmetic3A_454 : i32 to vector<16xi32>
      %shift_right_arithmetic3A_456 = arith.shrsi %and3A_453, %shift_right_arithmetic3A_455 : vector<16xi32>
      %mul3A_457 = arith.constant 2304 : i32
      %mul3A_458 = vector.broadcast %mul3A_457 : i32 to vector<16xi32>
      %mul3A_459 = arith.muli %shift_right_arithmetic3A_456, %mul3A_458 : vector<16xi32>
      %and3A_460 = arith.constant 127 : i32
      %and3A_461 = vector.broadcast %and3A_460 : i32 to vector<16xi32>
      %and3A_462 = arith.andi %and3A_453, %and3A_461 : vector<16xi32>
      %add3A_463 = arith.addi %mul3A_402, %mul3A_459 : vector<16xi32>
      %add3A_464 = arith.constant 896 : i32
      %add3A_465 = vector.broadcast %add3A_464 : i32 to vector<16xi32>
      %add3A_466 = arith.addi %and3A_462, %add3A_465 : vector<16xi32>
      %add3A_467 = arith.addi %add3A_463, %add3A_466 : vector<16xi32>
      tpu.vector_store_idx %arg4[%add3A_467], %broadcast_in_dim3A_403 {add = true} : memref<73728xf32, #tpu.memory_space<vmem>>[vector<16xi32>], vector<16xf32>,
      %shift_right_arithmetic3A_468 = arith.constant 24 : i32
      %shift_right_arithmetic3A_469 = vector.broadcast %shift_right_arithmetic3A_468 : i32 to vector<16xi32>
      %shift_right_arithmetic3A_470 = arith.shrsi %get3A_408, %shift_right_arithmetic3A_469 : vector<16xi32>
      %and3A_471 = arith.constant 255 : i32
      %and3A_472 = vector.broadcast %and3A_471 : i32 to vector<16xi32>
      %and3A_473 = arith.andi %shift_right_arithmetic3A_470, %and3A_472 : vector<16xi32>
      %shift_right_arithmetic3A_474 = arith.constant 7 : i32
      %shift_right_arithmetic3A_475 = vector.broadcast %shift_right_arithmetic3A_474 : i32 to vector<16xi32>
      %shift_right_arithmetic3A_476 = arith.shrsi %and3A_473, %shift_right_arithmetic3A_475 : vector<16xi32>
      %mul3A_477 = arith.constant 2304 : i32
      %mul3A_478 = vector.broadcast %mul3A_477 : i32 to vector<16xi32>
      %mul3A_479 = arith.muli %shift_right_arithmetic3A_476, %mul3A_478 : vector<16xi32>
      %and3A_480 = arith.constant 127 : i32
      %and3A_481 = vector.broadcast %and3A_480 : i32 to vector<16xi32>
      %and3A_482 = arith.andi %and3A_473, %and3A_481 : vector<16xi32>
      %add3A_483 = arith.addi %mul3A_402, %mul3A_479 : vector<16xi32>
      %add3A_484 = arith.constant 896 : i32
      %add3A_485 = vector.broadcast %add3A_484 : i32 to vector<16xi32>
      %add3A_486 = arith.addi %and3A_482, %add3A_485 : vector<16xi32>
      %add3A_487 = arith.addi %add3A_483, %add3A_486 : vector<16xi32>
      tpu.vector_store_idx %arg4[%add3A_487], %broadcast_in_dim3A_403 {add = true} : memref<73728xf32, #tpu.memory_space<vmem>>[vector<16xi32>], vector<16xf32>,
    }
    %scan3A_206 = arith.constant 625 : i32
    %add3A_207 = arith.constant 1440000 : i32
    %add3A_208 = arith.addi %add3A_35, %add3A_207 : i32
    %dma_start3A_209 = arith.constant 10000 : i32
    %dma_start3A_210 = tpu.memref_slice %arg5[%dma_start3A_209] : memref<20000xi32, #tpu.memory_space<vmem>> -> memref<10000xi32, #tpu.memory_space<vmem>>
    %dma_start3A_211 = tpu.memref_slice %arg2[%add3A_208] : memref<5760000xi32, #tpu.memory_space<hbm>> -> memref<10000xi32, #tpu.memory_space<hbm>>
    %dma_start3A_212 = arith.constant 10000 : i32
    %dma_start3A_213 = tpu.memref_slice %arg5[%dma_start3A_212] : memref<20000xi32, #tpu.memory_space<vmem>> -> memref<10000xi32, #tpu.memory_space<vmem>>
    %dma_start3A_214 = tpu.memref_slice %arg2[%add3A_208] : memref<5760000xi32, #tpu.memory_space<hbm>> -> memref<10000xi32, #tpu.memory_space<hbm>>
    tpu.enqueue_dma source(%dma_start3A_214 : memref<10000xi32, #tpu.memory_space<hbm>>) target(%dma_start3A_213 : memref<10000xi32, #tpu.memory_space<vmem>>) target_semaphore(%arg7 : memref<!tpu.dma_semaphore, #tpu.memory_space<semaphore_mem>>)
    %dma_wait3A_215 = arith.constant 0 : i32
    %dma_wait3A_216 = tpu.memref_slice %arg5[%dma_wait3A_215] : memref<20000xi32, #tpu.memory_space<vmem>> -> memref<10000xi32, #tpu.memory_space<vmem>>
    %dma_wait3A_217 = tpu.memref_slice %arg2[%add3A_188] : memref<5760000xi32, #tpu.memory_space<hbm>> -> memref<10000xi32, #tpu.memory_space<hbm>>
    %dma_wait3A_218 = arith.constant 0 : i32
    %dma_wait3A_219 = tpu.memref_slice %arg5[%dma_wait3A_218] : memref<20000xi32, #tpu.memory_space<vmem>> -> memref<10000xi32, #tpu.memory_space<vmem>>
    %dma_wait3A_220 = tpu.memref_slice %arg2[%add3A_188] : memref<5760000xi32, #tpu.memory_space<hbm>> -> memref<10000xi32, #tpu.memory_space<hbm>>
    tpu.wait_dma2 semaphore(%arg6 : memref<!tpu.dma_semaphore, #tpu.memory_space<semaphore_mem>>) src(%dma_wait3A_220 : memref<10000xi32, #tpu.memory_space<hbm>>) dst(%dma_wait3A_219 : memref<10000xi32, #tpu.memory_space<vmem>>)
    %scan3A_221 = arith.constant 0 : i32
    %scan3A_222 = arith.constant 0 : i32
    %scan3A_223 = arith.constant 625 : i32
    %scan3A_224 = arith.addi %scan3A_222, %scan3A_223 : i32
    %scan3A_225 = arith.constant 1 : i32
    scf.for %scan3A_399 = %scan3A_222 to %scan3A_224 step %scan3A_225  : i32 {
      %iota3A = tpu.iota {dimensions = array<i32: 0>} : vector<16xi32>
      %mul3A_400 = arith.constant 4608 : i32
      %mul3A_401 = vector.broadcast %mul3A_400 : i32 to vector<16xi32>
      %mul3A_402 = arith.muli %iota3A, %mul3A_401 : vector<16xi32>
      %broadcast_in_dim3A = arith.constant 1.000000e+00 : f32
      %broadcast_in_dim3A_403 = vector.broadcast %broadcast_in_dim3A : f32 to vector<16xf32>
      %mul3A_404 = arith.constant 16 : i32
      %mul3A_405 = arith.muli %scan3A_399, %mul3A_404 : i32
      %add3A_406 = arith.constant 0 : i32
      %add3A_407 = arith.addi %add3A_406, %mul3A_405 : i32
      %get3A = arith.index_cast %add3A_407 : i32 to index
      %get3A_408 = tpu.vector_load %arg5[%get3A] {strides = array<i32>} : memref<20000xi32, #tpu.memory_space<vmem>>, vector<16xi32>,
      %shift_right_arithmetic3A = arith.constant 0 : i32
      %shift_right_arithmetic3A_409 = vector.broadcast %shift_right_arithmetic3A : i32 to vector<16xi32>
      %shift_right_arithmetic3A_410 = arith.shrsi %get3A_408, %shift_right_arithmetic3A_409 : vector<16xi32>
      %and3A_411 = arith.constant 255 : i32
      %and3A_412 = vector.broadcast %and3A_411 : i32 to vector<16xi32>
      %and3A_413 = arith.andi %shift_right_arithmetic3A_410, %and3A_412 : vector<16xi32>
      %shift_right_arithmetic3A_414 = arith.constant 7 : i32
      %shift_right_arithmetic3A_415 = vector.broadcast %shift_right_arithmetic3A_414 : i32 to vector<16xi32>
      %shift_right_arithmetic3A_416 = arith.shrsi %and3A_413, %shift_right_arithmetic3A_415 : vector<16xi32>
      %mul3A_417 = arith.constant 2304 : i32
      %mul3A_418 = vector.broadcast %mul3A_417 : i32 to vector<16xi32>
      %mul3A_419 = arith.muli %shift_right_arithmetic3A_416, %mul3A_418 : vector<16xi32>
      %and3A_420 = arith.constant 127 : i32
      %and3A_421 = vector.broadcast %and3A_420 : i32 to vector<16xi32>
      %and3A_422 = arith.andi %and3A_413, %and3A_421 : vector<16xi32>
      %add3A_423 = arith.addi %mul3A_402, %mul3A_419 : vector<16xi32>
      %add3A_424 = arith.constant 1024 : i32
      %add3A_425 = vector.broadcast %add3A_424 : i32 to vector<16xi32>
      %add3A_426 = arith.addi %and3A_422, %add3A_425 : vector<16xi32>
      %add3A_427 = arith.addi %add3A_423, %add3A_426 : vector<16xi32>
      tpu.vector_store_idx %arg4[%add3A_427], %broadcast_in_dim3A_403 {add = true} : memref<73728xf32, #tpu.memory_space<vmem>>[vector<16xi32>], vector<16xf32>,
      %shift_right_arithmetic3A_428 = arith.constant 8 : i32
      %shift_right_arithmetic3A_429 = vector.broadcast %shift_right_arithmetic3A_428 : i32 to vector<16xi32>
      %shift_right_arithmetic3A_430 = arith.shrsi %get3A_408, %shift_right_arithmetic3A_429 : vector<16xi32>
      %and3A_431 = arith.constant 255 : i32
      %and3A_432 = vector.broadcast %and3A_431 : i32 to vector<16xi32>
      %and3A_433 = arith.andi %shift_right_arithmetic3A_430, %and3A_432 : vector<16xi32>
      %shift_right_arithmetic3A_434 = arith.constant 7 : i32
      %shift_right_arithmetic3A_435 = vector.broadcast %shift_right_arithmetic3A_434 : i32 to vector<16xi32>
      %shift_right_arithmetic3A_436 = arith.shrsi %and3A_433, %shift_right_arithmetic3A_435 : vector<16xi32>
      %mul3A_437 = arith.constant 2304 : i32
      %mul3A_438 = vector.broadcast %mul3A_437 : i32 to vector<16xi32>
      %mul3A_439 = arith.muli %shift_right_arithmetic3A_436, %mul3A_438 : vector<16xi32>
      %and3A_440 = arith.constant 127 : i32
      %and3A_441 = vector.broadcast %and3A_440 : i32 to vector<16xi32>
      %and3A_442 = arith.andi %and3A_433, %and3A_441 : vector<16xi32>
      %add3A_443 = arith.addi %mul3A_402, %mul3A_439 : vector<16xi32>
      %add3A_444 = arith.constant 1024 : i32
      %add3A_445 = vector.broadcast %add3A_444 : i32 to vector<16xi32>
      %add3A_446 = arith.addi %and3A_442, %add3A_445 : vector<16xi32>
      %add3A_447 = arith.addi %add3A_443, %add3A_446 : vector<16xi32>
      tpu.vector_store_idx %arg4[%add3A_447], %broadcast_in_dim3A_403 {add = true} : memref<73728xf32, #tpu.memory_space<vmem>>[vector<16xi32>], vector<16xf32>,
      %shift_right_arithmetic3A_448 = arith.constant 16 : i32
      %shift_right_arithmetic3A_449 = vector.broadcast %shift_right_arithmetic3A_448 : i32 to vector<16xi32>
      %shift_right_arithmetic3A_450 = arith.shrsi %get3A_408, %shift_right_arithmetic3A_449 : vector<16xi32>
      %and3A_451 = arith.constant 255 : i32
      %and3A_452 = vector.broadcast %and3A_451 : i32 to vector<16xi32>
      %and3A_453 = arith.andi %shift_right_arithmetic3A_450, %and3A_452 : vector<16xi32>
      %shift_right_arithmetic3A_454 = arith.constant 7 : i32
      %shift_right_arithmetic3A_455 = vector.broadcast %shift_right_arithmetic3A_454 : i32 to vector<16xi32>
      %shift_right_arithmetic3A_456 = arith.shrsi %and3A_453, %shift_right_arithmetic3A_455 : vector<16xi32>
      %mul3A_457 = arith.constant 2304 : i32
      %mul3A_458 = vector.broadcast %mul3A_457 : i32 to vector<16xi32>
      %mul3A_459 = arith.muli %shift_right_arithmetic3A_456, %mul3A_458 : vector<16xi32>
      %and3A_460 = arith.constant 127 : i32
      %and3A_461 = vector.broadcast %and3A_460 : i32 to vector<16xi32>
      %and3A_462 = arith.andi %and3A_453, %and3A_461 : vector<16xi32>
      %add3A_463 = arith.addi %mul3A_402, %mul3A_459 : vector<16xi32>
      %add3A_464 = arith.constant 1024 : i32
      %add3A_465 = vector.broadcast %add3A_464 : i32 to vector<16xi32>
      %add3A_466 = arith.addi %and3A_462, %add3A_465 : vector<16xi32>
      %add3A_467 = arith.addi %add3A_463, %add3A_466 : vector<16xi32>
      tpu.vector_store_idx %arg4[%add3A_467], %broadcast_in_dim3A_403 {add = true} : memref<73728xf32, #tpu.memory_space<vmem>>[vector<16xi32>], vector<16xf32>,
      %shift_right_arithmetic3A_468 = arith.constant 24 : i32
      %shift_right_arithmetic3A_469 = vector.broadcast %shift_right_arithmetic3A_468 : i32 to vector<16xi32>
      %shift_right_arithmetic3A_470 = arith.shrsi %get3A_408, %shift_right_arithmetic3A_469 : vector<16xi32>
      %and3A_471 = arith.constant 255 : i32
      %and3A_472 = vector.broadcast %and3A_471 : i32 to vector<16xi32>
      %and3A_473 = arith.andi %shift_right_arithmetic3A_470, %and3A_472 : vector<16xi32>
      %shift_right_arithmetic3A_474 = arith.constant 7 : i32
      %shift_right_arithmetic3A_475 = vector.broadcast %shift_right_arithmetic3A_474 : i32 to vector<16xi32>
      %shift_right_arithmetic3A_476 = arith.shrsi %and3A_473, %shift_right_arithmetic3A_475 : vector<16xi32>
      %mul3A_477 = arith.constant 2304 : i32
      %mul3A_478 = vector.broadcast %mul3A_477 : i32 to vector<16xi32>
      %mul3A_479 = arith.muli %shift_right_arithmetic3A_476, %mul3A_478 : vector<16xi32>
      %and3A_480 = arith.constant 127 : i32
      %and3A_481 = vector.broadcast %and3A_480 : i32 to vector<16xi32>
      %and3A_482 = arith.andi %and3A_473, %and3A_481 : vector<16xi32>
      %add3A_483 = arith.addi %mul3A_402, %mul3A_479 : vector<16xi32>
      %add3A_484 = arith.constant 1024 : i32
      %add3A_485 = vector.broadcast %add3A_484 : i32 to vector<16xi32>
      %add3A_486 = arith.addi %and3A_482, %add3A_485 : vector<16xi32>
      %add3A_487 = arith.addi %add3A_483, %add3A_486 : vector<16xi32>
      tpu.vector_store_idx %arg4[%add3A_487], %broadcast_in_dim3A_403 {add = true} : memref<73728xf32, #tpu.memory_space<vmem>>[vector<16xi32>], vector<16xf32>,
    }
    %scan3A_226 = arith.constant 625 : i32
    %add3A_227 = arith.constant 1600000 : i32
    %add3A_228 = arith.addi %add3A_35, %add3A_227 : i32
    %dma_start3A_229 = arith.constant 0 : i32
    %dma_start3A_230 = tpu.memref_slice %arg5[%dma_start3A_229] : memref<20000xi32, #tpu.memory_space<vmem>> -> memref<10000xi32, #tpu.memory_space<vmem>>
    %dma_start3A_231 = tpu.memref_slice %arg2[%add3A_228] : memref<5760000xi32, #tpu.memory_space<hbm>> -> memref<10000xi32, #tpu.memory_space<hbm>>
    %dma_start3A_232 = arith.constant 0 : i32
    %dma_start3A_233 = tpu.memref_slice %arg5[%dma_start3A_232] : memref<20000xi32, #tpu.memory_space<vmem>> -> memref<10000xi32, #tpu.memory_space<vmem>>
    %dma_start3A_234 = tpu.memref_slice %arg2[%add3A_228] : memref<5760000xi32, #tpu.memory_space<hbm>> -> memref<10000xi32, #tpu.memory_space<hbm>>
    tpu.enqueue_dma source(%dma_start3A_234 : memref<10000xi32, #tpu.memory_space<hbm>>) target(%dma_start3A_233 : memref<10000xi32, #tpu.memory_space<vmem>>) target_semaphore(%arg6 : memref<!tpu.dma_semaphore, #tpu.memory_space<semaphore_mem>>)
    %dma_wait3A_235 = arith.constant 10000 : i32
    %dma_wait3A_236 = tpu.memref_slice %arg5[%dma_wait3A_235] : memref<20000xi32, #tpu.memory_space<vmem>> -> memref<10000xi32, #tpu.memory_space<vmem>>
    %dma_wait3A_237 = tpu.memref_slice %arg2[%add3A_208] : memref<5760000xi32, #tpu.memory_space<hbm>> -> memref<10000xi32, #tpu.memory_space<hbm>>
    %dma_wait3A_238 = arith.constant 10000 : i32
    %dma_wait3A_239 = tpu.memref_slice %arg5[%dma_wait3A_238] : memref<20000xi32, #tpu.memory_space<vmem>> -> memref<10000xi32, #tpu.memory_space<vmem>>
    %dma_wait3A_240 = tpu.memref_slice %arg2[%add3A_208] : memref<5760000xi32, #tpu.memory_space<hbm>> -> memref<10000xi32, #tpu.memory_space<hbm>>
    tpu.wait_dma2 semaphore(%arg7 : memref<!tpu.dma_semaphore, #tpu.memory_space<semaphore_mem>>) src(%dma_wait3A_240 : memref<10000xi32, #tpu.memory_space<hbm>>) dst(%dma_wait3A_239 : memref<10000xi32, #tpu.memory_space<vmem>>)
    %scan3A_241 = arith.constant 0 : i32
    %scan3A_242 = arith.constant 0 : i32
    %scan3A_243 = arith.constant 625 : i32
    %scan3A_244 = arith.addi %scan3A_242, %scan3A_243 : i32
    %scan3A_245 = arith.constant 1 : i32
    scf.for %scan3A_399 = %scan3A_242 to %scan3A_244 step %scan3A_245  : i32 {
      %iota3A = tpu.iota {dimensions = array<i32: 0>} : vector<16xi32>
      %mul3A_400 = arith.constant 4608 : i32
      %mul3A_401 = vector.broadcast %mul3A_400 : i32 to vector<16xi32>
      %mul3A_402 = arith.muli %iota3A, %mul3A_401 : vector<16xi32>
      %broadcast_in_dim3A = arith.constant 1.000000e+00 : f32
      %broadcast_in_dim3A_403 = vector.broadcast %broadcast_in_dim3A : f32 to vector<16xf32>
      %mul3A_404 = arith.constant 16 : i32
      %mul3A_405 = arith.muli %scan3A_399, %mul3A_404 : i32
      %add3A_406 = arith.constant 10000 : i32
      %add3A_407 = arith.addi %add3A_406, %mul3A_405 : i32
      %get3A = arith.index_cast %add3A_407 : i32 to index
      %get3A_408 = tpu.vector_load %arg5[%get3A] {strides = array<i32>} : memref<20000xi32, #tpu.memory_space<vmem>>, vector<16xi32>,
      %shift_right_arithmetic3A = arith.constant 0 : i32
      %shift_right_arithmetic3A_409 = vector.broadcast %shift_right_arithmetic3A : i32 to vector<16xi32>
      %shift_right_arithmetic3A_410 = arith.shrsi %get3A_408, %shift_right_arithmetic3A_409 : vector<16xi32>
      %and3A_411 = arith.constant 255 : i32
      %and3A_412 = vector.broadcast %and3A_411 : i32 to vector<16xi32>
      %and3A_413 = arith.andi %shift_right_arithmetic3A_410, %and3A_412 : vector<16xi32>
      %shift_right_arithmetic3A_414 = arith.constant 7 : i32
      %shift_right_arithmetic3A_415 = vector.broadcast %shift_right_arithmetic3A_414 : i32 to vector<16xi32>
      %shift_right_arithmetic3A_416 = arith.shrsi %and3A_413, %shift_right_arithmetic3A_415 : vector<16xi32>
      %mul3A_417 = arith.constant 2304 : i32
      %mul3A_418 = vector.broadcast %mul3A_417 : i32 to vector<16xi32>
      %mul3A_419 = arith.muli %shift_right_arithmetic3A_416, %mul3A_418 : vector<16xi32>
      %and3A_420 = arith.constant 127 : i32
      %and3A_421 = vector.broadcast %and3A_420 : i32 to vector<16xi32>
      %and3A_422 = arith.andi %and3A_413, %and3A_421 : vector<16xi32>
      %add3A_423 = arith.addi %mul3A_402, %mul3A_419 : vector<16xi32>
      %add3A_424 = arith.constant 1152 : i32
      %add3A_425 = vector.broadcast %add3A_424 : i32 to vector<16xi32>
      %add3A_426 = arith.addi %and3A_422, %add3A_425 : vector<16xi32>
      %add3A_427 = arith.addi %add3A_423, %add3A_426 : vector<16xi32>
      tpu.vector_store_idx %arg4[%add3A_427], %broadcast_in_dim3A_403 {add = true} : memref<73728xf32, #tpu.memory_space<vmem>>[vector<16xi32>], vector<16xf32>,
      %shift_right_arithmetic3A_428 = arith.constant 8 : i32
      %shift_right_arithmetic3A_429 = vector.broadcast %shift_right_arithmetic3A_428 : i32 to vector<16xi32>
      %shift_right_arithmetic3A_430 = arith.shrsi %get3A_408, %shift_right_arithmetic3A_429 : vector<16xi32>
      %and3A_431 = arith.constant 255 : i32
      %and3A_432 = vector.broadcast %and3A_431 : i32 to vector<16xi32>
      %and3A_433 = arith.andi %shift_right_arithmetic3A_430, %and3A_432 : vector<16xi32>
      %shift_right_arithmetic3A_434 = arith.constant 7 : i32
      %shift_right_arithmetic3A_435 = vector.broadcast %shift_right_arithmetic3A_434 : i32 to vector<16xi32>
      %shift_right_arithmetic3A_436 = arith.shrsi %and3A_433, %shift_right_arithmetic3A_435 : vector<16xi32>
      %mul3A_437 = arith.constant 2304 : i32
      %mul3A_438 = vector.broadcast %mul3A_437 : i32 to vector<16xi32>
      %mul3A_439 = arith.muli %shift_right_arithmetic3A_436, %mul3A_438 : vector<16xi32>
      %and3A_440 = arith.constant 127 : i32
      %and3A_441 = vector.broadcast %and3A_440 : i32 to vector<16xi32>
      %and3A_442 = arith.andi %and3A_433, %and3A_441 : vector<16xi32>
      %add3A_443 = arith.addi %mul3A_402, %mul3A_439 : vector<16xi32>
      %add3A_444 = arith.constant 1152 : i32
      %add3A_445 = vector.broadcast %add3A_444 : i32 to vector<16xi32>
      %add3A_446 = arith.addi %and3A_442, %add3A_445 : vector<16xi32>
      %add3A_447 = arith.addi %add3A_443, %add3A_446 : vector<16xi32>
      tpu.vector_store_idx %arg4[%add3A_447], %broadcast_in_dim3A_403 {add = true} : memref<73728xf32, #tpu.memory_space<vmem>>[vector<16xi32>], vector<16xf32>,
      %shift_right_arithmetic3A_448 = arith.constant 16 : i32
      %shift_right_arithmetic3A_449 = vector.broadcast %shift_right_arithmetic3A_448 : i32 to vector<16xi32>
      %shift_right_arithmetic3A_450 = arith.shrsi %get3A_408, %shift_right_arithmetic3A_449 : vector<16xi32>
      %and3A_451 = arith.constant 255 : i32
      %and3A_452 = vector.broadcast %and3A_451 : i32 to vector<16xi32>
      %and3A_453 = arith.andi %shift_right_arithmetic3A_450, %and3A_452 : vector<16xi32>
      %shift_right_arithmetic3A_454 = arith.constant 7 : i32
      %shift_right_arithmetic3A_455 = vector.broadcast %shift_right_arithmetic3A_454 : i32 to vector<16xi32>
      %shift_right_arithmetic3A_456 = arith.shrsi %and3A_453, %shift_right_arithmetic3A_455 : vector<16xi32>
      %mul3A_457 = arith.constant 2304 : i32
      %mul3A_458 = vector.broadcast %mul3A_457 : i32 to vector<16xi32>
      %mul3A_459 = arith.muli %shift_right_arithmetic3A_456, %mul3A_458 : vector<16xi32>
      %and3A_460 = arith.constant 127 : i32
      %and3A_461 = vector.broadcast %and3A_460 : i32 to vector<16xi32>
      %and3A_462 = arith.andi %and3A_453, %and3A_461 : vector<16xi32>
      %add3A_463 = arith.addi %mul3A_402, %mul3A_459 : vector<16xi32>
      %add3A_464 = arith.constant 1152 : i32
      %add3A_465 = vector.broadcast %add3A_464 : i32 to vector<16xi32>
      %add3A_466 = arith.addi %and3A_462, %add3A_465 : vector<16xi32>
      %add3A_467 = arith.addi %add3A_463, %add3A_466 : vector<16xi32>
      tpu.vector_store_idx %arg4[%add3A_467], %broadcast_in_dim3A_403 {add = true} : memref<73728xf32, #tpu.memory_space<vmem>>[vector<16xi32>], vector<16xf32>,
      %shift_right_arithmetic3A_468 = arith.constant 24 : i32
      %shift_right_arithmetic3A_469 = vector.broadcast %shift_right_arithmetic3A_468 : i32 to vector<16xi32>
      %shift_right_arithmetic3A_470 = arith.shrsi %get3A_408, %shift_right_arithmetic3A_469 : vector<16xi32>
      %and3A_471 = arith.constant 255 : i32
      %and3A_472 = vector.broadcast %and3A_471 : i32 to vector<16xi32>
      %and3A_473 = arith.andi %shift_right_arithmetic3A_470, %and3A_472 : vector<16xi32>
      %shift_right_arithmetic3A_474 = arith.constant 7 : i32
      %shift_right_arithmetic3A_475 = vector.broadcast %shift_right_arithmetic3A_474 : i32 to vector<16xi32>
      %shift_right_arithmetic3A_476 = arith.shrsi %and3A_473, %shift_right_arithmetic3A_475 : vector<16xi32>
      %mul3A_477 = arith.constant 2304 : i32
      %mul3A_478 = vector.broadcast %mul3A_477 : i32 to vector<16xi32>
      %mul3A_479 = arith.muli %shift_right_arithmetic3A_476, %mul3A_478 : vector<16xi32>
      %and3A_480 = arith.constant 127 : i32
      %and3A_481 = vector.broadcast %and3A_480 : i32 to vector<16xi32>
      %and3A_482 = arith.andi %and3A_473, %and3A_481 : vector<16xi32>
      %add3A_483 = arith.addi %mul3A_402, %mul3A_479 : vector<16xi32>
      %add3A_484 = arith.constant 1152 : i32
      %add3A_485 = vector.broadcast %add3A_484 : i32 to vector<16xi32>
      %add3A_486 = arith.addi %and3A_482, %add3A_485 : vector<16xi32>
      %add3A_487 = arith.addi %add3A_483, %add3A_486 : vector<16xi32>
      tpu.vector_store_idx %arg4[%add3A_487], %broadcast_in_dim3A_403 {add = true} : memref<73728xf32, #tpu.memory_space<vmem>>[vector<16xi32>], vector<16xf32>,
    }
    %scan3A_246 = arith.constant 625 : i32
    %add3A_247 = arith.constant 1760000 : i32
    %add3A_248 = arith.addi %add3A_35, %add3A_247 : i32
    %dma_start3A_249 = arith.constant 10000 : i32
    %dma_start3A_250 = tpu.memref_slice %arg5[%dma_start3A_249] : memref<20000xi32, #tpu.memory_space<vmem>> -> memref<10000xi32, #tpu.memory_space<vmem>>
    %dma_start3A_251 = tpu.memref_slice %arg2[%add3A_248] : memref<5760000xi32, #tpu.memory_space<hbm>> -> memref<10000xi32, #tpu.memory_space<hbm>>
    %dma_start3A_252 = arith.constant 10000 : i32
    %dma_start3A_253 = tpu.memref_slice %arg5[%dma_start3A_252] : memref<20000xi32, #tpu.memory_space<vmem>> -> memref<10000xi32, #tpu.memory_space<vmem>>
    %dma_start3A_254 = tpu.memref_slice %arg2[%add3A_248] : memref<5760000xi32, #tpu.memory_space<hbm>> -> memref<10000xi32, #tpu.memory_space<hbm>>
    tpu.enqueue_dma source(%dma_start3A_254 : memref<10000xi32, #tpu.memory_space<hbm>>) target(%dma_start3A_253 : memref<10000xi32, #tpu.memory_space<vmem>>) target_semaphore(%arg7 : memref<!tpu.dma_semaphore, #tpu.memory_space<semaphore_mem>>)
    %dma_wait3A_255 = arith.constant 0 : i32
    %dma_wait3A_256 = tpu.memref_slice %arg5[%dma_wait3A_255] : memref<20000xi32, #tpu.memory_space<vmem>> -> memref<10000xi32, #tpu.memory_space<vmem>>
    %dma_wait3A_257 = tpu.memref_slice %arg2[%add3A_228] : memref<5760000xi32, #tpu.memory_space<hbm>> -> memref<10000xi32, #tpu.memory_space<hbm>>
    %dma_wait3A_258 = arith.constant 0 : i32
    %dma_wait3A_259 = tpu.memref_slice %arg5[%dma_wait3A_258] : memref<20000xi32, #tpu.memory_space<vmem>> -> memref<10000xi32, #tpu.memory_space<vmem>>
    %dma_wait3A_260 = tpu.memref_slice %arg2[%add3A_228] : memref<5760000xi32, #tpu.memory_space<hbm>> -> memref<10000xi32, #tpu.memory_space<hbm>>
    tpu.wait_dma2 semaphore(%arg6 : memref<!tpu.dma_semaphore, #tpu.memory_space<semaphore_mem>>) src(%dma_wait3A_260 : memref<10000xi32, #tpu.memory_space<hbm>>) dst(%dma_wait3A_259 : memref<10000xi32, #tpu.memory_space<vmem>>)
    %scan3A_261 = arith.constant 0 : i32
    %scan3A_262 = arith.constant 0 : i32
    %scan3A_263 = arith.constant 625 : i32
    %scan3A_264 = arith.addi %scan3A_262, %scan3A_263 : i32
    %scan3A_265 = arith.constant 1 : i32
    scf.for %scan3A_399 = %scan3A_262 to %scan3A_264 step %scan3A_265  : i32 {
      %iota3A = tpu.iota {dimensions = array<i32: 0>} : vector<16xi32>
      %mul3A_400 = arith.constant 4608 : i32
      %mul3A_401 = vector.broadcast %mul3A_400 : i32 to vector<16xi32>
      %mul3A_402 = arith.muli %iota3A, %mul3A_401 : vector<16xi32>
      %broadcast_in_dim3A = arith.constant 1.000000e+00 : f32
      %broadcast_in_dim3A_403 = vector.broadcast %broadcast_in_dim3A : f32 to vector<16xf32>
      %mul3A_404 = arith.constant 16 : i32
      %mul3A_405 = arith.muli %scan3A_399, %mul3A_404 : i32
      %add3A_406 = arith.constant 0 : i32
      %add3A_407 = arith.addi %add3A_406, %mul3A_405 : i32
      %get3A = arith.index_cast %add3A_407 : i32 to index
      %get3A_408 = tpu.vector_load %arg5[%get3A] {strides = array<i32>} : memref<20000xi32, #tpu.memory_space<vmem>>, vector<16xi32>,
      %shift_right_arithmetic3A = arith.constant 0 : i32
      %shift_right_arithmetic3A_409 = vector.broadcast %shift_right_arithmetic3A : i32 to vector<16xi32>
      %shift_right_arithmetic3A_410 = arith.shrsi %get3A_408, %shift_right_arithmetic3A_409 : vector<16xi32>
      %and3A_411 = arith.constant 255 : i32
      %and3A_412 = vector.broadcast %and3A_411 : i32 to vector<16xi32>
      %and3A_413 = arith.andi %shift_right_arithmetic3A_410, %and3A_412 : vector<16xi32>
      %shift_right_arithmetic3A_414 = arith.constant 7 : i32
      %shift_right_arithmetic3A_415 = vector.broadcast %shift_right_arithmetic3A_414 : i32 to vector<16xi32>
      %shift_right_arithmetic3A_416 = arith.shrsi %and3A_413, %shift_right_arithmetic3A_415 : vector<16xi32>
      %mul3A_417 = arith.constant 2304 : i32
      %mul3A_418 = vector.broadcast %mul3A_417 : i32 to vector<16xi32>
      %mul3A_419 = arith.muli %shift_right_arithmetic3A_416, %mul3A_418 : vector<16xi32>
      %and3A_420 = arith.constant 127 : i32
      %and3A_421 = vector.broadcast %and3A_420 : i32 to vector<16xi32>
      %and3A_422 = arith.andi %and3A_413, %and3A_421 : vector<16xi32>
      %add3A_423 = arith.addi %mul3A_402, %mul3A_419 : vector<16xi32>
      %add3A_424 = arith.constant 1280 : i32
      %add3A_425 = vector.broadcast %add3A_424 : i32 to vector<16xi32>
      %add3A_426 = arith.addi %and3A_422, %add3A_425 : vector<16xi32>
      %add3A_427 = arith.addi %add3A_423, %add3A_426 : vector<16xi32>
      tpu.vector_store_idx %arg4[%add3A_427], %broadcast_in_dim3A_403 {add = true} : memref<73728xf32, #tpu.memory_space<vmem>>[vector<16xi32>], vector<16xf32>,
      %shift_right_arithmetic3A_428 = arith.constant 8 : i32
      %shift_right_arithmetic3A_429 = vector.broadcast %shift_right_arithmetic3A_428 : i32 to vector<16xi32>
      %shift_right_arithmetic3A_430 = arith.shrsi %get3A_408, %shift_right_arithmetic3A_429 : vector<16xi32>
      %and3A_431 = arith.constant 255 : i32
      %and3A_432 = vector.broadcast %and3A_431 : i32 to vector<16xi32>
      %and3A_433 = arith.andi %shift_right_arithmetic3A_430, %and3A_432 : vector<16xi32>
      %shift_right_arithmetic3A_434 = arith.constant 7 : i32
      %shift_right_arithmetic3A_435 = vector.broadcast %shift_right_arithmetic3A_434 : i32 to vector<16xi32>
      %shift_right_arithmetic3A_436 = arith.shrsi %and3A_433, %shift_right_arithmetic3A_435 : vector<16xi32>
      %mul3A_437 = arith.constant 2304 : i32
      %mul3A_438 = vector.broadcast %mul3A_437 : i32 to vector<16xi32>
      %mul3A_439 = arith.muli %shift_right_arithmetic3A_436, %mul3A_438 : vector<16xi32>
      %and3A_440 = arith.constant 127 : i32
      %and3A_441 = vector.broadcast %and3A_440 : i32 to vector<16xi32>
      %and3A_442 = arith.andi %and3A_433, %and3A_441 : vector<16xi32>
      %add3A_443 = arith.addi %mul3A_402, %mul3A_439 : vector<16xi32>
      %add3A_444 = arith.constant 1280 : i32
      %add3A_445 = vector.broadcast %add3A_444 : i32 to vector<16xi32>
      %add3A_446 = arith.addi %and3A_442, %add3A_445 : vector<16xi32>
      %add3A_447 = arith.addi %add3A_443, %add3A_446 : vector<16xi32>
      tpu.vector_store_idx %arg4[%add3A_447], %broadcast_in_dim3A_403 {add = true} : memref<73728xf32, #tpu.memory_space<vmem>>[vector<16xi32>], vector<16xf32>,
      %shift_right_arithmetic3A_448 = arith.constant 16 : i32
      %shift_right_arithmetic3A_449 = vector.broadcast %shift_right_arithmetic3A_448 : i32 to vector<16xi32>
      %shift_right_arithmetic3A_450 = arith.shrsi %get3A_408, %shift_right_arithmetic3A_449 : vector<16xi32>
      %and3A_451 = arith.constant 255 : i32
      %and3A_452 = vector.broadcast %and3A_451 : i32 to vector<16xi32>
      %and3A_453 = arith.andi %shift_right_arithmetic3A_450, %and3A_452 : vector<16xi32>
      %shift_right_arithmetic3A_454 = arith.constant 7 : i32
      %shift_right_arithmetic3A_455 = vector.broadcast %shift_right_arithmetic3A_454 : i32 to vector<16xi32>
      %shift_right_arithmetic3A_456 = arith.shrsi %and3A_453, %shift_right_arithmetic3A_455 : vector<16xi32>
      %mul3A_457 = arith.constant 2304 : i32
      %mul3A_458 = vector.broadcast %mul3A_457 : i32 to vector<16xi32>
      %mul3A_459 = arith.muli %shift_right_arithmetic3A_456, %mul3A_458 : vector<16xi32>
      %and3A_460 = arith.constant 127 : i32
      %and3A_461 = vector.broadcast %and3A_460 : i32 to vector<16xi32>
      %and3A_462 = arith.andi %and3A_453, %and3A_461 : vector<16xi32>
      %add3A_463 = arith.addi %mul3A_402, %mul3A_459 : vector<16xi32>
      %add3A_464 = arith.constant 1280 : i32
      %add3A_465 = vector.broadcast %add3A_464 : i32 to vector<16xi32>
      %add3A_466 = arith.addi %and3A_462, %add3A_465 : vector<16xi32>
      %add3A_467 = arith.addi %add3A_463, %add3A_466 : vector<16xi32>
      tpu.vector_store_idx %arg4[%add3A_467], %broadcast_in_dim3A_403 {add = true} : memref<73728xf32, #tpu.memory_space<vmem>>[vector<16xi32>], vector<16xf32>,
      %shift_right_arithmetic3A_468 = arith.constant 24 : i32
      %shift_right_arithmetic3A_469 = vector.broadcast %shift_right_arithmetic3A_468 : i32 to vector<16xi32>
      %shift_right_arithmetic3A_470 = arith.shrsi %get3A_408, %shift_right_arithmetic3A_469 : vector<16xi32>
      %and3A_471 = arith.constant 255 : i32
      %and3A_472 = vector.broadcast %and3A_471 : i32 to vector<16xi32>
      %and3A_473 = arith.andi %shift_right_arithmetic3A_470, %and3A_472 : vector<16xi32>
      %shift_right_arithmetic3A_474 = arith.constant 7 : i32
      %shift_right_arithmetic3A_475 = vector.broadcast %shift_right_arithmetic3A_474 : i32 to vector<16xi32>
      %shift_right_arithmetic3A_476 = arith.shrsi %and3A_473, %shift_right_arithmetic3A_475 : vector<16xi32>
      %mul3A_477 = arith.constant 2304 : i32
      %mul3A_478 = vector.broadcast %mul3A_477 : i32 to vector<16xi32>
      %mul3A_479 = arith.muli %shift_right_arithmetic3A_476, %mul3A_478 : vector<16xi32>
      %and3A_480 = arith.constant 127 : i32
      %and3A_481 = vector.broadcast %and3A_480 : i32 to vector<16xi32>
      %and3A_482 = arith.andi %and3A_473, %and3A_481 : vector<16xi32>
      %add3A_483 = arith.addi %mul3A_402, %mul3A_479 : vector<16xi32>
      %add3A_484 = arith.constant 1280 : i32
      %add3A_485 = vector.broadcast %add3A_484 : i32 to vector<16xi32>
      %add3A_486 = arith.addi %and3A_482, %add3A_485 : vector<16xi32>
      %add3A_487 = arith.addi %add3A_483, %add3A_486 : vector<16xi32>
      tpu.vector_store_idx %arg4[%add3A_487], %broadcast_in_dim3A_403 {add = true} : memref<73728xf32, #tpu.memory_space<vmem>>[vector<16xi32>], vector<16xf32>,
    }
    %scan3A_266 = arith.constant 625 : i32
    %add3A_267 = arith.constant 1920000 : i32
    %add3A_268 = arith.addi %add3A_35, %add3A_267 : i32
    %dma_start3A_269 = arith.constant 0 : i32
    %dma_start3A_270 = tpu.memref_slice %arg5[%dma_start3A_269] : memref<20000xi32, #tpu.memory_space<vmem>> -> memref<10000xi32, #tpu.memory_space<vmem>>
    %dma_start3A_271 = tpu.memref_slice %arg2[%add3A_268] : memref<5760000xi32, #tpu.memory_space<hbm>> -> memref<10000xi32, #tpu.memory_space<hbm>>
    %dma_start3A_272 = arith.constant 0 : i32
    %dma_start3A_273 = tpu.memref_slice %arg5[%dma_start3A_272] : memref<20000xi32, #tpu.memory_space<vmem>> -> memref<10000xi32, #tpu.memory_space<vmem>>
    %dma_start3A_274 = tpu.memref_slice %arg2[%add3A_268] : memref<5760000xi32, #tpu.memory_space<hbm>> -> memref<10000xi32, #tpu.memory_space<hbm>>
    tpu.enqueue_dma source(%dma_start3A_274 : memref<10000xi32, #tpu.memory_space<hbm>>) target(%dma_start3A_273 : memref<10000xi32, #tpu.memory_space<vmem>>) target_semaphore(%arg6 : memref<!tpu.dma_semaphore, #tpu.memory_space<semaphore_mem>>)
    %dma_wait3A_275 = arith.constant 10000 : i32
    %dma_wait3A_276 = tpu.memref_slice %arg5[%dma_wait3A_275] : memref<20000xi32, #tpu.memory_space<vmem>> -> memref<10000xi32, #tpu.memory_space<vmem>>
    %dma_wait3A_277 = tpu.memref_slice %arg2[%add3A_248] : memref<5760000xi32, #tpu.memory_space<hbm>> -> memref<10000xi32, #tpu.memory_space<hbm>>
    %dma_wait3A_278 = arith.constant 10000 : i32
    %dma_wait3A_279 = tpu.memref_slice %arg5[%dma_wait3A_278] : memref<20000xi32, #tpu.memory_space<vmem>> -> memref<10000xi32, #tpu.memory_space<vmem>>
    %dma_wait3A_280 = tpu.memref_slice %arg2[%add3A_248] : memref<5760000xi32, #tpu.memory_space<hbm>> -> memref<10000xi32, #tpu.memory_space<hbm>>
    tpu.wait_dma2 semaphore(%arg7 : memref<!tpu.dma_semaphore, #tpu.memory_space<semaphore_mem>>) src(%dma_wait3A_280 : memref<10000xi32, #tpu.memory_space<hbm>>) dst(%dma_wait3A_279 : memref<10000xi32, #tpu.memory_space<vmem>>)
    %scan3A_281 = arith.constant 0 : i32
    %scan3A_282 = arith.constant 0 : i32
    %scan3A_283 = arith.constant 625 : i32
    %scan3A_284 = arith.addi %scan3A_282, %scan3A_283 : i32
    %scan3A_285 = arith.constant 1 : i32
    scf.for %scan3A_399 = %scan3A_282 to %scan3A_284 step %scan3A_285  : i32 {
      %iota3A = tpu.iota {dimensions = array<i32: 0>} : vector<16xi32>
      %mul3A_400 = arith.constant 4608 : i32
      %mul3A_401 = vector.broadcast %mul3A_400 : i32 to vector<16xi32>
      %mul3A_402 = arith.muli %iota3A, %mul3A_401 : vector<16xi32>
      %broadcast_in_dim3A = arith.constant 1.000000e+00 : f32
      %broadcast_in_dim3A_403 = vector.broadcast %broadcast_in_dim3A : f32 to vector<16xf32>
      %mul3A_404 = arith.constant 16 : i32
      %mul3A_405 = arith.muli %scan3A_399, %mul3A_404 : i32
      %add3A_406 = arith.constant 10000 : i32
      %add3A_407 = arith.addi %add3A_406, %mul3A_405 : i32
      %get3A = arith.index_cast %add3A_407 : i32 to index
      %get3A_408 = tpu.vector_load %arg5[%get3A] {strides = array<i32>} : memref<20000xi32, #tpu.memory_space<vmem>>, vector<16xi32>,
      %shift_right_arithmetic3A = arith.constant 0 : i32
      %shift_right_arithmetic3A_409 = vector.broadcast %shift_right_arithmetic3A : i32 to vector<16xi32>
      %shift_right_arithmetic3A_410 = arith.shrsi %get3A_408, %shift_right_arithmetic3A_409 : vector<16xi32>
      %and3A_411 = arith.constant 255 : i32
      %and3A_412 = vector.broadcast %and3A_411 : i32 to vector<16xi32>
      %and3A_413 = arith.andi %shift_right_arithmetic3A_410, %and3A_412 : vector<16xi32>
      %shift_right_arithmetic3A_414 = arith.constant 7 : i32
      %shift_right_arithmetic3A_415 = vector.broadcast %shift_right_arithmetic3A_414 : i32 to vector<16xi32>
      %shift_right_arithmetic3A_416 = arith.shrsi %and3A_413, %shift_right_arithmetic3A_415 : vector<16xi32>
      %mul3A_417 = arith.constant 2304 : i32
      %mul3A_418 = vector.broadcast %mul3A_417 : i32 to vector<16xi32>
      %mul3A_419 = arith.muli %shift_right_arithmetic3A_416, %mul3A_418 : vector<16xi32>
      %and3A_420 = arith.constant 127 : i32
      %and3A_421 = vector.broadcast %and3A_420 : i32 to vector<16xi32>
      %and3A_422 = arith.andi %and3A_413, %and3A_421 : vector<16xi32>
      %add3A_423 = arith.addi %mul3A_402, %mul3A_419 : vector<16xi32>
      %add3A_424 = arith.constant 1408 : i32
      %add3A_425 = vector.broadcast %add3A_424 : i32 to vector<16xi32>
      %add3A_426 = arith.addi %and3A_422, %add3A_425 : vector<16xi32>
      %add3A_427 = arith.addi %add3A_423, %add3A_426 : vector<16xi32>
      tpu.vector_store_idx %arg4[%add3A_427], %broadcast_in_dim3A_403 {add = true} : memref<73728xf32, #tpu.memory_space<vmem>>[vector<16xi32>], vector<16xf32>,
      %shift_right_arithmetic3A_428 = arith.constant 8 : i32
      %shift_right_arithmetic3A_429 = vector.broadcast %shift_right_arithmetic3A_428 : i32 to vector<16xi32>
      %shift_right_arithmetic3A_430 = arith.shrsi %get3A_408, %shift_right_arithmetic3A_429 : vector<16xi32>
      %and3A_431 = arith.constant 255 : i32
      %and3A_432 = vector.broadcast %and3A_431 : i32 to vector<16xi32>
      %and3A_433 = arith.andi %shift_right_arithmetic3A_430, %and3A_432 : vector<16xi32>
      %shift_right_arithmetic3A_434 = arith.constant 7 : i32
      %shift_right_arithmetic3A_435 = vector.broadcast %shift_right_arithmetic3A_434 : i32 to vector<16xi32>
      %shift_right_arithmetic3A_436 = arith.shrsi %and3A_433, %shift_right_arithmetic3A_435 : vector<16xi32>
      %mul3A_437 = arith.constant 2304 : i32
      %mul3A_438 = vector.broadcast %mul3A_437 : i32 to vector<16xi32>
      %mul3A_439 = arith.muli %shift_right_arithmetic3A_436, %mul3A_438 : vector<16xi32>
      %and3A_440 = arith.constant 127 : i32
      %and3A_441 = vector.broadcast %and3A_440 : i32 to vector<16xi32>
      %and3A_442 = arith.andi %and3A_433, %and3A_441 : vector<16xi32>
      %add3A_443 = arith.addi %mul3A_402, %mul3A_439 : vector<16xi32>
      %add3A_444 = arith.constant 1408 : i32
      %add3A_445 = vector.broadcast %add3A_444 : i32 to vector<16xi32>
      %add3A_446 = arith.addi %and3A_442, %add3A_445 : vector<16xi32>
      %add3A_447 = arith.addi %add3A_443, %add3A_446 : vector<16xi32>
      tpu.vector_store_idx %arg4[%add3A_447], %broadcast_in_dim3A_403 {add = true} : memref<73728xf32, #tpu.memory_space<vmem>>[vector<16xi32>], vector<16xf32>,
      %shift_right_arithmetic3A_448 = arith.constant 16 : i32
      %shift_right_arithmetic3A_449 = vector.broadcast %shift_right_arithmetic3A_448 : i32 to vector<16xi32>
      %shift_right_arithmetic3A_450 = arith.shrsi %get3A_408, %shift_right_arithmetic3A_449 : vector<16xi32>
      %and3A_451 = arith.constant 255 : i32
      %and3A_452 = vector.broadcast %and3A_451 : i32 to vector<16xi32>
      %and3A_453 = arith.andi %shift_right_arithmetic3A_450, %and3A_452 : vector<16xi32>
      %shift_right_arithmetic3A_454 = arith.constant 7 : i32
      %shift_right_arithmetic3A_455 = vector.broadcast %shift_right_arithmetic3A_454 : i32 to vector<16xi32>
      %shift_right_arithmetic3A_456 = arith.shrsi %and3A_453, %shift_right_arithmetic3A_455 : vector<16xi32>
      %mul3A_457 = arith.constant 2304 : i32
      %mul3A_458 = vector.broadcast %mul3A_457 : i32 to vector<16xi32>
      %mul3A_459 = arith.muli %shift_right_arithmetic3A_456, %mul3A_458 : vector<16xi32>
      %and3A_460 = arith.constant 127 : i32
      %and3A_461 = vector.broadcast %and3A_460 : i32 to vector<16xi32>
      %and3A_462 = arith.andi %and3A_453, %and3A_461 : vector<16xi32>
      %add3A_463 = arith.addi %mul3A_402, %mul3A_459 : vector<16xi32>
      %add3A_464 = arith.constant 1408 : i32
      %add3A_465 = vector.broadcast %add3A_464 : i32 to vector<16xi32>
      %add3A_466 = arith.addi %and3A_462, %add3A_465 : vector<16xi32>
      %add3A_467 = arith.addi %add3A_463, %add3A_466 : vector<16xi32>
      tpu.vector_store_idx %arg4[%add3A_467], %broadcast_in_dim3A_403 {add = true} : memref<73728xf32, #tpu.memory_space<vmem>>[vector<16xi32>], vector<16xf32>,
      %shift_right_arithmetic3A_468 = arith.constant 24 : i32
      %shift_right_arithmetic3A_469 = vector.broadcast %shift_right_arithmetic3A_468 : i32 to vector<16xi32>
      %shift_right_arithmetic3A_470 = arith.shrsi %get3A_408, %shift_right_arithmetic3A_469 : vector<16xi32>
      %and3A_471 = arith.constant 255 : i32
      %and3A_472 = vector.broadcast %and3A_471 : i32 to vector<16xi32>
      %and3A_473 = arith.andi %shift_right_arithmetic3A_470, %and3A_472 : vector<16xi32>
      %shift_right_arithmetic3A_474 = arith.constant 7 : i32
      %shift_right_arithmetic3A_475 = vector.broadcast %shift_right_arithmetic3A_474 : i32 to vector<16xi32>
      %shift_right_arithmetic3A_476 = arith.shrsi %and3A_473, %shift_right_arithmetic3A_475 : vector<16xi32>
      %mul3A_477 = arith.constant 2304 : i32
      %mul3A_478 = vector.broadcast %mul3A_477 : i32 to vector<16xi32>
      %mul3A_479 = arith.muli %shift_right_arithmetic3A_476, %mul3A_478 : vector<16xi32>
      %and3A_480 = arith.constant 127 : i32
      %and3A_481 = vector.broadcast %and3A_480 : i32 to vector<16xi32>
      %and3A_482 = arith.andi %and3A_473, %and3A_481 : vector<16xi32>
      %add3A_483 = arith.addi %mul3A_402, %mul3A_479 : vector<16xi32>
      %add3A_484 = arith.constant 1408 : i32
      %add3A_485 = vector.broadcast %add3A_484 : i32 to vector<16xi32>
      %add3A_486 = arith.addi %and3A_482, %add3A_485 : vector<16xi32>
      %add3A_487 = arith.addi %add3A_483, %add3A_486 : vector<16xi32>
      tpu.vector_store_idx %arg4[%add3A_487], %broadcast_in_dim3A_403 {add = true} : memref<73728xf32, #tpu.memory_space<vmem>>[vector<16xi32>], vector<16xf32>,
    }
    %scan3A_286 = arith.constant 625 : i32
    %add3A_287 = arith.constant 2080000 : i32
    %add3A_288 = arith.addi %add3A_35, %add3A_287 : i32
    %dma_start3A_289 = arith.constant 10000 : i32
    %dma_start3A_290 = tpu.memref_slice %arg5[%dma_start3A_289] : memref<20000xi32, #tpu.memory_space<vmem>> -> memref<10000xi32, #tpu.memory_space<vmem>>
    %dma_start3A_291 = tpu.memref_slice %arg2[%add3A_288] : memref<5760000xi32, #tpu.memory_space<hbm>> -> memref<10000xi32, #tpu.memory_space<hbm>>
    %dma_start3A_292 = arith.constant 10000 : i32
    %dma_start3A_293 = tpu.memref_slice %arg5[%dma_start3A_292] : memref<20000xi32, #tpu.memory_space<vmem>> -> memref<10000xi32, #tpu.memory_space<vmem>>
    %dma_start3A_294 = tpu.memref_slice %arg2[%add3A_288] : memref<5760000xi32, #tpu.memory_space<hbm>> -> memref<10000xi32, #tpu.memory_space<hbm>>
    tpu.enqueue_dma source(%dma_start3A_294 : memref<10000xi32, #tpu.memory_space<hbm>>) target(%dma_start3A_293 : memref<10000xi32, #tpu.memory_space<vmem>>) target_semaphore(%arg7 : memref<!tpu.dma_semaphore, #tpu.memory_space<semaphore_mem>>)
    %dma_wait3A_295 = arith.constant 0 : i32
    %dma_wait3A_296 = tpu.memref_slice %arg5[%dma_wait3A_295] : memref<20000xi32, #tpu.memory_space<vmem>> -> memref<10000xi32, #tpu.memory_space<vmem>>
    %dma_wait3A_297 = tpu.memref_slice %arg2[%add3A_268] : memref<5760000xi32, #tpu.memory_space<hbm>> -> memref<10000xi32, #tpu.memory_space<hbm>>
    %dma_wait3A_298 = arith.constant 0 : i32
    %dma_wait3A_299 = tpu.memref_slice %arg5[%dma_wait3A_298] : memref<20000xi32, #tpu.memory_space<vmem>> -> memref<10000xi32, #tpu.memory_space<vmem>>
    %dma_wait3A_300 = tpu.memref_slice %arg2[%add3A_268] : memref<5760000xi32, #tpu.memory_space<hbm>> -> memref<10000xi32, #tpu.memory_space<hbm>>
    tpu.wait_dma2 semaphore(%arg6 : memref<!tpu.dma_semaphore, #tpu.memory_space<semaphore_mem>>) src(%dma_wait3A_300 : memref<10000xi32, #tpu.memory_space<hbm>>) dst(%dma_wait3A_299 : memref<10000xi32, #tpu.memory_space<vmem>>)
    %scan3A_301 = arith.constant 0 : i32
    %scan3A_302 = arith.constant 0 : i32
    %scan3A_303 = arith.constant 625 : i32
    %scan3A_304 = arith.addi %scan3A_302, %scan3A_303 : i32
    %scan3A_305 = arith.constant 1 : i32
    scf.for %scan3A_399 = %scan3A_302 to %scan3A_304 step %scan3A_305  : i32 {
      %iota3A = tpu.iota {dimensions = array<i32: 0>} : vector<16xi32>
      %mul3A_400 = arith.constant 4608 : i32
      %mul3A_401 = vector.broadcast %mul3A_400 : i32 to vector<16xi32>
      %mul3A_402 = arith.muli %iota3A, %mul3A_401 : vector<16xi32>
      %broadcast_in_dim3A = arith.constant 1.000000e+00 : f32
      %broadcast_in_dim3A_403 = vector.broadcast %broadcast_in_dim3A : f32 to vector<16xf32>
      %mul3A_404 = arith.constant 16 : i32
      %mul3A_405 = arith.muli %scan3A_399, %mul3A_404 : i32
      %add3A_406 = arith.constant 0 : i32
      %add3A_407 = arith.addi %add3A_406, %mul3A_405 : i32
      %get3A = arith.index_cast %add3A_407 : i32 to index
      %get3A_408 = tpu.vector_load %arg5[%get3A] {strides = array<i32>} : memref<20000xi32, #tpu.memory_space<vmem>>, vector<16xi32>,
      %shift_right_arithmetic3A = arith.constant 0 : i32
      %shift_right_arithmetic3A_409 = vector.broadcast %shift_right_arithmetic3A : i32 to vector<16xi32>
      %shift_right_arithmetic3A_410 = arith.shrsi %get3A_408, %shift_right_arithmetic3A_409 : vector<16xi32>
      %and3A_411 = arith.constant 255 : i32
      %and3A_412 = vector.broadcast %and3A_411 : i32 to vector<16xi32>
      %and3A_413 = arith.andi %shift_right_arithmetic3A_410, %and3A_412 : vector<16xi32>
      %shift_right_arithmetic3A_414 = arith.constant 7 : i32
      %shift_right_arithmetic3A_415 = vector.broadcast %shift_right_arithmetic3A_414 : i32 to vector<16xi32>
      %shift_right_arithmetic3A_416 = arith.shrsi %and3A_413, %shift_right_arithmetic3A_415 : vector<16xi32>
      %mul3A_417 = arith.constant 2304 : i32
      %mul3A_418 = vector.broadcast %mul3A_417 : i32 to vector<16xi32>
      %mul3A_419 = arith.muli %shift_right_arithmetic3A_416, %mul3A_418 : vector<16xi32>
      %and3A_420 = arith.constant 127 : i32
      %and3A_421 = vector.broadcast %and3A_420 : i32 to vector<16xi32>
      %and3A_422 = arith.andi %and3A_413, %and3A_421 : vector<16xi32>
      %add3A_423 = arith.addi %mul3A_402, %mul3A_419 : vector<16xi32>
      %add3A_424 = arith.constant 1536 : i32
      %add3A_425 = vector.broadcast %add3A_424 : i32 to vector<16xi32>
      %add3A_426 = arith.addi %and3A_422, %add3A_425 : vector<16xi32>
      %add3A_427 = arith.addi %add3A_423, %add3A_426 : vector<16xi32>
      tpu.vector_store_idx %arg4[%add3A_427], %broadcast_in_dim3A_403 {add = true} : memref<73728xf32, #tpu.memory_space<vmem>>[vector<16xi32>], vector<16xf32>,
      %shift_right_arithmetic3A_428 = arith.constant 8 : i32
      %shift_right_arithmetic3A_429 = vector.broadcast %shift_right_arithmetic3A_428 : i32 to vector<16xi32>
      %shift_right_arithmetic3A_430 = arith.shrsi %get3A_408, %shift_right_arithmetic3A_429 : vector<16xi32>
      %and3A_431 = arith.constant 255 : i32
      %and3A_432 = vector.broadcast %and3A_431 : i32 to vector<16xi32>
      %and3A_433 = arith.andi %shift_right_arithmetic3A_430, %and3A_432 : vector<16xi32>
      %shift_right_arithmetic3A_434 = arith.constant 7 : i32
      %shift_right_arithmetic3A_435 = vector.broadcast %shift_right_arithmetic3A_434 : i32 to vector<16xi32>
      %shift_right_arithmetic3A_436 = arith.shrsi %and3A_433, %shift_right_arithmetic3A_435 : vector<16xi32>
      %mul3A_437 = arith.constant 2304 : i32
      %mul3A_438 = vector.broadcast %mul3A_437 : i32 to vector<16xi32>
      %mul3A_439 = arith.muli %shift_right_arithmetic3A_436, %mul3A_438 : vector<16xi32>
      %and3A_440 = arith.constant 127 : i32
      %and3A_441 = vector.broadcast %and3A_440 : i32 to vector<16xi32>
      %and3A_442 = arith.andi %and3A_433, %and3A_441 : vector<16xi32>
      %add3A_443 = arith.addi %mul3A_402, %mul3A_439 : vector<16xi32>
      %add3A_444 = arith.constant 1536 : i32
      %add3A_445 = vector.broadcast %add3A_444 : i32 to vector<16xi32>
      %add3A_446 = arith.addi %and3A_442, %add3A_445 : vector<16xi32>
      %add3A_447 = arith.addi %add3A_443, %add3A_446 : vector<16xi32>
      tpu.vector_store_idx %arg4[%add3A_447], %broadcast_in_dim3A_403 {add = true} : memref<73728xf32, #tpu.memory_space<vmem>>[vector<16xi32>], vector<16xf32>,
      %shift_right_arithmetic3A_448 = arith.constant 16 : i32
      %shift_right_arithmetic3A_449 = vector.broadcast %shift_right_arithmetic3A_448 : i32 to vector<16xi32>
      %shift_right_arithmetic3A_450 = arith.shrsi %get3A_408, %shift_right_arithmetic3A_449 : vector<16xi32>
      %and3A_451 = arith.constant 255 : i32
      %and3A_452 = vector.broadcast %and3A_451 : i32 to vector<16xi32>
      %and3A_453 = arith.andi %shift_right_arithmetic3A_450, %and3A_452 : vector<16xi32>
      %shift_right_arithmetic3A_454 = arith.constant 7 : i32
      %shift_right_arithmetic3A_455 = vector.broadcast %shift_right_arithmetic3A_454 : i32 to vector<16xi32>
      %shift_right_arithmetic3A_456 = arith.shrsi %and3A_453, %shift_right_arithmetic3A_455 : vector<16xi32>
      %mul3A_457 = arith.constant 2304 : i32
      %mul3A_458 = vector.broadcast %mul3A_457 : i32 to vector<16xi32>
      %mul3A_459 = arith.muli %shift_right_arithmetic3A_456, %mul3A_458 : vector<16xi32>
      %and3A_460 = arith.constant 127 : i32
      %and3A_461 = vector.broadcast %and3A_460 : i32 to vector<16xi32>
      %and3A_462 = arith.andi %and3A_453, %and3A_461 : vector<16xi32>
      %add3A_463 = arith.addi %mul3A_402, %mul3A_459 : vector<16xi32>
      %add3A_464 = arith.constant 1536 : i32
      %add3A_465 = vector.broadcast %add3A_464 : i32 to vector<16xi32>
      %add3A_466 = arith.addi %and3A_462, %add3A_465 : vector<16xi32>
      %add3A_467 = arith.addi %add3A_463, %add3A_466 : vector<16xi32>
      tpu.vector_store_idx %arg4[%add3A_467], %broadcast_in_dim3A_403 {add = true} : memref<73728xf32, #tpu.memory_space<vmem>>[vector<16xi32>], vector<16xf32>,
      %shift_right_arithmetic3A_468 = arith.constant 24 : i32
      %shift_right_arithmetic3A_469 = vector.broadcast %shift_right_arithmetic3A_468 : i32 to vector<16xi32>
      %shift_right_arithmetic3A_470 = arith.shrsi %get3A_408, %shift_right_arithmetic3A_469 : vector<16xi32>
      %and3A_471 = arith.constant 255 : i32
      %and3A_472 = vector.broadcast %and3A_471 : i32 to vector<16xi32>
      %and3A_473 = arith.andi %shift_right_arithmetic3A_470, %and3A_472 : vector<16xi32>
      %shift_right_arithmetic3A_474 = arith.constant 7 : i32
      %shift_right_arithmetic3A_475 = vector.broadcast %shift_right_arithmetic3A_474 : i32 to vector<16xi32>
      %shift_right_arithmetic3A_476 = arith.shrsi %and3A_473, %shift_right_arithmetic3A_475 : vector<16xi32>
      %mul3A_477 = arith.constant 2304 : i32
      %mul3A_478 = vector.broadcast %mul3A_477 : i32 to vector<16xi32>
      %mul3A_479 = arith.muli %shift_right_arithmetic3A_476, %mul3A_478 : vector<16xi32>
      %and3A_480 = arith.constant 127 : i32
      %and3A_481 = vector.broadcast %and3A_480 : i32 to vector<16xi32>
      %and3A_482 = arith.andi %and3A_473, %and3A_481 : vector<16xi32>
      %add3A_483 = arith.addi %mul3A_402, %mul3A_479 : vector<16xi32>
      %add3A_484 = arith.constant 1536 : i32
      %add3A_485 = vector.broadcast %add3A_484 : i32 to vector<16xi32>
      %add3A_486 = arith.addi %and3A_482, %add3A_485 : vector<16xi32>
      %add3A_487 = arith.addi %add3A_483, %add3A_486 : vector<16xi32>
      tpu.vector_store_idx %arg4[%add3A_487], %broadcast_in_dim3A_403 {add = true} : memref<73728xf32, #tpu.memory_space<vmem>>[vector<16xi32>], vector<16xf32>,
    }
    %scan3A_306 = arith.constant 625 : i32
    %add3A_307 = arith.constant 2240000 : i32
    %add3A_308 = arith.addi %add3A_35, %add3A_307 : i32
    %dma_start3A_309 = arith.constant 0 : i32
    %dma_start3A_310 = tpu.memref_slice %arg5[%dma_start3A_309] : memref<20000xi32, #tpu.memory_space<vmem>> -> memref<10000xi32, #tpu.memory_space<vmem>>
    %dma_start3A_311 = tpu.memref_slice %arg2[%add3A_308] : memref<5760000xi32, #tpu.memory_space<hbm>> -> memref<10000xi32, #tpu.memory_space<hbm>>
    %dma_start3A_312 = arith.constant 0 : i32
    %dma_start3A_313 = tpu.memref_slice %arg5[%dma_start3A_312] : memref<20000xi32, #tpu.memory_space<vmem>> -> memref<10000xi32, #tpu.memory_space<vmem>>
    %dma_start3A_314 = tpu.memref_slice %arg2[%add3A_308] : memref<5760000xi32, #tpu.memory_space<hbm>> -> memref<10000xi32, #tpu.memory_space<hbm>>
    tpu.enqueue_dma source(%dma_start3A_314 : memref<10000xi32, #tpu.memory_space<hbm>>) target(%dma_start3A_313 : memref<10000xi32, #tpu.memory_space<vmem>>) target_semaphore(%arg6 : memref<!tpu.dma_semaphore, #tpu.memory_space<semaphore_mem>>)
    %dma_wait3A_315 = arith.constant 10000 : i32
    %dma_wait3A_316 = tpu.memref_slice %arg5[%dma_wait3A_315] : memref<20000xi32, #tpu.memory_space<vmem>> -> memref<10000xi32, #tpu.memory_space<vmem>>
    %dma_wait3A_317 = tpu.memref_slice %arg2[%add3A_288] : memref<5760000xi32, #tpu.memory_space<hbm>> -> memref<10000xi32, #tpu.memory_space<hbm>>
    %dma_wait3A_318 = arith.constant 10000 : i32
    %dma_wait3A_319 = tpu.memref_slice %arg5[%dma_wait3A_318] : memref<20000xi32, #tpu.memory_space<vmem>> -> memref<10000xi32, #tpu.memory_space<vmem>>
    %dma_wait3A_320 = tpu.memref_slice %arg2[%add3A_288] : memref<5760000xi32, #tpu.memory_space<hbm>> -> memref<10000xi32, #tpu.memory_space<hbm>>
    tpu.wait_dma2 semaphore(%arg7 : memref<!tpu.dma_semaphore, #tpu.memory_space<semaphore_mem>>) src(%dma_wait3A_320 : memref<10000xi32, #tpu.memory_space<hbm>>) dst(%dma_wait3A_319 : memref<10000xi32, #tpu.memory_space<vmem>>)
    %scan3A_321 = arith.constant 0 : i32
    %scan3A_322 = arith.constant 0 : i32
    %scan3A_323 = arith.constant 625 : i32
    %scan3A_324 = arith.addi %scan3A_322, %scan3A_323 : i32
    %scan3A_325 = arith.constant 1 : i32
    scf.for %scan3A_399 = %scan3A_322 to %scan3A_324 step %scan3A_325  : i32 {
      %iota3A = tpu.iota {dimensions = array<i32: 0>} : vector<16xi32>
      %mul3A_400 = arith.constant 4608 : i32
      %mul3A_401 = vector.broadcast %mul3A_400 : i32 to vector<16xi32>
      %mul3A_402 = arith.muli %iota3A, %mul3A_401 : vector<16xi32>
      %broadcast_in_dim3A = arith.constant 1.000000e+00 : f32
      %broadcast_in_dim3A_403 = vector.broadcast %broadcast_in_dim3A : f32 to vector<16xf32>
      %mul3A_404 = arith.constant 16 : i32
      %mul3A_405 = arith.muli %scan3A_399, %mul3A_404 : i32
      %add3A_406 = arith.constant 10000 : i32
      %add3A_407 = arith.addi %add3A_406, %mul3A_405 : i32
      %get3A = arith.index_cast %add3A_407 : i32 to index
      %get3A_408 = tpu.vector_load %arg5[%get3A] {strides = array<i32>} : memref<20000xi32, #tpu.memory_space<vmem>>, vector<16xi32>,
      %shift_right_arithmetic3A = arith.constant 0 : i32
      %shift_right_arithmetic3A_409 = vector.broadcast %shift_right_arithmetic3A : i32 to vector<16xi32>
      %shift_right_arithmetic3A_410 = arith.shrsi %get3A_408, %shift_right_arithmetic3A_409 : vector<16xi32>
      %and3A_411 = arith.constant 255 : i32
      %and3A_412 = vector.broadcast %and3A_411 : i32 to vector<16xi32>
      %and3A_413 = arith.andi %shift_right_arithmetic3A_410, %and3A_412 : vector<16xi32>
      %shift_right_arithmetic3A_414 = arith.constant 7 : i32
      %shift_right_arithmetic3A_415 = vector.broadcast %shift_right_arithmetic3A_414 : i32 to vector<16xi32>
      %shift_right_arithmetic3A_416 = arith.shrsi %and3A_413, %shift_right_arithmetic3A_415 : vector<16xi32>
      %mul3A_417 = arith.constant 2304 : i32
      %mul3A_418 = vector.broadcast %mul3A_417 : i32 to vector<16xi32>
      %mul3A_419 = arith.muli %shift_right_arithmetic3A_416, %mul3A_418 : vector<16xi32>
      %and3A_420 = arith.constant 127 : i32
      %and3A_421 = vector.broadcast %and3A_420 : i32 to vector<16xi32>
      %and3A_422 = arith.andi %and3A_413, %and3A_421 : vector<16xi32>
      %add3A_423 = arith.addi %mul3A_402, %mul3A_419 : vector<16xi32>
      %add3A_424 = arith.constant 1664 : i32
      %add3A_425 = vector.broadcast %add3A_424 : i32 to vector<16xi32>
      %add3A_426 = arith.addi %and3A_422, %add3A_425 : vector<16xi32>
      %add3A_427 = arith.addi %add3A_423, %add3A_426 : vector<16xi32>
      tpu.vector_store_idx %arg4[%add3A_427], %broadcast_in_dim3A_403 {add = true} : memref<73728xf32, #tpu.memory_space<vmem>>[vector<16xi32>], vector<16xf32>,
      %shift_right_arithmetic3A_428 = arith.constant 8 : i32
      %shift_right_arithmetic3A_429 = vector.broadcast %shift_right_arithmetic3A_428 : i32 to vector<16xi32>
      %shift_right_arithmetic3A_430 = arith.shrsi %get3A_408, %shift_right_arithmetic3A_429 : vector<16xi32>
      %and3A_431 = arith.constant 255 : i32
      %and3A_432 = vector.broadcast %and3A_431 : i32 to vector<16xi32>
      %and3A_433 = arith.andi %shift_right_arithmetic3A_430, %and3A_432 : vector<16xi32>
      %shift_right_arithmetic3A_434 = arith.constant 7 : i32
      %shift_right_arithmetic3A_435 = vector.broadcast %shift_right_arithmetic3A_434 : i32 to vector<16xi32>
      %shift_right_arithmetic3A_436 = arith.shrsi %and3A_433, %shift_right_arithmetic3A_435 : vector<16xi32>
      %mul3A_437 = arith.constant 2304 : i32
      %mul3A_438 = vector.broadcast %mul3A_437 : i32 to vector<16xi32>
      %mul3A_439 = arith.muli %shift_right_arithmetic3A_436, %mul3A_438 : vector<16xi32>
      %and3A_440 = arith.constant 127 : i32
      %and3A_441 = vector.broadcast %and3A_440 : i32 to vector<16xi32>
      %and3A_442 = arith.andi %and3A_433, %and3A_441 : vector<16xi32>
      %add3A_443 = arith.addi %mul3A_402, %mul3A_439 : vector<16xi32>
      %add3A_444 = arith.constant 1664 : i32
      %add3A_445 = vector.broadcast %add3A_444 : i32 to vector<16xi32>
      %add3A_446 = arith.addi %and3A_442, %add3A_445 : vector<16xi32>
      %add3A_447 = arith.addi %add3A_443, %add3A_446 : vector<16xi32>
      tpu.vector_store_idx %arg4[%add3A_447], %broadcast_in_dim3A_403 {add = true} : memref<73728xf32, #tpu.memory_space<vmem>>[vector<16xi32>], vector<16xf32>,
      %shift_right_arithmetic3A_448 = arith.constant 16 : i32
      %shift_right_arithmetic3A_449 = vector.broadcast %shift_right_arithmetic3A_448 : i32 to vector<16xi32>
      %shift_right_arithmetic3A_450 = arith.shrsi %get3A_408, %shift_right_arithmetic3A_449 : vector<16xi32>
      %and3A_451 = arith.constant 255 : i32
      %and3A_452 = vector.broadcast %and3A_451 : i32 to vector<16xi32>
      %and3A_453 = arith.andi %shift_right_arithmetic3A_450, %and3A_452 : vector<16xi32>
      %shift_right_arithmetic3A_454 = arith.constant 7 : i32
      %shift_right_arithmetic3A_455 = vector.broadcast %shift_right_arithmetic3A_454 : i32 to vector<16xi32>
      %shift_right_arithmetic3A_456 = arith.shrsi %and3A_453, %shift_right_arithmetic3A_455 : vector<16xi32>
      %mul3A_457 = arith.constant 2304 : i32
      %mul3A_458 = vector.broadcast %mul3A_457 : i32 to vector<16xi32>
      %mul3A_459 = arith.muli %shift_right_arithmetic3A_456, %mul3A_458 : vector<16xi32>
      %and3A_460 = arith.constant 127 : i32
      %and3A_461 = vector.broadcast %and3A_460 : i32 to vector<16xi32>
      %and3A_462 = arith.andi %and3A_453, %and3A_461 : vector<16xi32>
      %add3A_463 = arith.addi %mul3A_402, %mul3A_459 : vector<16xi32>
      %add3A_464 = arith.constant 1664 : i32
      %add3A_465 = vector.broadcast %add3A_464 : i32 to vector<16xi32>
      %add3A_466 = arith.addi %and3A_462, %add3A_465 : vector<16xi32>
      %add3A_467 = arith.addi %add3A_463, %add3A_466 : vector<16xi32>
      tpu.vector_store_idx %arg4[%add3A_467], %broadcast_in_dim3A_403 {add = true} : memref<73728xf32, #tpu.memory_space<vmem>>[vector<16xi32>], vector<16xf32>,
      %shift_right_arithmetic3A_468 = arith.constant 24 : i32
      %shift_right_arithmetic3A_469 = vector.broadcast %shift_right_arithmetic3A_468 : i32 to vector<16xi32>
      %shift_right_arithmetic3A_470 = arith.shrsi %get3A_408, %shift_right_arithmetic3A_469 : vector<16xi32>
      %and3A_471 = arith.constant 255 : i32
      %and3A_472 = vector.broadcast %and3A_471 : i32 to vector<16xi32>
      %and3A_473 = arith.andi %shift_right_arithmetic3A_470, %and3A_472 : vector<16xi32>
      %shift_right_arithmetic3A_474 = arith.constant 7 : i32
      %shift_right_arithmetic3A_475 = vector.broadcast %shift_right_arithmetic3A_474 : i32 to vector<16xi32>
      %shift_right_arithmetic3A_476 = arith.shrsi %and3A_473, %shift_right_arithmetic3A_475 : vector<16xi32>
      %mul3A_477 = arith.constant 2304 : i32
      %mul3A_478 = vector.broadcast %mul3A_477 : i32 to vector<16xi32>
      %mul3A_479 = arith.muli %shift_right_arithmetic3A_476, %mul3A_478 : vector<16xi32>
      %and3A_480 = arith.constant 127 : i32
      %and3A_481 = vector.broadcast %and3A_480 : i32 to vector<16xi32>
      %and3A_482 = arith.andi %and3A_473, %and3A_481 : vector<16xi32>
      %add3A_483 = arith.addi %mul3A_402, %mul3A_479 : vector<16xi32>
      %add3A_484 = arith.constant 1664 : i32
      %add3A_485 = vector.broadcast %add3A_484 : i32 to vector<16xi32>
      %add3A_486 = arith.addi %and3A_482, %add3A_485 : vector<16xi32>
      %add3A_487 = arith.addi %add3A_483, %add3A_486 : vector<16xi32>
      tpu.vector_store_idx %arg4[%add3A_487], %broadcast_in_dim3A_403 {add = true} : memref<73728xf32, #tpu.memory_space<vmem>>[vector<16xi32>], vector<16xf32>,
    }
    %scan3A_326 = arith.constant 625 : i32
    %add3A_327 = arith.constant 2400000 : i32
    %add3A_328 = arith.addi %add3A_35, %add3A_327 : i32
    %dma_start3A_329 = arith.constant 10000 : i32
    %dma_start3A_330 = tpu.memref_slice %arg5[%dma_start3A_329] : memref<20000xi32, #tpu.memory_space<vmem>> -> memref<10000xi32, #tpu.memory_space<vmem>>
    %dma_start3A_331 = tpu.memref_slice %arg2[%add3A_328] : memref<5760000xi32, #tpu.memory_space<hbm>> -> memref<10000xi32, #tpu.memory_space<hbm>>
    %dma_start3A_332 = arith.constant 10000 : i32
    %dma_start3A_333 = tpu.memref_slice %arg5[%dma_start3A_332] : memref<20000xi32, #tpu.memory_space<vmem>> -> memref<10000xi32, #tpu.memory_space<vmem>>
    %dma_start3A_334 = tpu.memref_slice %arg2[%add3A_328] : memref<5760000xi32, #tpu.memory_space<hbm>> -> memref<10000xi32, #tpu.memory_space<hbm>>
    tpu.enqueue_dma source(%dma_start3A_334 : memref<10000xi32, #tpu.memory_space<hbm>>) target(%dma_start3A_333 : memref<10000xi32, #tpu.memory_space<vmem>>) target_semaphore(%arg7 : memref<!tpu.dma_semaphore, #tpu.memory_space<semaphore_mem>>)
    %dma_wait3A_335 = arith.constant 0 : i32
    %dma_wait3A_336 = tpu.memref_slice %arg5[%dma_wait3A_335] : memref<20000xi32, #tpu.memory_space<vmem>> -> memref<10000xi32, #tpu.memory_space<vmem>>
    %dma_wait3A_337 = tpu.memref_slice %arg2[%add3A_308] : memref<5760000xi32, #tpu.memory_space<hbm>> -> memref<10000xi32, #tpu.memory_space<hbm>>
    %dma_wait3A_338 = arith.constant 0 : i32
    %dma_wait3A_339 = tpu.memref_slice %arg5[%dma_wait3A_338] : memref<20000xi32, #tpu.memory_space<vmem>> -> memref<10000xi32, #tpu.memory_space<vmem>>
    %dma_wait3A_340 = tpu.memref_slice %arg2[%add3A_308] : memref<5760000xi32, #tpu.memory_space<hbm>> -> memref<10000xi32, #tpu.memory_space<hbm>>
    tpu.wait_dma2 semaphore(%arg6 : memref<!tpu.dma_semaphore, #tpu.memory_space<semaphore_mem>>) src(%dma_wait3A_340 : memref<10000xi32, #tpu.memory_space<hbm>>) dst(%dma_wait3A_339 : memref<10000xi32, #tpu.memory_space<vmem>>)
    %scan3A_341 = arith.constant 0 : i32
    %scan3A_342 = arith.constant 0 : i32
    %scan3A_343 = arith.constant 625 : i32
    %scan3A_344 = arith.addi %scan3A_342, %scan3A_343 : i32
    %scan3A_345 = arith.constant 1 : i32
    scf.for %scan3A_399 = %scan3A_342 to %scan3A_344 step %scan3A_345  : i32 {
      %iota3A = tpu.iota {dimensions = array<i32: 0>} : vector<16xi32>
      %mul3A_400 = arith.constant 4608 : i32
      %mul3A_401 = vector.broadcast %mul3A_400 : i32 to vector<16xi32>
      %mul3A_402 = arith.muli %iota3A, %mul3A_401 : vector<16xi32>
      %broadcast_in_dim3A = arith.constant 1.000000e+00 : f32
      %broadcast_in_dim3A_403 = vector.broadcast %broadcast_in_dim3A : f32 to vector<16xf32>
      %mul3A_404 = arith.constant 16 : i32
      %mul3A_405 = arith.muli %scan3A_399, %mul3A_404 : i32
      %add3A_406 = arith.constant 0 : i32
      %add3A_407 = arith.addi %add3A_406, %mul3A_405 : i32
      %get3A = arith.index_cast %add3A_407 : i32 to index
      %get3A_408 = tpu.vector_load %arg5[%get3A] {strides = array<i32>} : memref<20000xi32, #tpu.memory_space<vmem>>, vector<16xi32>,
      %shift_right_arithmetic3A = arith.constant 0 : i32
      %shift_right_arithmetic3A_409 = vector.broadcast %shift_right_arithmetic3A : i32 to vector<16xi32>
      %shift_right_arithmetic3A_410 = arith.shrsi %get3A_408, %shift_right_arithmetic3A_409 : vector<16xi32>
      %and3A_411 = arith.constant 255 : i32
      %and3A_412 = vector.broadcast %and3A_411 : i32 to vector<16xi32>
      %and3A_413 = arith.andi %shift_right_arithmetic3A_410, %and3A_412 : vector<16xi32>
      %shift_right_arithmetic3A_414 = arith.constant 7 : i32
      %shift_right_arithmetic3A_415 = vector.broadcast %shift_right_arithmetic3A_414 : i32 to vector<16xi32>
      %shift_right_arithmetic3A_416 = arith.shrsi %and3A_413, %shift_right_arithmetic3A_415 : vector<16xi32>
      %mul3A_417 = arith.constant 2304 : i32
      %mul3A_418 = vector.broadcast %mul3A_417 : i32 to vector<16xi32>
      %mul3A_419 = arith.muli %shift_right_arithmetic3A_416, %mul3A_418 : vector<16xi32>
      %and3A_420 = arith.constant 127 : i32
      %and3A_421 = vector.broadcast %and3A_420 : i32 to vector<16xi32>
      %and3A_422 = arith.andi %and3A_413, %and3A_421 : vector<16xi32>
      %add3A_423 = arith.addi %mul3A_402, %mul3A_419 : vector<16xi32>
      %add3A_424 = arith.constant 1792 : i32
      %add3A_425 = vector.broadcast %add3A_424 : i32 to vector<16xi32>
      %add3A_426 = arith.addi %and3A_422, %add3A_425 : vector<16xi32>
      %add3A_427 = arith.addi %add3A_423, %add3A_426 : vector<16xi32>
      tpu.vector_store_idx %arg4[%add3A_427], %broadcast_in_dim3A_403 {add = true} : memref<73728xf32, #tpu.memory_space<vmem>>[vector<16xi32>], vector<16xf32>,
      %shift_right_arithmetic3A_428 = arith.constant 8 : i32
      %shift_right_arithmetic3A_429 = vector.broadcast %shift_right_arithmetic3A_428 : i32 to vector<16xi32>
      %shift_right_arithmetic3A_430 = arith.shrsi %get3A_408, %shift_right_arithmetic3A_429 : vector<16xi32>
      %and3A_431 = arith.constant 255 : i32
      %and3A_432 = vector.broadcast %and3A_431 : i32 to vector<16xi32>
      %and3A_433 = arith.andi %shift_right_arithmetic3A_430, %and3A_432 : vector<16xi32>
      %shift_right_arithmetic3A_434 = arith.constant 7 : i32
      %shift_right_arithmetic3A_435 = vector.broadcast %shift_right_arithmetic3A_434 : i32 to vector<16xi32>
      %shift_right_arithmetic3A_436 = arith.shrsi %and3A_433, %shift_right_arithmetic3A_435 : vector<16xi32>
      %mul3A_437 = arith.constant 2304 : i32
      %mul3A_438 = vector.broadcast %mul3A_437 : i32 to vector<16xi32>
      %mul3A_439 = arith.muli %shift_right_arithmetic3A_436, %mul3A_438 : vector<16xi32>
      %and3A_440 = arith.constant 127 : i32
      %and3A_441 = vector.broadcast %and3A_440 : i32 to vector<16xi32>
      %and3A_442 = arith.andi %and3A_433, %and3A_441 : vector<16xi32>
      %add3A_443 = arith.addi %mul3A_402, %mul3A_439 : vector<16xi32>
      %add3A_444 = arith.constant 1792 : i32
      %add3A_445 = vector.broadcast %add3A_444 : i32 to vector<16xi32>
      %add3A_446 = arith.addi %and3A_442, %add3A_445 : vector<16xi32>
      %add3A_447 = arith.addi %add3A_443, %add3A_446 : vector<16xi32>
      tpu.vector_store_idx %arg4[%add3A_447], %broadcast_in_dim3A_403 {add = true} : memref<73728xf32, #tpu.memory_space<vmem>>[vector<16xi32>], vector<16xf32>,
      %shift_right_arithmetic3A_448 = arith.constant 16 : i32
      %shift_right_arithmetic3A_449 = vector.broadcast %shift_right_arithmetic3A_448 : i32 to vector<16xi32>
      %shift_right_arithmetic3A_450 = arith.shrsi %get3A_408, %shift_right_arithmetic3A_449 : vector<16xi32>
      %and3A_451 = arith.constant 255 : i32
      %and3A_452 = vector.broadcast %and3A_451 : i32 to vector<16xi32>
      %and3A_453 = arith.andi %shift_right_arithmetic3A_450, %and3A_452 : vector<16xi32>
      %shift_right_arithmetic3A_454 = arith.constant 7 : i32
      %shift_right_arithmetic3A_455 = vector.broadcast %shift_right_arithmetic3A_454 : i32 to vector<16xi32>
      %shift_right_arithmetic3A_456 = arith.shrsi %and3A_453, %shift_right_arithmetic3A_455 : vector<16xi32>
      %mul3A_457 = arith.constant 2304 : i32
      %mul3A_458 = vector.broadcast %mul3A_457 : i32 to vector<16xi32>
      %mul3A_459 = arith.muli %shift_right_arithmetic3A_456, %mul3A_458 : vector<16xi32>
      %and3A_460 = arith.constant 127 : i32
      %and3A_461 = vector.broadcast %and3A_460 : i32 to vector<16xi32>
      %and3A_462 = arith.andi %and3A_453, %and3A_461 : vector<16xi32>
      %add3A_463 = arith.addi %mul3A_402, %mul3A_459 : vector<16xi32>
      %add3A_464 = arith.constant 1792 : i32
      %add3A_465 = vector.broadcast %add3A_464 : i32 to vector<16xi32>
      %add3A_466 = arith.addi %and3A_462, %add3A_465 : vector<16xi32>
      %add3A_467 = arith.addi %add3A_463, %add3A_466 : vector<16xi32>
      tpu.vector_store_idx %arg4[%add3A_467], %broadcast_in_dim3A_403 {add = true} : memref<73728xf32, #tpu.memory_space<vmem>>[vector<16xi32>], vector<16xf32>,
      %shift_right_arithmetic3A_468 = arith.constant 24 : i32
      %shift_right_arithmetic3A_469 = vector.broadcast %shift_right_arithmetic3A_468 : i32 to vector<16xi32>
      %shift_right_arithmetic3A_470 = arith.shrsi %get3A_408, %shift_right_arithmetic3A_469 : vector<16xi32>
      %and3A_471 = arith.constant 255 : i32
      %and3A_472 = vector.broadcast %and3A_471 : i32 to vector<16xi32>
      %and3A_473 = arith.andi %shift_right_arithmetic3A_470, %and3A_472 : vector<16xi32>
      %shift_right_arithmetic3A_474 = arith.constant 7 : i32
      %shift_right_arithmetic3A_475 = vector.broadcast %shift_right_arithmetic3A_474 : i32 to vector<16xi32>
      %shift_right_arithmetic3A_476 = arith.shrsi %and3A_473, %shift_right_arithmetic3A_475 : vector<16xi32>
      %mul3A_477 = arith.constant 2304 : i32
      %mul3A_478 = vector.broadcast %mul3A_477 : i32 to vector<16xi32>
      %mul3A_479 = arith.muli %shift_right_arithmetic3A_476, %mul3A_478 : vector<16xi32>
      %and3A_480 = arith.constant 127 : i32
      %and3A_481 = vector.broadcast %and3A_480 : i32 to vector<16xi32>
      %and3A_482 = arith.andi %and3A_473, %and3A_481 : vector<16xi32>
      %add3A_483 = arith.addi %mul3A_402, %mul3A_479 : vector<16xi32>
      %add3A_484 = arith.constant 1792 : i32
      %add3A_485 = vector.broadcast %add3A_484 : i32 to vector<16xi32>
      %add3A_486 = arith.addi %and3A_482, %add3A_485 : vector<16xi32>
      %add3A_487 = arith.addi %add3A_483, %add3A_486 : vector<16xi32>
      tpu.vector_store_idx %arg4[%add3A_487], %broadcast_in_dim3A_403 {add = true} : memref<73728xf32, #tpu.memory_space<vmem>>[vector<16xi32>], vector<16xf32>,
    }
    %scan3A_346 = arith.constant 625 : i32
    %add3A_347 = arith.constant 2560000 : i32
    %add3A_348 = arith.addi %add3A_35, %add3A_347 : i32
    %dma_start3A_349 = arith.constant 0 : i32
    %dma_start3A_350 = tpu.memref_slice %arg5[%dma_start3A_349] : memref<20000xi32, #tpu.memory_space<vmem>> -> memref<10000xi32, #tpu.memory_space<vmem>>
    %dma_start3A_351 = tpu.memref_slice %arg2[%add3A_348] : memref<5760000xi32, #tpu.memory_space<hbm>> -> memref<10000xi32, #tpu.memory_space<hbm>>
    %dma_start3A_352 = arith.constant 0 : i32
    %dma_start3A_353 = tpu.memref_slice %arg5[%dma_start3A_352] : memref<20000xi32, #tpu.memory_space<vmem>> -> memref<10000xi32, #tpu.memory_space<vmem>>
    %dma_start3A_354 = tpu.memref_slice %arg2[%add3A_348] : memref<5760000xi32, #tpu.memory_space<hbm>> -> memref<10000xi32, #tpu.memory_space<hbm>>
    tpu.enqueue_dma source(%dma_start3A_354 : memref<10000xi32, #tpu.memory_space<hbm>>) target(%dma_start3A_353 : memref<10000xi32, #tpu.memory_space<vmem>>) target_semaphore(%arg6 : memref<!tpu.dma_semaphore, #tpu.memory_space<semaphore_mem>>)
    %dma_wait3A_355 = arith.constant 10000 : i32
    %dma_wait3A_356 = tpu.memref_slice %arg5[%dma_wait3A_355] : memref<20000xi32, #tpu.memory_space<vmem>> -> memref<10000xi32, #tpu.memory_space<vmem>>
    %dma_wait3A_357 = tpu.memref_slice %arg2[%add3A_328] : memref<5760000xi32, #tpu.memory_space<hbm>> -> memref<10000xi32, #tpu.memory_space<hbm>>
    %dma_wait3A_358 = arith.constant 10000 : i32
    %dma_wait3A_359 = tpu.memref_slice %arg5[%dma_wait3A_358] : memref<20000xi32, #tpu.memory_space<vmem>> -> memref<10000xi32, #tpu.memory_space<vmem>>
    %dma_wait3A_360 = tpu.memref_slice %arg2[%add3A_328] : memref<5760000xi32, #tpu.memory_space<hbm>> -> memref<10000xi32, #tpu.memory_space<hbm>>
    tpu.wait_dma2 semaphore(%arg7 : memref<!tpu.dma_semaphore, #tpu.memory_space<semaphore_mem>>) src(%dma_wait3A_360 : memref<10000xi32, #tpu.memory_space<hbm>>) dst(%dma_wait3A_359 : memref<10000xi32, #tpu.memory_space<vmem>>)
    %scan3A_361 = arith.constant 0 : i32
    %scan3A_362 = arith.constant 0 : i32
    %scan3A_363 = arith.constant 625 : i32
    %scan3A_364 = arith.addi %scan3A_362, %scan3A_363 : i32
    %scan3A_365 = arith.constant 1 : i32
    scf.for %scan3A_399 = %scan3A_362 to %scan3A_364 step %scan3A_365  : i32 {
      %iota3A = tpu.iota {dimensions = array<i32: 0>} : vector<16xi32>
      %mul3A_400 = arith.constant 4608 : i32
      %mul3A_401 = vector.broadcast %mul3A_400 : i32 to vector<16xi32>
      %mul3A_402 = arith.muli %iota3A, %mul3A_401 : vector<16xi32>
      %broadcast_in_dim3A = arith.constant 1.000000e+00 : f32
      %broadcast_in_dim3A_403 = vector.broadcast %broadcast_in_dim3A : f32 to vector<16xf32>
      %mul3A_404 = arith.constant 16 : i32
      %mul3A_405 = arith.muli %scan3A_399, %mul3A_404 : i32
      %add3A_406 = arith.constant 10000 : i32
      %add3A_407 = arith.addi %add3A_406, %mul3A_405 : i32
      %get3A = arith.index_cast %add3A_407 : i32 to index
      %get3A_408 = tpu.vector_load %arg5[%get3A] {strides = array<i32>} : memref<20000xi32, #tpu.memory_space<vmem>>, vector<16xi32>,
      %shift_right_arithmetic3A = arith.constant 0 : i32
      %shift_right_arithmetic3A_409 = vector.broadcast %shift_right_arithmetic3A : i32 to vector<16xi32>
      %shift_right_arithmetic3A_410 = arith.shrsi %get3A_408, %shift_right_arithmetic3A_409 : vector<16xi32>
      %and3A_411 = arith.constant 255 : i32
      %and3A_412 = vector.broadcast %and3A_411 : i32 to vector<16xi32>
      %and3A_413 = arith.andi %shift_right_arithmetic3A_410, %and3A_412 : vector<16xi32>
      %shift_right_arithmetic3A_414 = arith.constant 7 : i32
      %shift_right_arithmetic3A_415 = vector.broadcast %shift_right_arithmetic3A_414 : i32 to vector<16xi32>
      %shift_right_arithmetic3A_416 = arith.shrsi %and3A_413, %shift_right_arithmetic3A_415 : vector<16xi32>
      %mul3A_417 = arith.constant 2304 : i32
      %mul3A_418 = vector.broadcast %mul3A_417 : i32 to vector<16xi32>
      %mul3A_419 = arith.muli %shift_right_arithmetic3A_416, %mul3A_418 : vector<16xi32>
      %and3A_420 = arith.constant 127 : i32
      %and3A_421 = vector.broadcast %and3A_420 : i32 to vector<16xi32>
      %and3A_422 = arith.andi %and3A_413, %and3A_421 : vector<16xi32>
      %add3A_423 = arith.addi %mul3A_402, %mul3A_419 : vector<16xi32>
      %add3A_424 = arith.constant 1920 : i32
      %add3A_425 = vector.broadcast %add3A_424 : i32 to vector<16xi32>
      %add3A_426 = arith.addi %and3A_422, %add3A_425 : vector<16xi32>
      %add3A_427 = arith.addi %add3A_423, %add3A_426 : vector<16xi32>
      tpu.vector_store_idx %arg4[%add3A_427], %broadcast_in_dim3A_403 {add = true} : memref<73728xf32, #tpu.memory_space<vmem>>[vector<16xi32>], vector<16xf32>,
      %shift_right_arithmetic3A_428 = arith.constant 8 : i32
      %shift_right_arithmetic3A_429 = vector.broadcast %shift_right_arithmetic3A_428 : i32 to vector<16xi32>
      %shift_right_arithmetic3A_430 = arith.shrsi %get3A_408, %shift_right_arithmetic3A_429 : vector<16xi32>
      %and3A_431 = arith.constant 255 : i32
      %and3A_432 = vector.broadcast %and3A_431 : i32 to vector<16xi32>
      %and3A_433 = arith.andi %shift_right_arithmetic3A_430, %and3A_432 : vector<16xi32>
      %shift_right_arithmetic3A_434 = arith.constant 7 : i32
      %shift_right_arithmetic3A_435 = vector.broadcast %shift_right_arithmetic3A_434 : i32 to vector<16xi32>
      %shift_right_arithmetic3A_436 = arith.shrsi %and3A_433, %shift_right_arithmetic3A_435 : vector<16xi32>
      %mul3A_437 = arith.constant 2304 : i32
      %mul3A_438 = vector.broadcast %mul3A_437 : i32 to vector<16xi32>
      %mul3A_439 = arith.muli %shift_right_arithmetic3A_436, %mul3A_438 : vector<16xi32>
      %and3A_440 = arith.constant 127 : i32
      %and3A_441 = vector.broadcast %and3A_440 : i32 to vector<16xi32>
      %and3A_442 = arith.andi %and3A_433, %and3A_441 : vector<16xi32>
      %add3A_443 = arith.addi %mul3A_402, %mul3A_439 : vector<16xi32>
      %add3A_444 = arith.constant 1920 : i32
      %add3A_445 = vector.broadcast %add3A_444 : i32 to vector<16xi32>
      %add3A_446 = arith.addi %and3A_442, %add3A_445 : vector<16xi32>
      %add3A_447 = arith.addi %add3A_443, %add3A_446 : vector<16xi32>
      tpu.vector_store_idx %arg4[%add3A_447], %broadcast_in_dim3A_403 {add = true} : memref<73728xf32, #tpu.memory_space<vmem>>[vector<16xi32>], vector<16xf32>,
      %shift_right_arithmetic3A_448 = arith.constant 16 : i32
      %shift_right_arithmetic3A_449 = vector.broadcast %shift_right_arithmetic3A_448 : i32 to vector<16xi32>
      %shift_right_arithmetic3A_450 = arith.shrsi %get3A_408, %shift_right_arithmetic3A_449 : vector<16xi32>
      %and3A_451 = arith.constant 255 : i32
      %and3A_452 = vector.broadcast %and3A_451 : i32 to vector<16xi32>
      %and3A_453 = arith.andi %shift_right_arithmetic3A_450, %and3A_452 : vector<16xi32>
      %shift_right_arithmetic3A_454 = arith.constant 7 : i32
      %shift_right_arithmetic3A_455 = vector.broadcast %shift_right_arithmetic3A_454 : i32 to vector<16xi32>
      %shift_right_arithmetic3A_456 = arith.shrsi %and3A_453, %shift_right_arithmetic3A_455 : vector<16xi32>
      %mul3A_457 = arith.constant 2304 : i32
      %mul3A_458 = vector.broadcast %mul3A_457 : i32 to vector<16xi32>
      %mul3A_459 = arith.muli %shift_right_arithmetic3A_456, %mul3A_458 : vector<16xi32>
      %and3A_460 = arith.constant 127 : i32
      %and3A_461 = vector.broadcast %and3A_460 : i32 to vector<16xi32>
      %and3A_462 = arith.andi %and3A_453, %and3A_461 : vector<16xi32>
      %add3A_463 = arith.addi %mul3A_402, %mul3A_459 : vector<16xi32>
      %add3A_464 = arith.constant 1920 : i32
      %add3A_465 = vector.broadcast %add3A_464 : i32 to vector<16xi32>
      %add3A_466 = arith.addi %and3A_462, %add3A_465 : vector<16xi32>
      %add3A_467 = arith.addi %add3A_463, %add3A_466 : vector<16xi32>
      tpu.vector_store_idx %arg4[%add3A_467], %broadcast_in_dim3A_403 {add = true} : memref<73728xf32, #tpu.memory_space<vmem>>[vector<16xi32>], vector<16xf32>,
      %shift_right_arithmetic3A_468 = arith.constant 24 : i32
      %shift_right_arithmetic3A_469 = vector.broadcast %shift_right_arithmetic3A_468 : i32 to vector<16xi32>
      %shift_right_arithmetic3A_470 = arith.shrsi %get3A_408, %shift_right_arithmetic3A_469 : vector<16xi32>
      %and3A_471 = arith.constant 255 : i32
      %and3A_472 = vector.broadcast %and3A_471 : i32 to vector<16xi32>
      %and3A_473 = arith.andi %shift_right_arithmetic3A_470, %and3A_472 : vector<16xi32>
      %shift_right_arithmetic3A_474 = arith.constant 7 : i32
      %shift_right_arithmetic3A_475 = vector.broadcast %shift_right_arithmetic3A_474 : i32 to vector<16xi32>
      %shift_right_arithmetic3A_476 = arith.shrsi %and3A_473, %shift_right_arithmetic3A_475 : vector<16xi32>
      %mul3A_477 = arith.constant 2304 : i32
      %mul3A_478 = vector.broadcast %mul3A_477 : i32 to vector<16xi32>
      %mul3A_479 = arith.muli %shift_right_arithmetic3A_476, %mul3A_478 : vector<16xi32>
      %and3A_480 = arith.constant 127 : i32
      %and3A_481 = vector.broadcast %and3A_480 : i32 to vector<16xi32>
      %and3A_482 = arith.andi %and3A_473, %and3A_481 : vector<16xi32>
      %add3A_483 = arith.addi %mul3A_402, %mul3A_479 : vector<16xi32>
      %add3A_484 = arith.constant 1920 : i32
      %add3A_485 = vector.broadcast %add3A_484 : i32 to vector<16xi32>
      %add3A_486 = arith.addi %and3A_482, %add3A_485 : vector<16xi32>
      %add3A_487 = arith.addi %add3A_483, %add3A_486 : vector<16xi32>
      tpu.vector_store_idx %arg4[%add3A_487], %broadcast_in_dim3A_403 {add = true} : memref<73728xf32, #tpu.memory_space<vmem>>[vector<16xi32>], vector<16xf32>,
    }
    %scan3A_366 = arith.constant 625 : i32
    %add3A_367 = arith.constant 2720000 : i32
    %add3A_368 = arith.addi %add3A_35, %add3A_367 : i32
    %dma_start3A_369 = arith.constant 10000 : i32
    %dma_start3A_370 = tpu.memref_slice %arg5[%dma_start3A_369] : memref<20000xi32, #tpu.memory_space<vmem>> -> memref<10000xi32, #tpu.memory_space<vmem>>
    %dma_start3A_371 = tpu.memref_slice %arg2[%add3A_368] : memref<5760000xi32, #tpu.memory_space<hbm>> -> memref<10000xi32, #tpu.memory_space<hbm>>
    %dma_start3A_372 = arith.constant 10000 : i32
    %dma_start3A_373 = tpu.memref_slice %arg5[%dma_start3A_372] : memref<20000xi32, #tpu.memory_space<vmem>> -> memref<10000xi32, #tpu.memory_space<vmem>>
    %dma_start3A_374 = tpu.memref_slice %arg2[%add3A_368] : memref<5760000xi32, #tpu.memory_space<hbm>> -> memref<10000xi32, #tpu.memory_space<hbm>>
    tpu.enqueue_dma source(%dma_start3A_374 : memref<10000xi32, #tpu.memory_space<hbm>>) target(%dma_start3A_373 : memref<10000xi32, #tpu.memory_space<vmem>>) target_semaphore(%arg7 : memref<!tpu.dma_semaphore, #tpu.memory_space<semaphore_mem>>)
    %dma_wait3A_375 = arith.constant 0 : i32
    %dma_wait3A_376 = tpu.memref_slice %arg5[%dma_wait3A_375] : memref<20000xi32, #tpu.memory_space<vmem>> -> memref<10000xi32, #tpu.memory_space<vmem>>
    %dma_wait3A_377 = tpu.memref_slice %arg2[%add3A_348] : memref<5760000xi32, #tpu.memory_space<hbm>> -> memref<10000xi32, #tpu.memory_space<hbm>>
    %dma_wait3A_378 = arith.constant 0 : i32
    %dma_wait3A_379 = tpu.memref_slice %arg5[%dma_wait3A_378] : memref<20000xi32, #tpu.memory_space<vmem>> -> memref<10000xi32, #tpu.memory_space<vmem>>
    %dma_wait3A_380 = tpu.memref_slice %arg2[%add3A_348] : memref<5760000xi32, #tpu.memory_space<hbm>> -> memref<10000xi32, #tpu.memory_space<hbm>>
    tpu.wait_dma2 semaphore(%arg6 : memref<!tpu.dma_semaphore, #tpu.memory_space<semaphore_mem>>) src(%dma_wait3A_380 : memref<10000xi32, #tpu.memory_space<hbm>>) dst(%dma_wait3A_379 : memref<10000xi32, #tpu.memory_space<vmem>>)
    %scan3A_381 = arith.constant 0 : i32
    %scan3A_382 = arith.constant 0 : i32
    %scan3A_383 = arith.constant 625 : i32
    %scan3A_384 = arith.addi %scan3A_382, %scan3A_383 : i32
    %scan3A_385 = arith.constant 1 : i32
    scf.for %scan3A_399 = %scan3A_382 to %scan3A_384 step %scan3A_385  : i32 {
      %iota3A = tpu.iota {dimensions = array<i32: 0>} : vector<16xi32>
      %mul3A_400 = arith.constant 4608 : i32
      %mul3A_401 = vector.broadcast %mul3A_400 : i32 to vector<16xi32>
      %mul3A_402 = arith.muli %iota3A, %mul3A_401 : vector<16xi32>
      %broadcast_in_dim3A = arith.constant 1.000000e+00 : f32
      %broadcast_in_dim3A_403 = vector.broadcast %broadcast_in_dim3A : f32 to vector<16xf32>
      %mul3A_404 = arith.constant 16 : i32
      %mul3A_405 = arith.muli %scan3A_399, %mul3A_404 : i32
      %add3A_406 = arith.constant 0 : i32
      %add3A_407 = arith.addi %add3A_406, %mul3A_405 : i32
      %get3A = arith.index_cast %add3A_407 : i32 to index
      %get3A_408 = tpu.vector_load %arg5[%get3A] {strides = array<i32>} : memref<20000xi32, #tpu.memory_space<vmem>>, vector<16xi32>,
      %shift_right_arithmetic3A = arith.constant 0 : i32
      %shift_right_arithmetic3A_409 = vector.broadcast %shift_right_arithmetic3A : i32 to vector<16xi32>
      %shift_right_arithmetic3A_410 = arith.shrsi %get3A_408, %shift_right_arithmetic3A_409 : vector<16xi32>
      %and3A_411 = arith.constant 255 : i32
      %and3A_412 = vector.broadcast %and3A_411 : i32 to vector<16xi32>
      %and3A_413 = arith.andi %shift_right_arithmetic3A_410, %and3A_412 : vector<16xi32>
      %shift_right_arithmetic3A_414 = arith.constant 7 : i32
      %shift_right_arithmetic3A_415 = vector.broadcast %shift_right_arithmetic3A_414 : i32 to vector<16xi32>
      %shift_right_arithmetic3A_416 = arith.shrsi %and3A_413, %shift_right_arithmetic3A_415 : vector<16xi32>
      %mul3A_417 = arith.constant 2304 : i32
      %mul3A_418 = vector.broadcast %mul3A_417 : i32 to vector<16xi32>
      %mul3A_419 = arith.muli %shift_right_arithmetic3A_416, %mul3A_418 : vector<16xi32>
      %and3A_420 = arith.constant 127 : i32
      %and3A_421 = vector.broadcast %and3A_420 : i32 to vector<16xi32>
      %and3A_422 = arith.andi %and3A_413, %and3A_421 : vector<16xi32>
      %add3A_423 = arith.addi %mul3A_402, %mul3A_419 : vector<16xi32>
      %add3A_424 = arith.constant 2048 : i32
      %add3A_425 = vector.broadcast %add3A_424 : i32 to vector<16xi32>
      %add3A_426 = arith.addi %and3A_422, %add3A_425 : vector<16xi32>
      %add3A_427 = arith.addi %add3A_423, %add3A_426 : vector<16xi32>
      tpu.vector_store_idx %arg4[%add3A_427], %broadcast_in_dim3A_403 {add = true} : memref<73728xf32, #tpu.memory_space<vmem>>[vector<16xi32>], vector<16xf32>,
      %shift_right_arithmetic3A_428 = arith.constant 8 : i32
      %shift_right_arithmetic3A_429 = vector.broadcast %shift_right_arithmetic3A_428 : i32 to vector<16xi32>
      %shift_right_arithmetic3A_430 = arith.shrsi %get3A_408, %shift_right_arithmetic3A_429 : vector<16xi32>
      %and3A_431 = arith.constant 255 : i32
      %and3A_432 = vector.broadcast %and3A_431 : i32 to vector<16xi32>
      %and3A_433 = arith.andi %shift_right_arithmetic3A_430, %and3A_432 : vector<16xi32>
      %shift_right_arithmetic3A_434 = arith.constant 7 : i32
      %shift_right_arithmetic3A_435 = vector.broadcast %shift_right_arithmetic3A_434 : i32 to vector<16xi32>
      %shift_right_arithmetic3A_436 = arith.shrsi %and3A_433, %shift_right_arithmetic3A_435 : vector<16xi32>
      %mul3A_437 = arith.constant 2304 : i32
      %mul3A_438 = vector.broadcast %mul3A_437 : i32 to vector<16xi32>
      %mul3A_439 = arith.muli %shift_right_arithmetic3A_436, %mul3A_438 : vector<16xi32>
      %and3A_440 = arith.constant 127 : i32
      %and3A_441 = vector.broadcast %and3A_440 : i32 to vector<16xi32>
      %and3A_442 = arith.andi %and3A_433, %and3A_441 : vector<16xi32>
      %add3A_443 = arith.addi %mul3A_402, %mul3A_439 : vector<16xi32>
      %add3A_444 = arith.constant 2048 : i32
      %add3A_445 = vector.broadcast %add3A_444 : i32 to vector<16xi32>
      %add3A_446 = arith.addi %and3A_442, %add3A_445 : vector<16xi32>
      %add3A_447 = arith.addi %add3A_443, %add3A_446 : vector<16xi32>
      tpu.vector_store_idx %arg4[%add3A_447], %broadcast_in_dim3A_403 {add = true} : memref<73728xf32, #tpu.memory_space<vmem>>[vector<16xi32>], vector<16xf32>,
      %shift_right_arithmetic3A_448 = arith.constant 16 : i32
      %shift_right_arithmetic3A_449 = vector.broadcast %shift_right_arithmetic3A_448 : i32 to vector<16xi32>
      %shift_right_arithmetic3A_450 = arith.shrsi %get3A_408, %shift_right_arithmetic3A_449 : vector<16xi32>
      %and3A_451 = arith.constant 255 : i32
      %and3A_452 = vector.broadcast %and3A_451 : i32 to vector<16xi32>
      %and3A_453 = arith.andi %shift_right_arithmetic3A_450, %and3A_452 : vector<16xi32>
      %shift_right_arithmetic3A_454 = arith.constant 7 : i32
      %shift_right_arithmetic3A_455 = vector.broadcast %shift_right_arithmetic3A_454 : i32 to vector<16xi32>
      %shift_right_arithmetic3A_456 = arith.shrsi %and3A_453, %shift_right_arithmetic3A_455 : vector<16xi32>
      %mul3A_457 = arith.constant 2304 : i32
      %mul3A_458 = vector.broadcast %mul3A_457 : i32 to vector<16xi32>
      %mul3A_459 = arith.muli %shift_right_arithmetic3A_456, %mul3A_458 : vector<16xi32>
      %and3A_460 = arith.constant 127 : i32
      %and3A_461 = vector.broadcast %and3A_460 : i32 to vector<16xi32>
      %and3A_462 = arith.andi %and3A_453, %and3A_461 : vector<16xi32>
      %add3A_463 = arith.addi %mul3A_402, %mul3A_459 : vector<16xi32>
      %add3A_464 = arith.constant 2048 : i32
      %add3A_465 = vector.broadcast %add3A_464 : i32 to vector<16xi32>
      %add3A_466 = arith.addi %and3A_462, %add3A_465 : vector<16xi32>
      %add3A_467 = arith.addi %add3A_463, %add3A_466 : vector<16xi32>
      tpu.vector_store_idx %arg4[%add3A_467], %broadcast_in_dim3A_403 {add = true} : memref<73728xf32, #tpu.memory_space<vmem>>[vector<16xi32>], vector<16xf32>,
      %shift_right_arithmetic3A_468 = arith.constant 24 : i32
      %shift_right_arithmetic3A_469 = vector.broadcast %shift_right_arithmetic3A_468 : i32 to vector<16xi32>
      %shift_right_arithmetic3A_470 = arith.shrsi %get3A_408, %shift_right_arithmetic3A_469 : vector<16xi32>
      %and3A_471 = arith.constant 255 : i32
      %and3A_472 = vector.broadcast %and3A_471 : i32 to vector<16xi32>
      %and3A_473 = arith.andi %shift_right_arithmetic3A_470, %and3A_472 : vector<16xi32>
      %shift_right_arithmetic3A_474 = arith.constant 7 : i32
      %shift_right_arithmetic3A_475 = vector.broadcast %shift_right_arithmetic3A_474 : i32 to vector<16xi32>
      %shift_right_arithmetic3A_476 = arith.shrsi %and3A_473, %shift_right_arithmetic3A_475 : vector<16xi32>
      %mul3A_477 = arith.constant 2304 : i32
      %mul3A_478 = vector.broadcast %mul3A_477 : i32 to vector<16xi32>
      %mul3A_479 = arith.muli %shift_right_arithmetic3A_476, %mul3A_478 : vector<16xi32>
      %and3A_480 = arith.constant 127 : i32
      %and3A_481 = vector.broadcast %and3A_480 : i32 to vector<16xi32>
      %and3A_482 = arith.andi %and3A_473, %and3A_481 : vector<16xi32>
      %add3A_483 = arith.addi %mul3A_402, %mul3A_479 : vector<16xi32>
      %add3A_484 = arith.constant 2048 : i32
      %add3A_485 = vector.broadcast %add3A_484 : i32 to vector<16xi32>
      %add3A_486 = arith.addi %and3A_482, %add3A_485 : vector<16xi32>
      %add3A_487 = arith.addi %add3A_483, %add3A_486 : vector<16xi32>
      tpu.vector_store_idx %arg4[%add3A_487], %broadcast_in_dim3A_403 {add = true} : memref<73728xf32, #tpu.memory_space<vmem>>[vector<16xi32>], vector<16xf32>,
    }
    %scan3A_386 = arith.constant 625 : i32
    %dma_wait3A_387 = arith.constant 10000 : i32
    %dma_wait3A_388 = tpu.memref_slice %arg5[%dma_wait3A_387] : memref<20000xi32, #tpu.memory_space<vmem>> -> memref<10000xi32, #tpu.memory_space<vmem>>
    %dma_wait3A_389 = tpu.memref_slice %arg2[%add3A_368] : memref<5760000xi32, #tpu.memory_space<hbm>> -> memref<10000xi32, #tpu.memory_space<hbm>>
    %dma_wait3A_390 = arith.constant 10000 : i32
    %dma_wait3A_391 = tpu.memref_slice %arg5[%dma_wait3A_390] : memref<20000xi32, #tpu.memory_space<vmem>> -> memref<10000xi32, #tpu.memory_space<vmem>>
    %dma_wait3A_392 = tpu.memref_slice %arg2[%add3A_368] : memref<5760000xi32, #tpu.memory_space<hbm>> -> memref<10000xi32, #tpu.memory_space<hbm>>
    tpu.wait_dma2 semaphore(%arg7 : memref<!tpu.dma_semaphore, #tpu.memory_space<semaphore_mem>>) src(%dma_wait3A_392 : memref<10000xi32, #tpu.memory_space<hbm>>) dst(%dma_wait3A_391 : memref<10000xi32, #tpu.memory_space<vmem>>)
    %scan3A_393 = arith.constant 0 : i32
    %scan3A_394 = arith.constant 0 : i32
    %scan3A_395 = arith.constant 625 : i32
    %scan3A_396 = arith.addi %scan3A_394, %scan3A_395 : i32
    %scan3A_397 = arith.constant 1 : i32
    scf.for %scan3A_399 = %scan3A_394 to %scan3A_396 step %scan3A_397  : i32 {
      %iota3A = tpu.iota {dimensions = array<i32: 0>} : vector<16xi32>
      %mul3A_400 = arith.constant 4608 : i32
      %mul3A_401 = vector.broadcast %mul3A_400 : i32 to vector<16xi32>
      %mul3A_402 = arith.muli %iota3A, %mul3A_401 : vector<16xi32>
      %broadcast_in_dim3A = arith.constant 1.000000e+00 : f32
      %broadcast_in_dim3A_403 = vector.broadcast %broadcast_in_dim3A : f32 to vector<16xf32>
      %mul3A_404 = arith.constant 16 : i32
      %mul3A_405 = arith.muli %scan3A_399, %mul3A_404 : i32
      %add3A_406 = arith.constant 10000 : i32
      %add3A_407 = arith.addi %add3A_406, %mul3A_405 : i32
      %get3A = arith.index_cast %add3A_407 : i32 to index
      %get3A_408 = tpu.vector_load %arg5[%get3A] {strides = array<i32>} : memref<20000xi32, #tpu.memory_space<vmem>>, vector<16xi32>,
      %shift_right_arithmetic3A = arith.constant 0 : i32
      %shift_right_arithmetic3A_409 = vector.broadcast %shift_right_arithmetic3A : i32 to vector<16xi32>
      %shift_right_arithmetic3A_410 = arith.shrsi %get3A_408, %shift_right_arithmetic3A_409 : vector<16xi32>
      %and3A_411 = arith.constant 255 : i32
      %and3A_412 = vector.broadcast %and3A_411 : i32 to vector<16xi32>
      %and3A_413 = arith.andi %shift_right_arithmetic3A_410, %and3A_412 : vector<16xi32>
      %shift_right_arithmetic3A_414 = arith.constant 7 : i32
      %shift_right_arithmetic3A_415 = vector.broadcast %shift_right_arithmetic3A_414 : i32 to vector<16xi32>
      %shift_right_arithmetic3A_416 = arith.shrsi %and3A_413, %shift_right_arithmetic3A_415 : vector<16xi32>
      %mul3A_417 = arith.constant 2304 : i32
      %mul3A_418 = vector.broadcast %mul3A_417 : i32 to vector<16xi32>
      %mul3A_419 = arith.muli %shift_right_arithmetic3A_416, %mul3A_418 : vector<16xi32>
      %and3A_420 = arith.constant 127 : i32
      %and3A_421 = vector.broadcast %and3A_420 : i32 to vector<16xi32>
      %and3A_422 = arith.andi %and3A_413, %and3A_421 : vector<16xi32>
      %add3A_423 = arith.addi %mul3A_402, %mul3A_419 : vector<16xi32>
      %add3A_424 = arith.constant 2176 : i32
      %add3A_425 = vector.broadcast %add3A_424 : i32 to vector<16xi32>
      %add3A_426 = arith.addi %and3A_422, %add3A_425 : vector<16xi32>
      %add3A_427 = arith.addi %add3A_423, %add3A_426 : vector<16xi32>
      tpu.vector_store_idx %arg4[%add3A_427], %broadcast_in_dim3A_403 {add = true} : memref<73728xf32, #tpu.memory_space<vmem>>[vector<16xi32>], vector<16xf32>,
      %shift_right_arithmetic3A_428 = arith.constant 8 : i32
      %shift_right_arithmetic3A_429 = vector.broadcast %shift_right_arithmetic3A_428 : i32 to vector<16xi32>
      %shift_right_arithmetic3A_430 = arith.shrsi %get3A_408, %shift_right_arithmetic3A_429 : vector<16xi32>
      %and3A_431 = arith.constant 255 : i32
      %and3A_432 = vector.broadcast %and3A_431 : i32 to vector<16xi32>
      %and3A_433 = arith.andi %shift_right_arithmetic3A_430, %and3A_432 : vector<16xi32>
      %shift_right_arithmetic3A_434 = arith.constant 7 : i32
      %shift_right_arithmetic3A_435 = vector.broadcast %shift_right_arithmetic3A_434 : i32 to vector<16xi32>
      %shift_right_arithmetic3A_436 = arith.shrsi %and3A_433, %shift_right_arithmetic3A_435 : vector<16xi32>
      %mul3A_437 = arith.constant 2304 : i32
      %mul3A_438 = vector.broadcast %mul3A_437 : i32 to vector<16xi32>
      %mul3A_439 = arith.muli %shift_right_arithmetic3A_436, %mul3A_438 : vector<16xi32>
      %and3A_440 = arith.constant 127 : i32
      %and3A_441 = vector.broadcast %and3A_440 : i32 to vector<16xi32>
      %and3A_442 = arith.andi %and3A_433, %and3A_441 : vector<16xi32>
      %add3A_443 = arith.addi %mul3A_402, %mul3A_439 : vector<16xi32>
      %add3A_444 = arith.constant 2176 : i32
      %add3A_445 = vector.broadcast %add3A_444 : i32 to vector<16xi32>
      %add3A_446 = arith.addi %and3A_442, %add3A_445 : vector<16xi32>
      %add3A_447 = arith.addi %add3A_443, %add3A_446 : vector<16xi32>
      tpu.vector_store_idx %arg4[%add3A_447], %broadcast_in_dim3A_403 {add = true} : memref<73728xf32, #tpu.memory_space<vmem>>[vector<16xi32>], vector<16xf32>,
      %shift_right_arithmetic3A_448 = arith.constant 16 : i32
      %shift_right_arithmetic3A_449 = vector.broadcast %shift_right_arithmetic3A_448 : i32 to vector<16xi32>
      %shift_right_arithmetic3A_450 = arith.shrsi %get3A_408, %shift_right_arithmetic3A_449 : vector<16xi32>
      %and3A_451 = arith.constant 255 : i32
      %and3A_452 = vector.broadcast %and3A_451 : i32 to vector<16xi32>
      %and3A_453 = arith.andi %shift_right_arithmetic3A_450, %and3A_452 : vector<16xi32>
      %shift_right_arithmetic3A_454 = arith.constant 7 : i32
      %shift_right_arithmetic3A_455 = vector.broadcast %shift_right_arithmetic3A_454 : i32 to vector<16xi32>
      %shift_right_arithmetic3A_456 = arith.shrsi %and3A_453, %shift_right_arithmetic3A_455 : vector<16xi32>
      %mul3A_457 = arith.constant 2304 : i32
      %mul3A_458 = vector.broadcast %mul3A_457 : i32 to vector<16xi32>
      %mul3A_459 = arith.muli %shift_right_arithmetic3A_456, %mul3A_458 : vector<16xi32>
      %and3A_460 = arith.constant 127 : i32
      %and3A_461 = vector.broadcast %and3A_460 : i32 to vector<16xi32>
      %and3A_462 = arith.andi %and3A_453, %and3A_461 : vector<16xi32>
      %add3A_463 = arith.addi %mul3A_402, %mul3A_459 : vector<16xi32>
      %add3A_464 = arith.constant 2176 : i32
      %add3A_465 = vector.broadcast %add3A_464 : i32 to vector<16xi32>
      %add3A_466 = arith.addi %and3A_462, %add3A_465 : vector<16xi32>
      %add3A_467 = arith.addi %add3A_463, %add3A_466 : vector<16xi32>
      tpu.vector_store_idx %arg4[%add3A_467], %broadcast_in_dim3A_403 {add = true} : memref<73728xf32, #tpu.memory_space<vmem>>[vector<16xi32>], vector<16xf32>,
      %shift_right_arithmetic3A_468 = arith.constant 24 : i32
      %shift_right_arithmetic3A_469 = vector.broadcast %shift_right_arithmetic3A_468 : i32 to vector<16xi32>
      %shift_right_arithmetic3A_470 = arith.shrsi %get3A_408, %shift_right_arithmetic3A_469 : vector<16xi32>
      %and3A_471 = arith.constant 255 : i32
      %and3A_472 = vector.broadcast %and3A_471 : i32 to vector<16xi32>
      %and3A_473 = arith.andi %shift_right_arithmetic3A_470, %and3A_472 : vector<16xi32>
      %shift_right_arithmetic3A_474 = arith.constant 7 : i32
      %shift_right_arithmetic3A_475 = vector.broadcast %shift_right_arithmetic3A_474 : i32 to vector<16xi32>
      %shift_right_arithmetic3A_476 = arith.shrsi %and3A_473, %shift_right_arithmetic3A_475 : vector<16xi32>
      %mul3A_477 = arith.constant 2304 : i32
      %mul3A_478 = vector.broadcast %mul3A_477 : i32 to vector<16xi32>
      %mul3A_479 = arith.muli %shift_right_arithmetic3A_476, %mul3A_478 : vector<16xi32>
      %and3A_480 = arith.constant 127 : i32
      %and3A_481 = vector.broadcast %and3A_480 : i32 to vector<16xi32>
      %and3A_482 = arith.andi %and3A_473, %and3A_481 : vector<16xi32>
      %add3A_483 = arith.addi %mul3A_402, %mul3A_479 : vector<16xi32>
      %add3A_484 = arith.constant 2176 : i32
      %add3A_485 = vector.broadcast %add3A_484 : i32 to vector<16xi32>
      %add3A_486 = arith.addi %and3A_482, %add3A_485 : vector<16xi32>
      %add3A_487 = arith.addi %add3A_483, %add3A_486 : vector<16xi32>
      tpu.vector_store_idx %arg4[%add3A_487], %broadcast_in_dim3A_403 {add = true} : memref<73728xf32, #tpu.memory_space<vmem>>[vector<16xi32>], vector<16xf32>,
    }
    %scan3A_398 = arith.constant 625 : i32
    "tpu.region"() ({
      %run_scoped3A = tpu.sem_alloc : memref<!tpu.dma_semaphore, #tpu.memory_space<semaphore_mem>>
      %dma_start3A_399 = arith.constant 0 : i32
      %dma_start3A_400 = tpu.memref_slice %arg3[%add3A, %dma_start3A_399] : memref<32x73728xf32, #tpu.memory_space<hbm>> -> memref<1x73728xf32, #tpu.memory_space<hbm>>
      %dma_start3A_401 = tpu.memref_squeeze %dma_start3A_400 : memref<1x73728xf32, #tpu.memory_space<hbm>> -> memref<73728xf32, #tpu.memory_space<hbm>>
      %dma_start3A_402 = arith.constant 0 : i32
      %dma_start3A_403 = tpu.memref_slice %arg3[%add3A, %dma_start3A_402] : memref<32x73728xf32, #tpu.memory_space<hbm>> -> memref<1x73728xf32, #tpu.memory_space<hbm>>
      %dma_start3A_404 = tpu.memref_squeeze %dma_start3A_403 : memref<1x73728xf32, #tpu.memory_space<hbm>> -> memref<73728xf32, #tpu.memory_space<hbm>>
      tpu.enqueue_dma source(%arg4 : memref<73728xf32, #tpu.memory_space<vmem>>) target(%dma_start3A_404 : memref<73728xf32, #tpu.memory_space<hbm>>) target_semaphore(%run_scoped3A : memref<!tpu.dma_semaphore, #tpu.memory_space<semaphore_mem>>)
      %dma_wait3A_405 = arith.constant 0 : i32
      %dma_wait3A_406 = tpu.memref_slice %arg3[%add3A, %dma_wait3A_405] : memref<32x73728xf32, #tpu.memory_space<hbm>> -> memref<1x73728xf32, #tpu.memory_space<hbm>>
      %dma_wait3A_407 = tpu.memref_squeeze %dma_wait3A_406 : memref<1x73728xf32, #tpu.memory_space<hbm>> -> memref<73728xf32, #tpu.memory_space<hbm>>
      %dma_wait3A_408 = arith.constant 0 : i32
      %dma_wait3A_409 = tpu.memref_slice %arg3[%add3A, %dma_wait3A_408] : memref<32x73728xf32, #tpu.memory_space<hbm>> -> memref<1x73728xf32, #tpu.memory_space<hbm>>
      %dma_wait3A_410 = tpu.memref_squeeze %dma_wait3A_409 : memref<1x73728xf32, #tpu.memory_space<hbm>> -> memref<73728xf32, #tpu.memory_space<hbm>>
      tpu.wait_dma2 semaphore(%run_scoped3A : memref<!tpu.dma_semaphore, #tpu.memory_space<semaphore_mem>>) src(%arg4 : memref<73728xf32, #tpu.memory_space<vmem>>) dst(%dma_wait3A_410 : memref<73728xf32, #tpu.memory_space<hbm>>)
      tpu.yield
    }) : () -> ()
    return
  }
}

module attributes {stable_mosaic.version = 14 : i64} {
  func.func @_pre_body(%arg0: i32, %arg1: i32, %arg2: memref<1x18x8x16x200xf32, #tpu.memory_space<vmem>>, %arg3: memref<1x8x16x200xi32, #tpu.memory_space<vmem>>, %arg4: memref<1x18x8x4x200xi32, #tpu.memory_space<vmem>>) attributes {dimension_semantics = [#tpu.dimension_semantics<arbitrary>, #tpu.dimension_semantics<arbitrary>], iteration_bounds = array<i64: 2, 25>, scalar_prefetch = 0 : i64, scratch_operands = 0 : i64, tpu.core_type = #tpu.core_type<tc>, window_params = [{transform_indices = @transform_0, window_bounds = array<i64: 1, 18, 8, 16, 200>}, {transform_indices = @transform_1, window_bounds = array<i64: 1, 8, 16, 200>}, {transform_indices = @transform_2, window_bounds = array<i64: 1, 18, 8, 4, 200>}]} {
    %get3A = arith.constant 0 : index
    %get3A_0 = arith.constant 0 : index
    %get3A_1 = arith.constant 0 : index
    %get3A_2 = arith.constant 0 : index
    %get3A_3 = arith.constant 0 : index
    %get3A_4 = vector.load %arg2[%get3A, %get3A_0, %get3A_1, %get3A_2, %get3A_3] : memref<1x18x8x16x200xf32, #tpu.memory_space<vmem>>, vector<1x18x8x16x200xf32>
    %get3A_5 = arith.constant 0 : index
    %get3A_6 = arith.constant 0 : index
    %get3A_7 = arith.constant 0 : index
    %get3A_8 = arith.constant 0 : index
    %get3A_9 = vector.load %arg3[%get3A_5, %get3A_6, %get3A_7, %get3A_8] : memref<1x8x16x200xi32, #tpu.memory_space<vmem>>, vector<1x8x16x200xi32>
    %exp3A = math.exp %get3A_4 : vector<1x18x8x16x200xf32>
    %reduce_sum3A = arith.constant dense<0.000000e+00> : vector<1x8x16x200xf32>
    %reduce_sum3A_10 = vector.multi_reduction <add>, %exp3A, %reduce_sum3A [1] : vector<1x18x8x16x200xf32> to vector<1x8x16x200xf32>
    %broadcast_in_dim3A = vector.shape_cast %reduce_sum3A_10 : vector<1x8x16x200xf32> to vector<1x1x8x16x200xf32>
    %div3A = arith.constant 1.000000e+00 : f32
    %div3A_11 = vector.broadcast %div3A : f32 to vector<1x1x8x16x200xf32>
    %div3A_12 = arith.divf %div3A_11, %broadcast_in_dim3A : vector<1x1x8x16x200xf32>
    %mul3A = vector.broadcast %div3A_12 : vector<1x1x8x16x200xf32> to vector<1x18x8x16x200xf32>
    %mul3A_13 = arith.mulf %exp3A, %mul3A : vector<1x18x8x16x200xf32>
    %iota3A = tpu.iota {dimensions = array<i32: 1>} : vector<1x18x1x1x1xi32>
    %broadcast_in_dim3A_14 = vector.shape_cast %get3A_9 : vector<1x8x16x200xi32> to vector<1x1x8x16x200xi32>
    %eq3A = vector.broadcast %broadcast_in_dim3A_14 : vector<1x1x8x16x200xi32> to vector<1x18x8x16x200xi32>
    %eq3A_15 = vector.broadcast %iota3A : vector<1x18x1x1x1xi32> to vector<1x18x8x16x200xi32>
    %eq3A_16 = arith.cmpi eq, %eq3A, %eq3A_15 : vector<1x18x8x16x200xi32>
    %sub3A = arith.constant 1.000000e+00 : f32
    %sub3A_17 = vector.broadcast %sub3A : f32 to vector<1x18x8x16x200xf32>
    %sub3A_18 = arith.subf %sub3A_17, %mul3A_13 : vector<1x18x8x16x200xf32>
    %select_n3A = arith.select %eq3A_16, %sub3A_18, %mul3A_13 : vector<1x18x8x16x200xi1>, vector<1x18x8x16x200xf32>
    %mul3A_19 = arith.constant 1.280000e+02 : f32
    %mul3A_20 = vector.broadcast %mul3A_19 : f32 to vector<1x18x8x16x200xf32>
    %mul3A_21 = arith.mulf %select_n3A, %mul3A_20 : vector<1x18x8x16x200xf32>
    %add3A = arith.constant 5.000000e-01 : f32
    %add3A_22 = vector.broadcast %add3A : f32 to vector<1x18x8x16x200xf32>
    %add3A_23 = arith.addf %mul3A_21, %add3A_22 : vector<1x18x8x16x200xf32>
    %convert_element_type3A = arith.fptosi %add3A_23 : vector<1x18x8x16x200xf32> to vector<1x18x8x16x200xi32>
    %min3A = arith.constant 127 : i32
    %min3A_24 = vector.broadcast %min3A : i32 to vector<1x18x8x16x200xi32>
    %min3A_25 = arith.minsi %convert_element_type3A, %min3A_24 : vector<1x18x8x16x200xi32>
    %jit3A = arith.constant 128 : i32
    %jit3A_26 = arith.constant 0 : i32
    %broadcast_in_dim3A_27 = vector.broadcast %jit3A : i32 to vector<1x18x8x16x200xi32>
    %broadcast_in_dim3A_28 = vector.broadcast %jit3A_26 : i32 to vector<1x18x8x16x200xi32>
    %select_n3A_29 = arith.select %eq3A_16, %broadcast_in_dim3A_27, %broadcast_in_dim3A_28 : vector<1x18x8x16x200xi1>, vector<1x18x8x16x200xi32>
    %add3A_30 = arith.addi %min3A_25, %select_n3A_29 : vector<1x18x8x16x200xi32>
    %reshape3A = vector.shape_cast %add3A_30 : vector<1x18x8x16x200xi32> to vector<1x18x8x4x4x200xi32>
    %slice3A = vector.extract_strided_slice %reshape3A {offsets = [0, 0, 0, 0, 0, 0], sizes = [1, 18, 8, 4, 1, 200], strides = [1, 1, 1, 1, 1, 1]} : vector<1x18x8x4x4x200xi32> to vector<1x18x8x4x1x200xi32>
    %squeeze3A = vector.shape_cast %slice3A : vector<1x18x8x4x1x200xi32> to vector<1x18x8x4x200xi32>
    %slice3A_31 = vector.extract_strided_slice %reshape3A {offsets = [0, 0, 0, 0, 1, 0], sizes = [1, 18, 8, 4, 1, 200], strides = [1, 1, 1, 1, 1, 1]} : vector<1x18x8x4x4x200xi32> to vector<1x18x8x4x1x200xi32>
    %squeeze3A_32 = vector.shape_cast %slice3A_31 : vector<1x18x8x4x1x200xi32> to vector<1x18x8x4x200xi32>
    %shift_left3A = arith.constant 8 : i32
    %shift_left3A_33 = vector.broadcast %shift_left3A : i32 to vector<1x18x8x4x200xi32>
    %shift_left3A_34 = arith.shli %squeeze3A_32, %shift_left3A_33 : vector<1x18x8x4x200xi32>
    %add3A_35 = arith.addi %squeeze3A, %shift_left3A_34 : vector<1x18x8x4x200xi32>
    %slice3A_36 = vector.extract_strided_slice %reshape3A {offsets = [0, 0, 0, 0, 2, 0], sizes = [1, 18, 8, 4, 1, 200], strides = [1, 1, 1, 1, 1, 1]} : vector<1x18x8x4x4x200xi32> to vector<1x18x8x4x1x200xi32>
    %squeeze3A_37 = vector.shape_cast %slice3A_36 : vector<1x18x8x4x1x200xi32> to vector<1x18x8x4x200xi32>
    %shift_left3A_38 = arith.constant 16 : i32
    %shift_left3A_39 = vector.broadcast %shift_left3A_38 : i32 to vector<1x18x8x4x200xi32>
    %shift_left3A_40 = arith.shli %squeeze3A_37, %shift_left3A_39 : vector<1x18x8x4x200xi32>
    %add3A_41 = arith.addi %add3A_35, %shift_left3A_40 : vector<1x18x8x4x200xi32>
    %slice3A_42 = vector.extract_strided_slice %reshape3A {offsets = [0, 0, 0, 0, 3, 0], sizes = [1, 18, 8, 4, 1, 200], strides = [1, 1, 1, 1, 1, 1]} : vector<1x18x8x4x4x200xi32> to vector<1x18x8x4x1x200xi32>
    %squeeze3A_43 = vector.shape_cast %slice3A_42 : vector<1x18x8x4x1x200xi32> to vector<1x18x8x4x200xi32>
    %shift_left3A_44 = arith.constant 24 : i32
    %shift_left3A_45 = vector.broadcast %shift_left3A_44 : i32 to vector<1x18x8x4x200xi32>
    %shift_left3A_46 = arith.shli %squeeze3A_43, %shift_left3A_45 : vector<1x18x8x4x200xi32>
    %add3A_47 = arith.addi %add3A_41, %shift_left3A_46 : vector<1x18x8x4x200xi32>
    %swap3A = arith.constant 0 : index
    %swap3A_48 = arith.constant 0 : index
    %swap3A_49 = arith.constant 0 : index
    %swap3A_50 = arith.constant 0 : index
    %swap3A_51 = arith.constant 0 : index
    %swap3A_52 = vector.load %arg4[%swap3A, %swap3A_48, %swap3A_49, %swap3A_50, %swap3A_51] : memref<1x18x8x4x200xi32, #tpu.memory_space<vmem>>, vector<1x18x8x4x200xi32>
    tpu.vector_store %arg4[%swap3A, %swap3A_48, %swap3A_49, %swap3A_50, %swap3A_51], %add3A_47 {strides = array<i32>} : memref<1x18x8x4x200xi32, #tpu.memory_space<vmem>>, vector<1x18x8x4x200xi32>,
    return
  }
  func.func @transform_0(%arg0: i32, %arg1: i32) -> (i32, i32, i32, i32, i32) {
    %c0_i32 = arith.constant 0 : i32
    %c0_i32_0 = arith.constant 0 : i32
    %c0_i32_1 = arith.constant 0 : i32
    %c0_i32_2 = arith.constant 0 : i32
    return %arg0, %c0_i32, %arg1, %c0_i32_0, %c0_i32_1 : i32, i32, i32, i32, i32
  }
  func.func @transform_1(%arg0: i32, %arg1: i32) -> (i32, i32, i32, i32) {
    %c0_i32 = arith.constant 0 : i32
    %c0_i32_0 = arith.constant 0 : i32
    %c0_i32_1 = arith.constant 0 : i32
    return %arg0, %arg1, %c0_i32, %c0_i32_0 : i32, i32, i32, i32
  }
  func.func @transform_2(%arg0: i32, %arg1: i32) -> (i32, i32, i32, i32, i32) {
    %c0_i32 = arith.constant 0 : i32
    %c0_i32_0 = arith.constant 0 : i32
    %c0_i32_1 = arith.constant 0 : i32
    %c0_i32_2 = arith.constant 0 : i32
    return %arg0, %c0_i32, %arg1, %c0_i32_0, %c0_i32_1 : i32, i32, i32, i32, i32
  }
}

module attributes {stable_mosaic.version = 14 : i64} {
  func.func @_tc_body(%arg0: memref<512x36x128xf32, #tpu.memory_space<vmem>>, %arg1: memref<1x1xf32, #tpu.memory_space<vmem>>) attributes {dimension_semantics = [], scalar_prefetch = 0 : i64, scratch_operands = 0 : i64, tpu.core_type = #tpu.core_type<tc>} {
    %get3A = arith.constant 0 : index
    %get3A_0 = arith.constant 0 : index
    %get3A_1 = arith.constant 0 : index
    %get3A_2 = vector.load %arg0[%get3A, %get3A_0, %get3A_1] : memref<512x36x128xf32, #tpu.memory_space<vmem>>, vector<512x36x128xf32>
    %reduce_sum3A = arith.constant dense<0.000000e+00> : vector<36x128xf32>
    %reduce_sum3A_3 = vector.multi_reduction <add>, %get3A_2, %reduce_sum3A [0] : vector<512x36x128xf32> to vector<36x128xf32>
    %slice3A = vector.extract_strided_slice %reduce_sum3A_3 {offsets = [18, 0], sizes = [18, 128], strides = [1, 1]} : vector<36x128xf32> to vector<18x128xf32>
    %slice3A_4 = vector.extract_strided_slice %reduce_sum3A_3 {offsets = [0, 0], sizes = [18, 128], strides = [1, 1]} : vector<36x128xf32> to vector<18x128xf32>
    %add3A = arith.addf %slice3A_4, %slice3A : vector<18x128xf32>
    %iota3A = tpu.iota {dimensions = array<i32: 0>} : vector<128x128xi32>
    %iota3A_5 = tpu.iota {dimensions = array<i32: 1>} : vector<128x128xi32>
    %ge3A = arith.cmpi sge, %iota3A, %iota3A_5 : vector<128x128xi32>
    %convert_element_type3A = arith.extui %ge3A : vector<128x128xi1> to vector<128x128xi32>
    %convert_element_type3A_6 = arith.sitofp %convert_element_type3A : vector<128x128xi32> to vector<128x128xf32>
    %dot_general3A = arith.constant dense<0.000000e+00> : vector<18x128xf32>
    %dot_general3A_7 = tpu.matmul %add3A, %convert_element_type3A_6, %dot_general3A {dimension_numbers = #tpu.dot_dimension_numbers<[1], [0], [0], [1], [0, 0, 1, 1], [], []>, transpose_lhs_hint = false} : vector<18x128xf32>, vector<128x128xf32>, vector<18x128xf32> -> vector<18x128xf32>
    %dot_general3A_8 = arith.constant dense<0.000000e+00> : vector<18x128xf32>
    %dot_general3A_9 = tpu.matmul %slice3A, %convert_element_type3A_6, %dot_general3A_8 {dimension_numbers = #tpu.dot_dimension_numbers<[1], [0], [0], [1], [0, 0, 1, 1], [], []>, transpose_lhs_hint = false} : vector<18x128xf32>, vector<128x128xf32>, vector<18x128xf32> -> vector<18x128xf32>
    %slice3A_10 = vector.extract_strided_slice %dot_general3A_9 {offsets = [0, 0], sizes = [18, 1], strides = [1, 1]} : vector<18x128xf32> to vector<18x1xf32>
    %iota3A_11 = tpu.iota {dimensions = array<i32: 1>} : vector<18x128xi32>
    %ge3A_12 = arith.constant 1 : i32
    %ge3A_13 = vector.broadcast %ge3A_12 : i32 to vector<18x128xi32>
    %ge3A_14 = arith.cmpi sge, %iota3A_11, %ge3A_13 : vector<18x128xi32>
    %gt3A = arith.constant 0.000000e+00 : f32
    %gt3A_15 = vector.broadcast %gt3A : f32 to vector<18x128xf32>
    %gt3A_16 = arith.cmpf ogt, %dot_general3A_7, %gt3A_15 : vector<18x128xf32>
    %and3A = arith.andi %gt3A_16, %ge3A_14 : vector<18x128xi1>
    %add3A_17 = vector.broadcast %slice3A_10 : vector<18x1xf32> to vector<18x128xf32>
    %add3A_18 = arith.addf %add3A_17, %dot_general3A_7 : vector<18x128xf32>
    %sub3A = arith.subf %add3A_18, %dot_general3A_9 : vector<18x128xf32>
    %max3A = arith.constant 1.000000e-30 : f32
    %max3A_19 = vector.broadcast %max3A : f32 to vector<18x128xf32>
    %max3A_20 = arith.maximumf %sub3A, %max3A_19 : vector<18x128xf32>
    %div3A = arith.divf %dot_general3A_7, %max3A_20 : vector<18x128xf32>
    %jit3A = arith.constant 0.000000e+00 : f32
    %broadcast_in_dim3A = vector.broadcast %jit3A : f32 to vector<18x128xf32>
    %select_n3A = arith.select %and3A, %div3A, %broadcast_in_dim3A : vector<18x128xi1>, vector<18x128xf32>
    %reduce_sum3A_21 = arith.constant dense<0.000000e+00> : vector<18xf32>
    %reduce_sum3A_22 = vector.multi_reduction <add>, %select_n3A, %reduce_sum3A_21 [1] : vector<18x128xf32> to vector<18xf32>
    %mul3A = arith.constant 7.812500e-03 : f32
    %mul3A_23 = vector.broadcast %mul3A : f32 to vector<18xf32>
    %mul3A_24 = arith.mulf %reduce_sum3A_22, %mul3A_23 : vector<18xf32>
    %squeeze3A = vector.shape_cast %slice3A_10 : vector<18x1xf32> to vector<18xf32>
    %gt3A_25 = arith.constant 0.000000e+00 : f32
    %gt3A_26 = vector.broadcast %gt3A_25 : f32 to vector<18xf32>
    %gt3A_27 = arith.cmpf ogt, %squeeze3A, %gt3A_26 : vector<18xf32>
    %jit3A_28 = arith.constant 0.000000e+00 : f32
    %broadcast_in_dim3A_29 = vector.broadcast %jit3A_28 : f32 to vector<18xf32>
    %select_n3A_30 = arith.select %gt3A_27, %mul3A_24, %broadcast_in_dim3A_29 : vector<18xi1>, vector<18xf32>
    %reduce_sum3A_31 = vector.shape_cast %select_n3A_30 : vector<18xf32> to vector<1x18xf32>
    %reduce_sum3A_32 = arith.constant dense<0.000000e+00> : vector<1xf32>
    %reduce_sum3A_33 = vector.multi_reduction <add>, %reduce_sum3A_31, %reduce_sum3A_32 [1] : vector<1x18xf32> to vector<1xf32>
    %reduce_sum3A_34 = vector.shape_cast %reduce_sum3A_33 : vector<1xf32> to vector<1x1xf32>
    %reduce_sum3A_35 = vector.extract %reduce_sum3A_34[0, 0] : f32 from vector<1x1xf32>
    %convert_element_type3A_36 = arith.extui %gt3A_27 : vector<18xi1> to vector<18xi32>
    %convert_element_type3A_37 = arith.sitofp %convert_element_type3A_36 : vector<18xi32> to vector<18xf32>
    %reduce_sum3A_38 = vector.shape_cast %convert_element_type3A_37 : vector<18xf32> to vector<1x18xf32>
    %reduce_sum3A_39 = arith.constant dense<0.000000e+00> : vector<1xf32>
    %reduce_sum3A_40 = vector.multi_reduction <add>, %reduce_sum3A_38, %reduce_sum3A_39 [1] : vector<1x18xf32> to vector<1xf32>
    %reduce_sum3A_41 = vector.shape_cast %reduce_sum3A_40 : vector<1xf32> to vector<1x1xf32>
    %reduce_sum3A_42 = vector.extract %reduce_sum3A_41[0, 0] : f32 from vector<1x1xf32>
    %max3A_43 = arith.constant 1.000000e+00 : f32
    %max3A_44 = arith.maximumf %reduce_sum3A_42, %max3A_43 : f32
    %div3A_45 = arith.divf %reduce_sum3A_35, %max3A_44 : f32
    %reshape3A = vector.broadcast %div3A_45 : f32 to vector<1x1xf32>
    %swap3A = arith.constant 0 : index
    %swap3A_46 = arith.constant 0 : index
    %swap3A_47 = vector.load %arg1[%swap3A, %swap3A_46] : memref<1x1xf32, #tpu.memory_space<vmem>>, vector<1x1xf32>
    tpu.vector_store %arg1[%swap3A, %swap3A_46], %reshape3A {strides = array<i32>} : memref<1x1xf32, #tpu.memory_space<vmem>>, vector<1x1xf32>,
    return
  }
}

</mosaic_0001>

<sc_bundles>
// kernel: kernel.5.cloned.1.call-start
scs
__scs_entry_jumppad:
0x0: {  	(pc) =	sbr.rel $0x88, $3  }
0x1: {  	(tag) =	ssettag $0x0;
	lr =	simm.s32 $0x1  }
0x2: {  	[smem:$0x3F9F] =	sst lr;
	_ =	strace $0xD0000000  }
0x3: {  	_ = 	snop  }
0x4: {  	_ = 	snop  }
0x5: {  	_ = 	snop  }
0x6: {  	_ = 	snop  }
0x7: {  	_ = 	snop  }
__scs_overlays_trampoline_lowered:
0x8: {  	[smem:$0x3FAE] =	sst s0  }
0x9: {  	[smem:$0x3FAF] =	sst s1  }
0xa: {  	[smem:$0x3FB0] =	sst s2  }
0xb: {  	[smem:$0x3FB1] =	sst s3  }
0xc: {  	[smem:$0x3FB2] =	sst s4  }
0xd: {  	[smem:$0x3FB3] =	sst s5  }
0xe: {  	[smem:$0x3FB4] =	sst s6  }
0xf: {  	[smem:$0x3FB5] =	sst s7  }
0x10: {  	[smem:$0x3FB6] =	sst s8  }
0x11: {  	[smem:$0x3FB7] =	sst s9;
	s0 =	simm.s32 @!p0 $0x0  }
0x12: {  	s1 =	sld [smem:$0x3F9D];
	s0 =	simm.s32 @p0 $0x1  }
0x13: {  	[smem:$0x3FB8] =	sst s0;
	s0 =	simm.s32 @!p1 $0x0  }
0x14: {  	s2 =	sld [smem:$0x3F9C];
	s0 =	simm.s32 @p1 $0x1  }
0x15: {  	[smem:$0x3FB9] =	sst s0;
	s0 =	simm.s32 @!p2 $0x0  }
0x16: {  	s3 =	sld [smem:$0x3FDB];
	s0 =	simm.s32 @p2 $0x1  }
0x17: {  	s4 =	simm.s32 $0x1BF5;
	[smem:$0x3FBB] =	sst s0  }
0x18: {  	s0 =	sld [smem:$0x3F9E];
	_ =	swait.ge [sflag:s4], $0x0  }
0x19: {  	s7 =	sld [smem:$0x3F9F]  }
0x1a: {  	s8 =	sadd.s32 $0xFFFFE003, lr  }
0x1b: {  	s9 =	sadd.s32 $0xFFFFFEF7, lr;
	s5 =	simm.s32 $0xFFFFFFFF;
	p2 =	slt.u32 s8, $0xFFFFF086  }
0x1c: {  	p1 =	slt.u32 s9, $0xF7A;
	s5 =	simm.s32 @!p2 $0x0  }
0x1d: {  	s5 =	simm.s32 @p1 $0x1;
	p0 =	seq.s32 s7, s2  }
0x1e: {  	s7 =	smul.u32 @!p0 $0xF7A, s2;
	p2 =	seq.s32 @!p0 s5, $0x0  }
0x1f: {  	s9 =	smul.u32 $0xF7A, s1;
	s8 =	simm.s32 @!p0 $0x1BF5;
	p2 =	por !p2, p0  }
0x20: {  	[sflag:s8] =	ssyncset.s32 @!p0 $0xFFFFF086;
	s6 =	sadd.s32 @!p0 s3, s7;
	s7 =	simm.s32 @!p0 $0x108  }
0x21: {  	s3 =	sadd.s32 s3, s9;
	s6 =	sadd.s32 @!p0 $0x88, s6;
	s7 =	simm.s32 @p2 $0x1082  }
0x22: {  	[simem:s7], [sflag:s8] =	dma.local @!p0 [hbm:s6], $0xF7A  }
0x23: {  	s9 =	sor.u32 $0xD0000000, s2;
	s6 =	simm.s32 $0x108;
	_ =	swait.ge @!p0 [sflag:s8], $0x0  }
0x24: {  	s3 =	sadd.s32 $0x88, s3;
	s6 =	simm.s32 @!p1 $0x1082;
	[sflag:s4] =	ssyncset.s32 $0xFFFFF086  }
0x25: {  	[simem:s6], [sflag:s4] =	dma.local [hbm:s3], $0xF7A  }
0x26: {  	[smem:$0x3F9F] =	sst s1;
	(tag) =	ssettag s2;
	_ =	strace s9  }
0x27: {  	s1 =	sld [smem:$0x3FAF]  }
0x28: {  	s2 =	sld [smem:$0x3FB0]  }
0x29: {  	s4 =	sld [smem:$0x3FB2]  }
0x2a: {  	p0 =	seq.s32 s5, $0x0;
	s5 =	sld [smem:$0x3FB3]  }
0x2b: {  	s6 =	sld [smem:$0x3FB4]  }
0x2c: {  	s7 =	sld [smem:$0x3FB5]  }
0x2d: {  	s3 =	simm.s32 $0x108;
	s8 =	sld [smem:$0x3FB6]  }
0x2e: {  	s3 =	simm.s32 @!p0 $0x1082;
	s9 =	sld [smem:$0x3FB7]  }
0x2f: {  	lr =	sadd.s32 s0, s3;
	s0 =	sld [smem:$0x3FAE]  }
0x30: {  	s3 =	sld [smem:$0x3FB1]  }
0x31: {  	[smem:$0x3FBA] =	sst s10  }
0x32: {  	s10 =	sld [smem:$0x3FB8];
	_ =	sdelay $0x3  }
0x33: {  	p0 =	seq.s32 s10, $0x1;
	s10 =	sld [smem:$0x3FBA];
	_ =	sdelay $0x3  }
0x34: {  	[smem:$0x3FBA] =	sst s10  }
0x35: {  	s10 =	sld [smem:$0x3FB9];
	_ =	sdelay $0x3  }
0x36: {  	p1 =	seq.s32 s10, $0x1;
	s10 =	sld [smem:$0x3FBA];
	_ =	sdelay $0x3  }
0x37: {  	[smem:$0x3FBA] =	sst s10  }
0x38: {  	s10 =	sld [smem:$0x3FBB]  }
0x39: {  	_ = 	snop;
	(pc) =	sbr.ind lr, $3  }
0x3a: {  	_ = 	snop  }
0x3b: {  	_ = 	snop  }
0x3c: {  	p2 =	seq.s32 s10, $0x1;
	s10 =	sld [smem:$0x3FBA]  }
0x3d: {  	_ =	shalt  }
0x3e: {  	_ =	shalt  }
0x3f: {  	_ =	shalt  }
0x40: {  	_ =	shalt  }
0x41: {  	_ =	shalt  }
0x42: {  	_ =	shalt  }
0x43: {  	_ =	shalt  }
0x44: {  	_ =	shalt  }
0x45: {  	_ =	shalt  }
0x46: {  	_ =	shalt  }
0x47: {  	_ =	shalt  }
0x48: {  	_ =	shalt  }
0x49: {  	_ =	shalt  }
0x4a: {  	_ =	shalt  }
0x4b: {  	_ =	shalt  }
0x4c: {  	_ =	shalt  }
0x4d: {  	_ =	shalt  }
0x4e: {  	_ =	shalt  }
0x4f: {  	_ =	shalt  }
0x50: {  	_ =	shalt  }
0x51: {  	_ =	shalt  }
0x52: {  	_ =	shalt  }
0x53: {  	_ =	shalt  }
0x54: {  	_ =	shalt  }
0x55: {  	_ =	shalt  }
0x56: {  	_ =	shalt  }
0x57: {  	_ =	shalt  }
0x58: {  	_ =	shalt  }
0x59: {  	_ =	shalt  }
0x5a: {  	_ =	shalt  }
0x5b: {  	_ =	shalt  }
0x5c: {  	_ =	shalt  }
0x5d: {  	_ =	shalt  }
0x5e: {  	_ =	shalt  }
0x5f: {  	_ =	shalt  }
0x60: {  	_ =	shalt  }
0x61: {  	_ =	shalt  }
0x62: {  	_ =	shalt  }
0x63: {  	_ =	shalt  }
0x64: {  	_ =	shalt  }
0x65: {  	_ =	shalt  }
0x66: {  	_ =	shalt  }
0x67: {  	_ =	shalt  }
0x68: {  	_ =	shalt  }
0x69: {  	_ =	shalt  }
0x6a: {  	_ =	shalt  }
0x6b: {  	_ =	shalt  }
0x6c: {  	_ =	shalt  }
0x6d: {  	_ =	shalt  }
0x6e: {  	_ =	shalt  }
0x6f: {  	_ =	shalt  }
0x70: {  	_ =	shalt  }
0x71: {  	_ =	shalt  }
0x72: {  	_ =	shalt  }
0x73: {  	_ =	shalt  }
0x74: {  	_ =	shalt  }
0x75: {  	_ =	shalt  }
0x76: {  	_ =	shalt  }
0x77: {  	_ =	shalt  }
0x78: {  	_ =	shalt  }
0x79: {  	_ =	shalt  }
0x7a: {  	_ =	shalt  }
0x7b: {  	_ =	shalt  }
0x7c: {  	_ =	shalt  }
0x7d: {  	_ =	shalt  }
0x7e: {  	_ =	shalt  }
0x7f: {  	_ =	shalt  }
0x80: {  	_ =	shalt  }
0x81: {  	_ =	shalt  }
0x82: {  	_ =	shalt  }
0x83: {  	_ =	shalt  }
0x84: {  	_ =	shalt  }
0x85: {  	_ =	shalt  }
0x86: {  	_ =	shalt  }
0x87: {  	_ =	shalt  }
.Lfunc_end0:
.L_simem_size_0:
called_computation_lowered:
.L_overlay_start_0:
0x88: {  	s2 =	sld [smem:$0x3FD9]  }
0x89: {  	s3 =	sld [smem:$0x3FFE];
	_ =	sdelay $0x1  }
0x8a: {  	s1 =	srdreg.scid  }
0x8b: {  	s0 =	sand.u32 $0x1, s1  }
0x8c: {  	s16 =	sshll.u32 s0, $0xA;
	s2 =	sadd.s32 s3, s2  }
0x8d: {  	s2 =	sadd.s32 s2, s16  }
0x8e: {  	[smem:$0x3FC6] =	sst s2  }
0x8f: {  	_ = 	snop  }
0x90: {  	(tm) =	ssettm $0x1  }
0x91: {  	s17 =	sld [smem:$0x3FFB];
	_ =	sdelay $0x3  }
0x92: {  	_ =	strace s17  }
0x93: {  	s2 =	sld [smem:$0x3FFC];
	_ =	sdelay $0x3  }
0x94: {  	_ =	strace s2  }
0x95: {  	s2 =	sld [smem:$0x3FFD];
	_ =	sdelay $0x3  }
0x96: {  	_ =	strace s2  }
0x97: {  	_ =	strace $0x8FFFFFFF  }
0x98: {  	s18 =	sld [smem:$0x3FDB];
	_ =	sdelay $0x1  }
0x99: {  	s19 =	simm.s32 $_scs_section_size  }
0x9a: {  	s4 =	simm.s32 $_size__tile_overlayer_lowered;
	s5 =	simm.s32 $_tile_overlayer_lowered  }
0x9b: {  	s22 =	simm.s32 $0x1BFF;
	s21 =	sshll.u32 s5, $0x1;
	s2 =	sadd.s32 s19, s18  }
0x9c: {  	s6 =	simm.s32 $0x0;
	s20 =	sshll.u32 s4, $0x1;
	s4 =	sadd.s32 s21, s2  }
0x9d: {  	[timem:s6], [sflag:s22] =	dma.local [hbm:s4], s20  }
0x9e: {  	_ =	swait.ge [sflag:s22], s20  }
0x9f: {  	s3 =	ssub.s32 $0x0, s20;
	[sflag:s22] =	ssyncset.done $0x0  }
0xa0: {  	[sflag:s22] =	ssyncadd.s32 s3;
	_ =	sdelay $0x1  }
0xa1: {  	s23 =	simm.s32 $0x1B8B  }
0xa2: {  	_ =	swait.ge [sflag:s23], $0x1  }
0xa3: {  	[sflag:s23] =	ssyncset.done $0x0  }
0xa4: {  	s25 =	simm.s32 $0x1B8E;
	s24 =	sld [smem:$0x3FFE];
	[sflag:s23] =	ssyncadd.s32 $0xFFFFFFFF  }
0xa5: {  	s26 =	simm.s32 $execute0_lowered;
	[smem:$0x3FD2] =	sst s25  }
0xa6: {  	s4 =	sshll.u32 s26, $0x1;
	_ =	strace $0x80000046;
	[dreg:$0x1] =	wrdreg $0xFFFFFFFF  }
0xa7: {  	s28 =	simm.s32 $_size_execute0_lowered;
	s2 =	sadd.s32 s2, s4;
	[dreg:$0x0] =	wrdreg $0x0  }
0xa8: {  	s4 =	sshll.u32 s28, $0x1;
	[dreg:$0x2] =	wrdreg s2  }
0xa9: {  	[dreg:$0x3] =	wrdreg s4  }
0xaa: {  	[dreg:$0x4] =	wrdreg $0xC0  }
0xab: {  	_ =	task [dreg:s6], $0x5FFFF  }
0xac: {  	[dreg:$0x1] =	wrdreg $0xFFFFFFFF  }
0xad: {  	[dreg:$0x0] =	wrdreg $0x60  }
0xae: {  	[dreg:$0x2] =	wrdreg s24  }
0xaf: {  	[dreg:$0x3] =	wrdreg $0x9  }
0xb0: {  	_ =	task.clear_ibuf [dreg:s6], $0x4FFFF;
	_ =	strace $0x90000046  }
0xb1: {  	s29 =	simm.s32 $0x9;
	_ =	strace $0x80000048  }
0xb2: {  	_ =	swait.ge [sflag:s29], $0x1  }
0xb3: {  	[sflag:s29] =	ssyncadd.s32 $0xFFFFFFFF  }
0xb4: {  	_ =	strace $0x90000048  }
0xb5: {  	_ =	sfence  }
0xb6: {  	s30 =	sld [smem:$0x0];
	_ =	sdelay $0x2  }
0xb7: {  	s31 =	sshll.u32 s1, $0xD;
	s1 =	sshrl.u32 s1, $0x2  }
0xb8: {  	s3 =	sand.u32 $0x4000, s31;
	s1 =	sadd.s32 s1, s30  }
0xb9: {  	s0 =	sor.u32 s3, s0;
	s1 =	sshll.u32 s1, $0x11  }
0xba: {  	s0 =	sor.u32 s1, s0  }
0xbb: {  	s0 =	sadd.s32 $0x8F2B, s0  }
0xbc: {  	[sflag:s0] =	ssyncadd.remote.s32 $0x1  }
0xbd: {  	_ =	sfence.sel $0xFFFF  }
0xbe: {  	[dreg:$0x0] =	wrdreg $0xFFFFFFFF;
	(pc) =	sbr.abs _section_cstart, $3  }
0xbf: {  	[dreg:$0x1] =	wrdreg $0xFFFFFFFF  }
0xc0: {  	_ =	task.clear_ibuf [dreg:s6], $0x2FFFF;
	_ =	strace $0x9FFFFFFF  }
0xc1: {  	(tm) =	ssettm $0x7FFFFFFF  }
tec
execute0_lowered:
.L_overlay_start_1:
0x0: {  	(tag) =	ssettag $0x1  }
0x1: {  	s0 =	srdreg.scid  }
0x2: {  	s5 =	stileid.u32;
	s14 =	rddreg [dreg:$0x0]  }
0x3: {  	v0 =	vlaneseq.u32;
	s23 =	simm.s32 $0x12000;
	s24 =	simm.s32 $0x14710;
	s25 =	simm.s32 $0x1  }
0x4: {  	s28 =	simm.s32 $0x80;
	s0 =	sand.u32 $0x1, s0;
	s1 =	sshll.u32 s5, $0x1;
	v0 =	vmul.u32 $0x1200, v0  }
0x5: {  	s29 =	simm.s32 $0x400;
	s2 =	sshrl.u32 s5, $0x3;
	s1 =	sor.u32 s0, s1  }
0x6: {  	s30 =	simm.s32 $0x3;
	s4 =	smul.u32 $0x2BF200, s2;
	s3 =	sand.u32 $0xF, s1;
	v2 =	vadd.s32 $0x900, v0;
	v4 =	vadd.s32 $0x980, v0  }
0x7: {  	s31 =	simm.s32 $0x0;
	s26 =	sshrl.u32 s5, $0x2;
	v5 =	vor.u32 $0x80, v0;
	v6 =	vadd.s32 $0xA00, v0;
	v7 =	vor.u32 $0x100, v0;
	s3 =	smul.u32 $0x2710, s3  }
0x8: {  	s2 =	simm.s32 $0x0;
	s10 =	smul.u32 $0x90000, s26;
	s0 =	ssub.s32 $0x2, s0;
	v8 =	vadd.s32 $0xA80, v0;
	v9 =	vor.u32 $0x180, v0;
	v10 =	vadd.s32 $0xB00, v0  }
0x9: {  	[smem:$0x7FF] =	sst s2;
	s1 =	sshll.u32 s1, $0x7;
	v11 =	vadd.s32 $0x200, v0;
	v12 =	vadd.s32 $0xB80, v0;
	v13 =	vadd.s32 $0x280, v0;
	s3 =	sadd.s32 s4, s3  }
0xa: {  	v14 =	vadd.s32 $0xC00, v0;
	v15 =	vadd.s32 $0x300, v0;
	v16 =	vadd.s32 $0xC80, v0;
	s21 =	sshrl.u32 s0, $0x1;
	s1 =	sand.u32 $0x380, s1;
	s3 =	sshrl.u32 s3, $0x3  }
0xb: {  	v17 =	vadd.s32 $0x380, v0;
	v18 =	vadd.s32 $0xD00, v0;
	v19 =	vadd.s32 $0x400, v0;
	_ =	strace $0x80000047;
	s1 =	sor.u32 s10, s1;
	s20 =	sadd.s32 s3, s14  }
0xc: {  	v20 =	vadd.s32 $0xD80, v0;
	v21 =	vadd.s32 $0x480, v0;
	v22 =	vadd.s32 $0xE00, v0;
	s0 =	ssub.s32 s0, s21;
	s1 =	sshrl.u32 s1, $0x3;
	s3 =	sadd.s32 $0x1038E0, s20  }
0xd: {  	v23 =	vadd.s32 $0x500, v0;
	v24 =	vadd.s32 $0xE80, v0;
	s1 =	sadd.s32 s1, s14;
	s4 =	sadd.s32 $0x108700, s20;
	s5 =	sadd.s32 $0x10D520, s20  }
0xe: {  	v25 =	vadd.s32 $0x580, v0;
	v26 =	vadd.s32 $0xF00, v0;
	v27 =	vadd.s32 $0x600, v0;
	s21 =	sadd.s32 $0x600, s1;
	s6 =	sadd.s32 $0xE1600, s20;
	s7 =	sadd.s32 $0x112340, s20  }
0xf: {  	v28 =	vadd.s32 $0xF80, v0;
	v29 =	vadd.s32 $0x680, v0;
	s8 =	sadd.s32 $0xE6420, s20;
	s9 =	sadd.s32 $0x117160, s20;
	s10 =	sadd.s32 $0xEB240, s20  }
0x10: {  	s26 =	simm.s32 $0x2;
	v30 =	vadd.s32 $0x1000, v0;
	v31 =	vadd.s32 $0x700, v0;
	s11 =	sadd.s32 $0x11BF80, s20;
	s13 =	sadd.s32 $0x120DA0, s20  }
0x11: {  	v32 =	vadd.s32 $0x1080, v0;
	v33 =	vadd.s32 $0x780, v0;
	s12 =	sadd.s32 $0xF0060, s20;
	s14 =	sadd.s32 $0xF4E80, s20;
	s15 =	sadd.s32 $0x125BC0, s20  }
0x12: {  	v1 =	vimm.f32 $0.0e+00;
	v34 =	vadd.s32 $0x1100, v0;
	v35 =	vadd.s32 $0x800, v0;
	s16 =	sadd.s32 $0xF9CA0, s20;
	s17 =	sadd.s32 $0x12A9E0, s20;
	s18 =	sadd.s32 $0xFEAC0, s20  }
0x13: {  	v3 =	vimm.f32 $1.000000000e+00;
	v36 =	vadd.s32 $0x1180, v0;
	v37 =	vadd.s32 $0x880, v0;
	s22 =	smax.u32 s0, $0x1;
	s19 =	sadd.s32 $0x12F800, s20;
	s20 =	sadd.s32 $0x134620, s20  }
.LBB2_1:
0x14: {  	s1 =	simm.s32 $0x40;
	s0 =	simm.s32 $0x0  }
.LBB2_2:
0x15: {  	p0 =	sne.s32 s1, $0x47FC0;
	[tilespmem:s0+$0x0] =	vst v1;
	s0 =	smov.u32 s1;
	s1 =	sadd.s32 $0x40, s1  }
.Ltmp0:
0x16: {  	(pc) =	sbr.rel @p0 .LBB2_2-.Ltmp0, $2  }
0x17: {  	_ =	sdelay $0x2  }
0x18: {  	s0 =	sshra.s32 s0, $0x2  }
0x19: {  	[tilespmem:s0+$0x0] =	vst v1;
	s1 =	simm.s32 $0x0  }
0x1a: {  	[tilespmem:s23], [sflag:$0x1] =	stream.linear.gather [hbm4b:s6+s1], $0x2710, $0x38;
	[tilespmem:$0x16E80] =	vst v63  }
0x1b: {  	_ = 	snop  }
0x1c: {  	[tilespmem:s24], [sflag:$0x2] =	stream.linear.gather [hbm4b:s8+s1], $0x2710, $0x38;
	[tilespmem:$0x16E80] =	vst v63  }
0x1d: {  	_ =	swait.ge [sflag:s25], $0x2710  }
0x1e: {  	[sflag:s25] =	ssyncset.done $0x0  }
0x1f: {  	s1 =	simm.s32 $0x0;
	[sflag:s25] =	ssyncadd.s32 $0xFFFFD8F0  }
0x20: {  	v38 =	vld [tilespmem:s1+$0x12000];
	_ =	sdelay $0x4  }
0x21: {  	v39 =	vand.u32 $0x80, v38  }
0x22: {  	vm0 =	veq.s32 v39, $0x0  }
0x23: {  	v55 =	vand.u32 $0x7F, v38;
	v56 =	vsel vm0, v0, v2  }
0x24: {  	v40 =	vand.u32 $0x8000, v38;
	v39 =	vor.u32 v55, v56  }
0x25: {  	v41 =	vshrl.u32 v38, $0x8;
	v58 =	vand.u32 $0x800000, v38;
	v59 =	vshrl.u32 v38, $0x18  }
0x26: {  	v60 =	vshrl.u32 v38, $0x10;
	vm15 =	vlt.s32 v38, $0x0;
	vm1 =	veq.s32 v40, $0x0  }
0x27: {  	v57 =	vand.u32 $0x7F, v41;
	vm14 =	veq.s32 v58, $0x0;
	v42 =	vsel vm1, v0, v2  }
0x28: {  	v61 =	vand.u32 $0x7F, v60;
	v43 =	vsel vm14, v0, v2;
	v40 =	vor.u32 v57, v42  }
0x29: {  	v62 =	vand.u32 $0x7F, v59;
	v63 =	vsel vm15, v2, v0;
	[tilespmem:v39+s2+$0x0] =	vst.idx.add.f32.msk $0xffff, v3;
	v39 =	vor.u32 v61, v43  }
0x2a: {  	v38 =	vor.u32 v62, v63;
	_ =	sdelay $0x2  }
0x2b: {  	s1 =	simm.s32 $0x40;
	[tilespmem:v40+s2+$0x0] =	vst.idx.add.f32.msk $0xffff, v3  }
.LBB2_4:
0x2c: {  	p0 =	sne.s32 s1, $0x9C00;
	[tilespmem:v39+s2+$0x0] =	vst.idx.add.f32.msk $0xffff, v3;
	s0 =	smov.u32 s1;
	s1 =	sadd.s32 $0x40, s1  }
0x2d: {  	s0 =	sshra.s32 s0, $0x2;
	[tilespmem:v38+s2+$0x0] =	vst.idx.add.f32.msk $0xffff, v3  }
0x2e: {  	v38 =	vld [tilespmem:s0+$0x12000];
	_ =	sdelay $0x4  }
0x2f: {  	v39 =	vand.u32 $0x80, v38;
	v40 =	vand.u32 $0x8000, v38;
	v41 =	vshrl.u32 v38, $0x18  }
0x30: {  	vm0 =	veq.s32 v39, $0x0;
	v39 =	vand.u32 $0x7F, v38;
	vm1 =	veq.s32 v40, $0x0  }
0x31: {  	v43 =	vand.u32 $0x800000, v38;
	v40 =	vsel vm0, v0, v2;
	v42 =	vsel vm1, v0, v2  }
0x32: {  	vm0 =	veq.s32 v43, $0x0;
	v40 =	vor.u32 v39, v40;
	v39 =	vshrl.u32 v38, $0x8  }
0x33: {  	v43 =	vshrl.u32 v38, $0x10;
	v44 =	vsel vm0, v0, v2;
	v39 =	vand.u32 $0x7F, v39  }
0x34: {  	vm0 =	vlt.s32 v38, $0x0;
	v42 =	vor.u32 v39, v42;
	v39 =	vand.u32 $0x7F, v43  }
.Ltmp1:
0x35: {  	v38 =	vand.u32 $0x7F, v41;
	v41 =	vsel vm0, v2, v0;
	v39 =	vor.u32 v39, v44;
	(pc) =	sbr.rel @p0 .LBB2_4-.Ltmp1, $3  }
0x36: {  	v38 =	vor.u32 v38, v41;
	_ =	sdelay $0x1  }
0x37: {  	[tilespmem:v40+s2+$0x0] =	vst.idx.add.f32.msk $0xffff, v3  }
0x38: {  	[tilespmem:v42+s2+$0x0] =	vst.idx.add.f32.msk $0xffff, v3  }
0x39: {  	_ =	sdelay $0x3  }
0x3a: {  	[tilespmem:v39+s2+$0x0] =	vst.idx.add.f32.msk $0xffff, v3  }
0x3b: {  	s0 =	simm.s32 $0x0;
	[tilespmem:v38+s2+$0x0] =	vst.idx.add.f32.msk $0xffff, v3  }
0x3c: {  	[tilespmem:s23], [sflag:$0x1] =	stream.linear.gather [hbm4b:s10+s0], $0x2710, $0x38;
	[tilespmem:$0x16E80] =	vst v63  }
0x3d: {  	_ =	swait.ge [sflag:s26], $0x2710  }
0x3e: {  	[sflag:s26] =	ssyncset.done $0x0  }
0x3f: {  	s1 =	simm.s32 $0x0;
	[sflag:s26] =	ssyncadd.s32 $0xFFFFD8F0  }
0x40: {  	v53 =	vld [tilespmem:s1+$0x14710];
	_ =	sdelay $0x4  }
0x41: {  	v54 =	vand.u32 $0x80, v53  }
0x42: {  	vm0 =	veq.s32 v54, $0x0  }
0x43: {  	v55 =	vand.u32 $0x7F, v53;
	v56 =	vsel vm0, v5, v4  }
0x44: {  	v40 =	vand.u32 $0x8000, v53;
	v39 =	vor.u32 v55, v56  }
0x45: {  	v41 =	vshrl.u32 v53, $0x8;
	v58 =	vand.u32 $0x800000, v53;
	v59 =	vshrl.u32 v53, $0x18  }
0x46: {  	v60 =	vshrl.u32 v53, $0x10;
	vm15 =	vlt.s32 v53, $0x0;
	vm1 =	veq.s32 v40, $0x0  }
0x47: {  	v57 =	vand.u32 $0x7F, v41;
	vm14 =	veq.s32 v58, $0x0;
	v42 =	vsel vm1, v5, v4  }
0x48: {  	v61 =	vand.u32 $0x7F, v60;
	v43 =	vsel vm14, v5, v4;
	v40 =	vor.u32 v57, v42  }
0x49: {  	v62 =	vand.u32 $0x7F, v59;
	v63 =	vsel vm15, v4, v5;
	[tilespmem:v39+s2+$0x0] =	vst.idx.add.f32.msk $0xffff, v3;
	v39 =	vor.u32 v61, v43  }
0x4a: {  	v38 =	vor.u32 v62, v63;
	_ =	sdelay $0x2  }
0x4b: {  	s1 =	simm.s32 $0x40;
	[tilespmem:v40+s2+$0x0] =	vst.idx.add.f32.msk $0xffff, v3  }
.LBB2_6:
0x4c: {  	p0 =	sne.s32 s1, $0x9C00;
	[tilespmem:v39+s2+$0x0] =	vst.idx.add.f32.msk $0xffff, v3;
	s0 =	smov.u32 s1;
	s1 =	sadd.s32 $0x40, s1  }
0x4d: {  	s0 =	sshra.s32 s0, $0x2;
	[tilespmem:v38+s2+$0x0] =	vst.idx.add.f32.msk $0xffff, v3  }
0x4e: {  	v38 =	vld [tilespmem:s0+$0x14710];
	_ =	sdelay $0x4  }
0x4f: {  	v39 =	vand.u32 $0x80, v38;
	v40 =	vand.u32 $0x8000, v38;
	v41 =	vshrl.u32 v38, $0x18  }
0x50: {  	vm0 =	veq.s32 v39, $0x0;
	v39 =	vand.u32 $0x7F, v38;
	vm1 =	veq.s32 v40, $0x0  }
0x51: {  	v43 =	vand.u32 $0x800000, v38;
	v40 =	vsel vm0, v5, v4;
	v42 =	vsel vm1, v5, v4  }
0x52: {  	vm0 =	veq.s32 v43, $0x0;
	v40 =	vor.u32 v39, v40;
	v39 =	vshrl.u32 v38, $0x8  }
0x53: {  	v43 =	vshrl.u32 v38, $0x10;
	v44 =	vsel vm0, v5, v4;
	v39 =	vand.u32 $0x7F, v39  }
0x54: {  	vm0 =	vlt.s32 v38, $0x0;
	v42 =	vor.u32 v39, v42;
	v39 =	vand.u32 $0x7F, v43  }
.Ltmp2:
0x55: {  	v38 =	vand.u32 $0x7F, v41;
	v41 =	vsel vm0, v4, v5;
	v39 =	vor.u32 v39, v44;
	(pc) =	sbr.rel @p0 .LBB2_6-.Ltmp2, $3  }
0x56: {  	v38 =	vor.u32 v38, v41;
	_ =	sdelay $0x1  }
0x57: {  	[tilespmem:v40+s2+$0x0] =	vst.idx.add.f32.msk $0xffff, v3  }
0x58: {  	[tilespmem:v42+s2+$0x0] =	vst.idx.add.f32.msk $0xffff, v3  }
0x59: {  	_ =	sdelay $0x3  }
0x5a: {  	[tilespmem:v39+s2+$0x0] =	vst.idx.add.f32.msk $0xffff, v3  }
0x5b: {  	s0 =	simm.s32 $0x0;
	[tilespmem:v38+s2+$0x0] =	vst.idx.add.f32.msk $0xffff, v3  }
0x5c: {  	[tilespmem:s24], [sflag:$0x2] =	stream.linear.gather [hbm4b:s12+s0], $0x2710, $0x38;
	[tilespmem:$0x16E80] =	vst v63  }
0x5d: {  	_ =	swait.ge [sflag:s25], $0x2710  }
0x5e: {  	[sflag:s25] =	ssyncset.done $0x0  }
0x5f: {  	s1 =	simm.s32 $0x0;
	[sflag:s25] =	ssyncadd.s32 $0xFFFFD8F0  }
0x60: {  	v53 =	vld [tilespmem:s1+$0x12000];
	_ =	sdelay $0x4  }
0x61: {  	v54 =	vand.u32 $0x80, v53  }
0x62: {  	vm0 =	veq.s32 v54, $0x0  }
0x63: {  	v55 =	vand.u32 $0x7F, v53;
	v56 =	vsel vm0, v7, v6  }
0x64: {  	v40 =	vand.u32 $0x8000, v53;
	v39 =	vor.u32 v55, v56  }
0x65: {  	v41 =	vshrl.u32 v53, $0x8;
	v58 =	vand.u32 $0x800000, v53;
	v59 =	vshrl.u32 v53, $0x18  }
0x66: {  	v60 =	vshrl.u32 v53, $0x10;
	vm15 =	vlt.s32 v53, $0x0;
	vm1 =	veq.s32 v40, $0x0  }
0x67: {  	v57 =	vand.u32 $0x7F, v41;
	vm14 =	veq.s32 v58, $0x0;
	v42 =	vsel vm1, v7, v6  }
0x68: {  	v61 =	vand.u32 $0x7F, v60;
	v43 =	vsel vm14, v7, v6;
	v40 =	vor.u32 v57, v42  }
0x69: {  	v62 =	vand.u32 $0x7F, v59;
	v63 =	vsel vm15, v6, v7;
	[tilespmem:v39+s2+$0x0] =	vst.idx.add.f32.msk $0xffff, v3;
	v39 =	vor.u32 v61, v43  }
0x6a: {  	v38 =	vor.u32 v62, v63;
	_ =	sdelay $0x2  }
0x6b: {  	s1 =	simm.s32 $0x40;
	[tilespmem:v40+s2+$0x0] =	vst.idx.add.f32.msk $0xffff, v3  }
.LBB2_8:
0x6c: {  	p0 =	sne.s32 s1, $0x9C00;
	[tilespmem:v39+s2+$0x0] =	vst.idx.add.f32.msk $0xffff, v3;
	s0 =	smov.u32 s1;
	s1 =	sadd.s32 $0x40, s1  }
0x6d: {  	s0 =	sshra.s32 s0, $0x2;
	[tilespmem:v38+s2+$0x0] =	vst.idx.add.f32.msk $0xffff, v3  }
0x6e: {  	v38 =	vld [tilespmem:s0+$0x12000];
	_ =	sdelay $0x4  }
0x6f: {  	v39 =	vand.u32 $0x80, v38;
	v40 =	vand.u32 $0x8000, v38;
	v41 =	vshrl.u32 v38, $0x18  }
0x70: {  	vm0 =	veq.s32 v39, $0x0;
	v39 =	vand.u32 $0x7F, v38;
	vm1 =	veq.s32 v40, $0x0  }
0x71: {  	v43 =	vand.u32 $0x800000, v38;
	v40 =	vsel vm0, v7, v6;
	v42 =	vsel vm1, v7, v6  }
0x72: {  	vm0 =	veq.s32 v43, $0x0;
	v40 =	vor.u32 v39, v40;
	v39 =	vshrl.u32 v38, $0x8  }
0x73: {  	v43 =	vshrl.u32 v38, $0x10;
	v44 =	vsel vm0, v7, v6;
	v39 =	vand.u32 $0x7F, v39  }
0x74: {  	vm0 =	vlt.s32 v38, $0x0;
	v42 =	vor.u32 v39, v42;
	v39 =	vand.u32 $0x7F, v43  }
.Ltmp3:
0x75: {  	v38 =	vand.u32 $0x7F, v41;
	v41 =	vsel vm0, v6, v7;
	v39 =	vor.u32 v39, v44;
	(pc) =	sbr.rel @p0 .LBB2_8-.Ltmp3, $3  }
0x76: {  	v38 =	vor.u32 v38, v41;
	_ =	sdelay $0x1  }
0x77: {  	[tilespmem:v40+s2+$0x0] =	vst.idx.add.f32.msk $0xffff, v3  }
0x78: {  	[tilespmem:v42+s2+$0x0] =	vst.idx.add.f32.msk $0xffff, v3  }
0x79: {  	_ =	sdelay $0x3  }
0x7a: {  	[tilespmem:v39+s2+$0x0] =	vst.idx.add.f32.msk $0xffff, v3  }
0x7b: {  	s0 =	simm.s32 $0x0;
	[tilespmem:v38+s2+$0x0] =	vst.idx.add.f32.msk $0xffff, v3  }
0x7c: {  	[tilespmem:s23], [sflag:$0x1] =	stream.linear.gather [hbm4b:s14+s0], $0x2710, $0x38;
	[tilespmem:$0x16E80] =	vst v63  }
0x7d: {  	_ =	swait.ge [sflag:s26], $0x2710  }
0x7e: {  	[sflag:s26] =	ssyncset.done $0x0  }
0x7f: {  	s1 =	simm.s32 $0x0;
	[sflag:s26] =	ssyncadd.s32 $0xFFFFD8F0  }
0x80: {  	v55 =	vld [tilespmem:s1+$0x14710];
	_ =	sdelay $0x4  }
0x81: {  	v56 =	vand.u32 $0x80, v55;
	v40 =	vand.u32 $0x8000, v55;
	vm0 =	vlt.s32 v55, $0x0  }
0x82: {  	v41 =	vand.u32 $0x7F, v55;
	v43 =	vshrl.u32 v55, $0x10;
	v59 =	vand.u32 $0x800000, v55  }
0x83: {  	v44 =	vshrl.u32 v55, $0x8;
	v45 =	vshrl.u32 v55, $0x18;
	vm1 =	veq.s32 v56, $0x0  }
0x84: {  	vm2 =	veq.s32 v40, $0x0;
	v57 =	vsel vm0, v2, v0;
	v43 =	vand.u32 $0x7F, v43  }
0x85: {  	v60 =	vand.u32 $0x7F, v44;
	v61 =	vor.u32 $0x180, v45;
	v58 =	vsel vm1, v9, v8  }
0x86: {  	vm15 =	veq.s32 v59, $0x0;
	v42 =	vsel vm2, v9, v8;
	v41 =	vor.u32 v41, v58  }
0x87: {  	v39 =	vadd.s32 v61, v57;
	v40 =	vsel vm15, v9, v8;
	v38 =	vor.u32 v60, v42  }
0x88: {  	v63 =	vand.u32 $0x7F, v45;
	v62 =	vand.u32 $0x3FF80, v39;
	v39 =	vor.u32 v43, v40  }
0x89: {  	v40 =	vor.u32 v63, v62;
	_ =	sdelay $0x1  }
0x8a: {  	s1 =	simm.s32 $0x40;
	[tilespmem:v41+s2+$0x0] =	vst.idx.add.f32.msk $0xffff, v3  }
.LBB2_10:
0x8b: {  	p0 =	sne.s32 s1, $0x9C00;
	[tilespmem:v38+s2+$0x0] =	vst.idx.add.f32.msk $0xffff, v3;
	s0 =	smov.u32 s1;
	s1 =	sadd.s32 $0x40, s1  }
0x8c: {  	[tilespmem:v39+s2+$0x0] =	vst.idx.add.f32.msk $0xffff, v3  }
0x8d: {  	s0 =	sshra.s32 s0, $0x2;
	[tilespmem:v40+s2+$0x0] =	vst.idx.add.f32.msk $0xffff, v3  }
0x8e: {  	v38 =	vld [tilespmem:s0+$0x14710];
	_ =	sdelay $0x4  }
0x8f: {  	v39 =	vand.u32 $0x80, v38;
	v40 =	vand.u32 $0x8000, v38;
	vm0 =	vlt.s32 v38, $0x0  }
0x90: {  	vm1 =	veq.s32 v39, $0x0;
	vm2 =	veq.s32 v40, $0x0;
	v39 =	vsel vm0, v2, v0  }
0x91: {  	v42 =	vshrl.u32 v38, $0x10;
	v40 =	vsel vm1, v9, v8;
	v41 =	vsel vm2, v9, v8  }
0x92: {  	v43 =	vand.u32 $0x7F, v38;
	v44 =	vand.u32 $0x800000, v38;
	v42 =	vand.u32 $0x7F, v42  }
0x93: {  	v45 =	vshrl.u32 v38, $0x8;
	vm0 =	veq.s32 v44, $0x0;
	v44 =	vshrl.u32 v38, $0x18  }
0x94: {  	v38 =	vand.u32 $0x7F, v45;
	v43 =	vor.u32 v43, v40;
	v40 =	vor.u32 $0x180, v44  }
.Ltmp4:
0x95: {  	v38 =	vor.u32 v38, v41;
	v41 =	vsel vm0, v9, v8;
	v40 =	vadd.s32 v40, v39;
	(pc) =	sbr.rel @p0 .LBB2_10-.Ltmp4, $3  }
0x96: {  	v39 =	vor.u32 v42, v41;
	v41 =	vand.u32 $0x7F, v44;
	v40 =	vand.u32 $0x3FF80, v40  }
0x97: {  	v40 =	vor.u32 v41, v40;
	_ =	sdelay $0x1  }
0x98: {  	[tilespmem:v43+s2+$0x0] =	vst.idx.add.f32.msk $0xffff, v3  }
0x99: {  	_ =	sdelay $0x3  }
0x9a: {  	[tilespmem:v38+s2+$0x0] =	vst.idx.add.f32.msk $0xffff, v3  }
0x9b: {  	[tilespmem:v39+s2+$0x0] =	vst.idx.add.f32.msk $0xffff, v3  }
0x9c: {  	s0 =	simm.s32 $0x0;
	[tilespmem:v40+s2+$0x0] =	vst.idx.add.f32.msk $0xffff, v3  }
0x9d: {  	[tilespmem:s24], [sflag:$0x2] =	stream.linear.gather [hbm4b:s16+s0], $0x2710, $0x38;
	[tilespmem:$0x16E80] =	vst v63  }
0x9e: {  	_ =	swait.ge [sflag:s25], $0x2710  }
0x9f: {  	[sflag:s25] =	ssyncset.done $0x0  }
0xa0: {  	s1 =	simm.s32 $0x0;
	[sflag:s25] =	ssyncadd.s32 $0xFFFFD8F0  }
0xa1: {  	v52 =	vld [tilespmem:s1+$0x12000];
	_ =	sdelay $0x4  }
0xa2: {  	v53 =	vand.u32 $0x80, v52  }
0xa3: {  	vm0 =	veq.s32 v53, $0x0  }
0xa4: {  	v55 =	vand.u32 $0x7F, v52;
	v56 =	vsel vm0, v11, v10  }
0xa5: {  	v54 =	vand.u32 $0x8000, v52;
	v39 =	vor.u32 v55, v56  }
0xa6: {  	v41 =	vshrl.u32 v52, $0x8;
	v58 =	vand.u32 $0x800000, v52;
	v59 =	vshrl.u32 v52, $0x18  }
0xa7: {  	v60 =	vshrl.u32 v52, $0x10;
	vm15 =	vlt.s32 v52, $0x0;
	vm1 =	veq.s32 v54, $0x0  }
0xa8: {  	v57 =	vand.u32 $0x7F, v41;
	vm14 =	veq.s32 v58, $0x0;
	v42 =	vsel vm1, v11, v10  }
0xa9: {  	v61 =	vand.u32 $0x7F, v60;
	v43 =	vsel vm14, v11, v10;
	v40 =	vor.u32 v57, v42  }
0xaa: {  	v62 =	vand.u32 $0x7F, v59;
	v63 =	vsel vm15, v10, v11;
	[tilespmem:v39+s2+$0x0] =	vst.idx.add.f32.msk $0xffff, v3;
	v39 =	vor.u32 v61, v43  }
0xab: {  	v38 =	vor.u32 v62, v63;
	_ =	sdelay $0x2  }
0xac: {  	s1 =	simm.s32 $0x40;
	[tilespmem:v40+s2+$0x0] =	vst.idx.add.f32.msk $0xffff, v3  }
.LBB2_12:
0xad: {  	p0 =	sne.s32 s1, $0x9C00;
	[tilespmem:v39+s2+$0x0] =	vst.idx.add.f32.msk $0xffff, v3;
	s0 =	smov.u32 s1;
	s1 =	sadd.s32 $0x40, s1  }
0xae: {  	s0 =	sshra.s32 s0, $0x2;
	[tilespmem:v38+s2+$0x0] =	vst.idx.add.f32.msk $0xffff, v3  }
0xaf: {  	v38 =	vld [tilespmem:s0+$0x12000];
	_ =	sdelay $0x4  }
0xb0: {  	v39 =	vand.u32 $0x80, v38;
	v40 =	vand.u32 $0x8000, v38;
	v41 =	vshrl.u32 v38, $0x18  }
0xb1: {  	vm0 =	veq.s32 v39, $0x0;
	v39 =	vand.u32 $0x7F, v38;
	vm1 =	veq.s32 v40, $0x0  }
0xb2: {  	v43 =	vand.u32 $0x800000, v38;
	v40 =	vsel vm0, v11, v10;
	v42 =	vsel vm1, v11, v10  }
0xb3: {  	vm0 =	veq.s32 v43, $0x0;
	v40 =	vor.u32 v39, v40;
	v39 =	vshrl.u32 v38, $0x8  }
0xb4: {  	v43 =	vshrl.u32 v38, $0x10;
	v44 =	vsel vm0, v11, v10;
	v39 =	vand.u32 $0x7F, v39  }
0xb5: {  	vm0 =	vlt.s32 v38, $0x0;
	v42 =	vor.u32 v39, v42;
	v39 =	vand.u32 $0x7F, v43  }
.Ltmp5:
0xb6: {  	v38 =	vand.u32 $0x7F, v41;
	v41 =	vsel vm0, v10, v11;
	v39 =	vor.u32 v39, v44;
	(pc) =	sbr.rel @p0 .LBB2_12-.Ltmp5, $3  }
0xb7: {  	v38 =	vor.u32 v38, v41;
	_ =	sdelay $0x1  }
0xb8: {  	[tilespmem:v40+s2+$0x0] =	vst.idx.add.f32.msk $0xffff, v3  }
0xb9: {  	[tilespmem:v42+s2+$0x0] =	vst.idx.add.f32.msk $0xffff, v3  }
0xba: {  	_ =	sdelay $0x3  }
0xbb: {  	[tilespmem:v39+s2+$0x0] =	vst.idx.add.f32.msk $0xffff, v3  }
0xbc: {  	s0 =	simm.s32 $0x0;
	[tilespmem:v38+s2+$0x0] =	vst.idx.add.f32.msk $0xffff, v3  }
0xbd: {  	[tilespmem:s23], [sflag:$0x1] =	stream.linear.gather [hbm4b:s18+s0], $0x2710, $0x38;
	[tilespmem:$0x16E80] =	vst v63  }
0xbe: {  	_ =	swait.ge [sflag:s26], $0x2710  }
0xbf: {  	[sflag:s26] =	ssyncset.done $0x0  }
0xc0: {  	s1 =	simm.s32 $0x0;
	[sflag:s26] =	ssyncadd.s32 $0xFFFFD8F0  }
0xc1: {  	v55 =	vld [tilespmem:s1+$0x14710];
	_ =	sdelay $0x4  }
0xc2: {  	v56 =	vand.u32 $0x80, v55;
	v40 =	vand.u32 $0x8000, v55;
	vm0 =	vlt.s32 v55, $0x0  }
0xc3: {  	v41 =	vand.u32 $0x7F, v55;
	v43 =	vshrl.u32 v55, $0x10;
	v59 =	vand.u32 $0x800000, v55  }
0xc4: {  	v44 =	vshrl.u32 v55, $0x8;
	v45 =	vshrl.u32 v55, $0x18;
	vm1 =	veq.s32 v56, $0x0  }
0xc5: {  	vm2 =	veq.s32 v40, $0x0;
	v57 =	vsel vm0, v2, v0;
	v43 =	vand.u32 $0x7F, v43  }
0xc6: {  	v60 =	vand.u32 $0x7F, v44;
	v61 =	vor.u32 $0x280, v45;
	v58 =	vsel vm1, v13, v12  }
0xc7: {  	vm15 =	veq.s32 v59, $0x0;
	v42 =	vsel vm2, v13, v12;
	v41 =	vor.u32 v41, v58  }
0xc8: {  	v39 =	vadd.s32 v61, v57;
	v40 =	vsel vm15, v13, v12;
	v38 =	vor.u32 v60, v42  }
0xc9: {  	v63 =	vand.u32 $0x7F, v45;
	v62 =	vand.u32 $0x3FF80, v39;
	v39 =	vor.u32 v43, v40  }
0xca: {  	v40 =	vor.u32 v63, v62;
	_ =	sdelay $0x1  }
0xcb: {  	s1 =	simm.s32 $0x40;
	[tilespmem:v41+s2+$0x0] =	vst.idx.add.f32.msk $0xffff, v3  }
.LBB2_14:
0xcc: {  	p0 =	sne.s32 s1, $0x9C00;
	[tilespmem:v38+s2+$0x0] =	vst.idx.add.f32.msk $0xffff, v3;
	s0 =	smov.u32 s1;
	s1 =	sadd.s32 $0x40, s1  }
0xcd: {  	[tilespmem:v39+s2+$0x0] =	vst.idx.add.f32.msk $0xffff, v3  }
0xce: {  	s0 =	sshra.s32 s0, $0x2;
	[tilespmem:v40+s2+$0x0] =	vst.idx.add.f32.msk $0xffff, v3  }
0xcf: {  	v38 =	vld [tilespmem:s0+$0x14710];
	_ =	sdelay $0x4  }
0xd0: {  	v39 =	vand.u32 $0x80, v38;
	v40 =	vand.u32 $0x8000, v38;
	vm0 =	vlt.s32 v38, $0x0  }
0xd1: {  	vm1 =	veq.s32 v39, $0x0;
	vm2 =	veq.s32 v40, $0x0;
	v39 =	vsel vm0, v2, v0  }
0xd2: {  	v42 =	vshrl.u32 v38, $0x10;
	v40 =	vsel vm1, v13, v12;
	v41 =	vsel vm2, v13, v12  }
0xd3: {  	v43 =	vand.u32 $0x7F, v38;
	v44 =	vand.u32 $0x800000, v38;
	v42 =	vand.u32 $0x7F, v42  }
0xd4: {  	v45 =	vshrl.u32 v38, $0x8;
	vm0 =	veq.s32 v44, $0x0;
	v44 =	vshrl.u32 v38, $0x18  }
0xd5: {  	v38 =	vand.u32 $0x7F, v45;
	v43 =	vor.u32 v43, v40;
	v40 =	vor.u32 $0x280, v44  }
.Ltmp6:
0xd6: {  	v38 =	vor.u32 v38, v41;
	v41 =	vsel vm0, v13, v12;
	v40 =	vadd.s32 v40, v39;
	(pc) =	sbr.rel @p0 .LBB2_14-.Ltmp6, $3  }
0xd7: {  	v39 =	vor.u32 v42, v41;
	v41 =	vand.u32 $0x7F, v44;
	v40 =	vand.u32 $0x3FF80, v40  }
0xd8: {  	v40 =	vor.u32 v41, v40;
	_ =	sdelay $0x1  }
0xd9: {  	[tilespmem:v43+s2+$0x0] =	vst.idx.add.f32.msk $0xffff, v3  }
0xda: {  	_ =	sdelay $0x3  }
0xdb: {  	[tilespmem:v38+s2+$0x0] =	vst.idx.add.f32.msk $0xffff, v3  }
0xdc: {  	[tilespmem:v39+s2+$0x0] =	vst.idx.add.f32.msk $0xffff, v3  }
0xdd: {  	s0 =	simm.s32 $0x0;
	[tilespmem:v40+s2+$0x0] =	vst.idx.add.f32.msk $0xffff, v3  }
0xde: {  	[tilespmem:s24], [sflag:$0x2] =	stream.linear.gather [hbm4b:s3+s0], $0x2710, $0x38;
	[tilespmem:$0x16E80] =	vst v63  }
0xdf: {  	_ =	swait.ge [sflag:s25], $0x2710  }
0xe0: {  	[sflag:s25] =	ssyncset.done $0x0  }
0xe1: {  	s1 =	simm.s32 $0x0;
	[sflag:s25] =	ssyncadd.s32 $0xFFFFD8F0  }
0xe2: {  	v52 =	vld [tilespmem:s1+$0x12000];
	_ =	sdelay $0x4  }
0xe3: {  	v53 =	vand.u32 $0x80, v52  }
0xe4: {  	vm0 =	veq.s32 v53, $0x0  }
0xe5: {  	v55 =	vand.u32 $0x7F, v52;
	v56 =	vsel vm0, v15, v14  }
0xe6: {  	v54 =	vand.u32 $0x8000, v52;
	v39 =	vor.u32 v55, v56  }
0xe7: {  	v41 =	vshrl.u32 v52, $0x8;
	v58 =	vand.u32 $0x800000, v52;
	v59 =	vshrl.u32 v52, $0x18  }
0xe8: {  	v60 =	vshrl.u32 v52, $0x10;
	vm15 =	vlt.s32 v52, $0x0;
	vm1 =	veq.s32 v54, $0x0  }
0xe9: {  	v57 =	vand.u32 $0x7F, v41;
	vm14 =	veq.s32 v58, $0x0;
	v42 =	vsel vm1, v15, v14  }
0xea: {  	v61 =	vand.u32 $0x7F, v60;
	v43 =	vsel vm14, v15, v14;
	v40 =	vor.u32 v57, v42  }
0xeb: {  	v62 =	vand.u32 $0x7F, v59;
	v63 =	vsel vm15, v14, v15;
	[tilespmem:v39+s2+$0x0] =	vst.idx.add.f32.msk $0xffff, v3;
	v39 =	vor.u32 v61, v43  }
0xec: {  	v38 =	vor.u32 v62, v63;
	_ =	sdelay $0x2  }
0xed: {  	s1 =	simm.s32 $0x40;
	[tilespmem:v40+s2+$0x0] =	vst.idx.add.f32.msk $0xffff, v3  }
.LBB2_16:
0xee: {  	p0 =	sne.s32 s1, $0x9C00;
	[tilespmem:v39+s2+$0x0] =	vst.idx.add.f32.msk $0xffff, v3;
	s0 =	smov.u32 s1;
	s1 =	sadd.s32 $0x40, s1  }
0xef: {  	s0 =	sshra.s32 s0, $0x2;
	[tilespmem:v38+s2+$0x0] =	vst.idx.add.f32.msk $0xffff, v3  }
0xf0: {  	v38 =	vld [tilespmem:s0+$0x12000];
	_ =	sdelay $0x4  }
0xf1: {  	v39 =	vand.u32 $0x80, v38;
	v40 =	vand.u32 $0x8000, v38;
	v41 =	vshrl.u32 v38, $0x18  }
0xf2: {  	vm0 =	veq.s32 v39, $0x0;
	v39 =	vand.u32 $0x7F, v38;
	vm1 =	veq.s32 v40, $0x0  }
0xf3: {  	v43 =	vand.u32 $0x800000, v38;
	v40 =	vsel vm0, v15, v14;
	v42 =	vsel vm1, v15, v14  }
0xf4: {  	vm0 =	veq.s32 v43, $0x0;
	v40 =	vor.u32 v39, v40;
	v39 =	vshrl.u32 v38, $0x8  }
0xf5: {  	v43 =	vshrl.u32 v38, $0x10;
	v44 =	vsel vm0, v15, v14;
	v39 =	vand.u32 $0x7F, v39  }
0xf6: {  	vm0 =	vlt.s32 v38, $0x0;
	v42 =	vor.u32 v39, v42;
	v39 =	vand.u32 $0x7F, v43  }
.Ltmp7:
0xf7: {  	v38 =	vand.u32 $0x7F, v41;
	v41 =	vsel vm0, v14, v15;
	v39 =	vor.u32 v39, v44;
	(pc) =	sbr.rel @p0 .LBB2_16-.Ltmp7, $3  }
0xf8: {  	v38 =	vor.u32 v38, v41;
	_ =	sdelay $0x1  }
0xf9: {  	[tilespmem:v40+s2+$0x0] =	vst.idx.add.f32.msk $0xffff, v3  }
0xfa: {  	[tilespmem:v42+s2+$0x0] =	vst.idx.add.f32.msk $0xffff, v3  }
0xfb: {  	_ =	sdelay $0x3  }
0xfc: {  	[tilespmem:v39+s2+$0x0] =	vst.idx.add.f32.msk $0xffff, v3  }
0xfd: {  	s0 =	simm.s32 $0x0;
	[tilespmem:v38+s2+$0x0] =	vst.idx.add.f32.msk $0xffff, v3  }
0xfe: {  	[tilespmem:s23], [sflag:$0x1] =	stream.linear.gather [hbm4b:s4+s0], $0x2710, $0x38;
	[tilespmem:$0x16E80] =	vst v63  }
0xff: {  	_ =	swait.ge [sflag:s26], $0x2710  }
0x100: {  	[sflag:s26] =	ssyncset.done $0x0  }
0x101: {  	s1 =	simm.s32 $0x0;
	[sflag:s26] =	ssyncadd.s32 $0xFFFFD8F0  }
0x102: {  	v55 =	vld [tilespmem:s1+$0x14710];
	_ =	sdelay $0x4  }
0x103: {  	v56 =	vand.u32 $0x80, v55;
	v40 =	vand.u32 $0x8000, v55;
	vm0 =	vlt.s32 v55, $0x0  }
0x104: {  	v41 =	vand.u32 $0x7F, v55;
	v43 =	vshrl.u32 v55, $0x10;
	v59 =	vand.u32 $0x800000, v55  }
0x105: {  	v44 =	vshrl.u32 v55, $0x8;
	v45 =	vshrl.u32 v55, $0x18;
	vm1 =	veq.s32 v56, $0x0  }
0x106: {  	vm2 =	veq.s32 v40, $0x0;
	v57 =	vsel vm0, v2, v0;
	v43 =	vand.u32 $0x7F, v43  }
0x107: {  	v60 =	vand.u32 $0x7F, v44;
	v61 =	vor.u32 $0x380, v45;
	v58 =	vsel vm1, v17, v16  }
0x108: {  	vm15 =	veq.s32 v59, $0x0;
	v42 =	vsel vm2, v17, v16;
	v41 =	vor.u32 v41, v58  }
0x109: {  	v39 =	vadd.s32 v61, v57;
	v40 =	vsel vm15, v17, v16;
	v38 =	vor.u32 v60, v42  }
0x10a: {  	v63 =	vand.u32 $0x7F, v45;
	v62 =	vand.u32 $0x3FF80, v39;
	v39 =	vor.u32 v43, v40  }
0x10b: {  	v40 =	vor.u32 v63, v62;
	_ =	sdelay $0x1  }
0x10c: {  	s1 =	simm.s32 $0x40;
	[tilespmem:v41+s2+$0x0] =	vst.idx.add.f32.msk $0xffff, v3  }
.LBB2_18:
0x10d: {  	p0 =	sne.s32 s1, $0x9C00;
	[tilespmem:v38+s2+$0x0] =	vst.idx.add.f32.msk $0xffff, v3;
	s0 =	smov.u32 s1;
	s1 =	sadd.s32 $0x40, s1  }
0x10e: {  	[tilespmem:v39+s2+$0x0] =	vst.idx.add.f32.msk $0xffff, v3  }
0x10f: {  	s0 =	sshra.s32 s0, $0x2;
	[tilespmem:v40+s2+$0x0] =	vst.idx.add.f32.msk $0xffff, v3  }
0x110: {  	v38 =	vld [tilespmem:s0+$0x14710];
	_ =	sdelay $0x4  }
0x111: {  	v39 =	vand.u32 $0x80, v38;
	v40 =	vand.u32 $0x8000, v38;
	vm0 =	vlt.s32 v38, $0x0  }
0x112: {  	vm1 =	veq.s32 v39, $0x0;
	vm2 =	veq.s32 v40, $0x0;
	v39 =	vsel vm0, v2, v0  }
0x113: {  	v42 =	vshrl.u32 v38, $0x10;
	v40 =	vsel vm1, v17, v16;
	v41 =	vsel vm2, v17, v16  }
0x114: {  	v43 =	vand.u32 $0x7F, v38;
	v44 =	vand.u32 $0x800000, v38;
	v42 =	vand.u32 $0x7F, v42  }
0x115: {  	v45 =	vshrl.u32 v38, $0x8;
	vm0 =	veq.s32 v44, $0x0;
	v44 =	vshrl.u32 v38, $0x18  }
0x116: {  	v38 =	vand.u32 $0x7F, v45;
	v43 =	vor.u32 v43, v40;
	v40 =	vor.u32 $0x380, v44  }
.Ltmp8:
0x117: {  	v38 =	vor.u32 v38, v41;
	v41 =	vsel vm0, v17, v16;
	v40 =	vadd.s32 v40, v39;
	(pc) =	sbr.rel @p0 .LBB2_18-.Ltmp8, $3  }
0x118: {  	v39 =	vor.u32 v42, v41;
	v41 =	vand.u32 $0x7F, v44;
	v40 =	vand.u32 $0x3FF80, v40  }
0x119: {  	v40 =	vor.u32 v41, v40;
	_ =	sdelay $0x1  }
0x11a: {  	[tilespmem:v43+s2+$0x0] =	vst.idx.add.f32.msk $0xffff, v3  }
0x11b: {  	_ =	sdelay $0x3  }
0x11c: {  	[tilespmem:v38+s2+$0x0] =	vst.idx.add.f32.msk $0xffff, v3  }
0x11d: {  	[tilespmem:v39+s2+$0x0] =	vst.idx.add.f32.msk $0xffff, v3  }
0x11e: {  	s0 =	simm.s32 $0x0;
	[tilespmem:v40+s2+$0x0] =	vst.idx.add.f32.msk $0xffff, v3  }
0x11f: {  	[tilespmem:s24], [sflag:$0x2] =	stream.linear.gather [hbm4b:s5+s0], $0x2710, $0x38;
	[tilespmem:$0x16E80] =	vst v63  }
0x120: {  	_ =	swait.ge [sflag:s25], $0x2710  }
0x121: {  	[sflag:s25] =	ssyncset.done $0x0  }
0x122: {  	s1 =	simm.s32 $0x0;
	[sflag:s25] =	ssyncadd.s32 $0xFFFFD8F0  }
0x123: {  	v52 =	vld [tilespmem:s1+$0x12000];
	_ =	sdelay $0x4  }
0x124: {  	v53 =	vand.u32 $0x80, v52  }
0x125: {  	vm0 =	veq.s32 v53, $0x0  }
0x126: {  	v55 =	vand.u32 $0x7F, v52;
	v56 =	vsel vm0, v19, v18  }
0x127: {  	v54 =	vand.u32 $0x8000, v52;
	v39 =	vor.u32 v55, v56  }
0x128: {  	v41 =	vshrl.u32 v52, $0x8;
	v58 =	vand.u32 $0x800000, v52;
	v59 =	vshrl.u32 v52, $0x18  }
0x129: {  	v60 =	vshrl.u32 v52, $0x10;
	vm15 =	vlt.s32 v52, $0x0;
	vm1 =	veq.s32 v54, $0x0  }
0x12a: {  	v57 =	vand.u32 $0x7F, v41;
	vm14 =	veq.s32 v58, $0x0;
	v42 =	vsel vm1, v19, v18  }
0x12b: {  	v61 =	vand.u32 $0x7F, v60;
	v43 =	vsel vm14, v19, v18;
	v40 =	vor.u32 v57, v42  }
0x12c: {  	v62 =	vand.u32 $0x7F, v59;
	v63 =	vsel vm15, v18, v19;
	[tilespmem:v39+s2+$0x0] =	vst.idx.add.f32.msk $0xffff, v3;
	v39 =	vor.u32 v61, v43  }
0x12d: {  	v38 =	vor.u32 v62, v63;
	_ =	sdelay $0x2  }
0x12e: {  	s1 =	simm.s32 $0x40;
	[tilespmem:v40+s2+$0x0] =	vst.idx.add.f32.msk $0xffff, v3  }
.LBB2_20:
0x12f: {  	p0 =	sne.s32 s1, $0x9C00;
	[tilespmem:v39+s2+$0x0] =	vst.idx.add.f32.msk $0xffff, v3;
	s0 =	smov.u32 s1;
	s1 =	sadd.s32 $0x40, s1  }
0x130: {  	s0 =	sshra.s32 s0, $0x2;
	[tilespmem:v38+s2+$0x0] =	vst.idx.add.f32.msk $0xffff, v3  }
0x131: {  	v38 =	vld [tilespmem:s0+$0x12000];
	_ =	sdelay $0x4  }
0x132: {  	v39 =	vand.u32 $0x80, v38;
	v40 =	vand.u32 $0x8000, v38;
	v41 =	vshrl.u32 v38, $0x18  }
0x133: {  	vm0 =	veq.s32 v39, $0x0;
	v39 =	vand.u32 $0x7F, v38;
	vm1 =	veq.s32 v40, $0x0  }
0x134: {  	v43 =	vand.u32 $0x800000, v38;
	v40 =	vsel vm0, v19, v18;
	v42 =	vsel vm1, v19, v18  }
0x135: {  	vm0 =	veq.s32 v43, $0x0;
	v40 =	vor.u32 v39, v40;
	v39 =	vshrl.u32 v38, $0x8  }
0x136: {  	v43 =	vshrl.u32 v38, $0x10;
	v44 =	vsel vm0, v19, v18;
	v39 =	vand.u32 $0x7F, v39  }
0x137: {  	vm0 =	vlt.s32 v38, $0x0;
	v42 =	vor.u32 v39, v42;
	v39 =	vand.u32 $0x7F, v43  }
.Ltmp9:
0x138: {  	v38 =	vand.u32 $0x7F, v41;
	v41 =	vsel vm0, v18, v19;
	v39 =	vor.u32 v39, v44;
	(pc) =	sbr.rel @p0 .LBB2_20-.Ltmp9, $3  }
0x139: {  	v38 =	vor.u32 v38, v41;
	_ =	sdelay $0x1  }
0x13a: {  	[tilespmem:v40+s2+$0x0] =	vst.idx.add.f32.msk $0xffff, v3  }
0x13b: {  	[tilespmem:v42+s2+$0x0] =	vst.idx.add.f32.msk $0xffff, v3  }
0x13c: {  	_ =	sdelay $0x3  }
0x13d: {  	[tilespmem:v39+s2+$0x0] =	vst.idx.add.f32.msk $0xffff, v3  }
0x13e: {  	s0 =	simm.s32 $0x0;
	[tilespmem:v38+s2+$0x0] =	vst.idx.add.f32.msk $0xffff, v3  }
0x13f: {  	[tilespmem:s23], [sflag:$0x1] =	stream.linear.gather [hbm4b:s7+s0], $0x2710, $0x38;
	[tilespmem:$0x16E80] =	vst v63  }
0x140: {  	_ =	swait.ge [sflag:s26], $0x2710  }
0x141: {  	[sflag:s26] =	ssyncset.done $0x0  }
0x142: {  	s1 =	simm.s32 $0x0;
	[sflag:s26] =	ssyncadd.s32 $0xFFFFD8F0  }
0x143: {  	v55 =	vld [tilespmem:s1+$0x14710];
	_ =	sdelay $0x4  }
0x144: {  	v56 =	vand.u32 $0x80, v55;
	v40 =	vand.u32 $0x8000, v55;
	vm0 =	vlt.s32 v55, $0x0  }
0x145: {  	v41 =	vand.u32 $0x7F, v55;
	v43 =	vshrl.u32 v55, $0x10;
	v59 =	vand.u32 $0x800000, v55  }
0x146: {  	v44 =	vshrl.u32 v55, $0x8;
	v45 =	vshrl.u32 v55, $0x18;
	vm1 =	veq.s32 v56, $0x0  }
0x147: {  	vm2 =	veq.s32 v40, $0x0;
	v57 =	vsel vm0, v2, v0;
	v43 =	vand.u32 $0x7F, v43  }
0x148: {  	v60 =	vand.u32 $0x7F, v44;
	v61 =	vor.u32 $0x480, v45;
	v58 =	vsel vm1, v21, v20  }
0x149: {  	vm15 =	veq.s32 v59, $0x0;
	v42 =	vsel vm2, v21, v20;
	v41 =	vor.u32 v41, v58  }
0x14a: {  	v39 =	vadd.s32 v61, v57;
	v40 =	vsel vm15, v21, v20;
	v38 =	vor.u32 v60, v42  }
0x14b: {  	v63 =	vand.u32 $0x7F, v45;
	v62 =	vand.u32 $0x3FF80, v39;
	v39 =	vor.u32 v43, v40  }
0x14c: {  	v40 =	vor.u32 v63, v62;
	_ =	sdelay $0x1  }
0x14d: {  	s1 =	simm.s32 $0x40;
	[tilespmem:v41+s2+$0x0] =	vst.idx.add.f32.msk $0xffff, v3  }
.LBB2_22:
0x14e: {  	p0 =	sne.s32 s1, $0x9C00;
	[tilespmem:v38+s2+$0x0] =	vst.idx.add.f32.msk $0xffff, v3;
	s0 =	smov.u32 s1;
	s1 =	sadd.s32 $0x40, s1  }
0x14f: {  	[tilespmem:v39+s2+$0x0] =	vst.idx.add.f32.msk $0xffff, v3  }
0x150: {  	s0 =	sshra.s32 s0, $0x2;
	[tilespmem:v40+s2+$0x0] =	vst.idx.add.f32.msk $0xffff, v3  }
0x151: {  	v38 =	vld [tilespmem:s0+$0x14710];
	_ =	sdelay $0x4  }
0x152: {  	v39 =	vand.u32 $0x80, v38;
	v40 =	vand.u32 $0x8000, v38;
	vm0 =	vlt.s32 v38, $0x0  }
0x153: {  	vm1 =	veq.s32 v39, $0x0;
	vm2 =	veq.s32 v40, $0x0;
	v39 =	vsel vm0, v2, v0  }
0x154: {  	v42 =	vshrl.u32 v38, $0x10;
	v40 =	vsel vm1, v21, v20;
	v41 =	vsel vm2, v21, v20  }
0x155: {  	v43 =	vand.u32 $0x7F, v38;
	v44 =	vand.u32 $0x800000, v38;
	v42 =	vand.u32 $0x7F, v42  }
0x156: {  	v45 =	vshrl.u32 v38, $0x8;
	vm0 =	veq.s32 v44, $0x0;
	v44 =	vshrl.u32 v38, $0x18  }
0x157: {  	v38 =	vand.u32 $0x7F, v45;
	v43 =	vor.u32 v43, v40;
	v40 =	vor.u32 $0x480, v44  }
.Ltmp10:
0x158: {  	v38 =	vor.u32 v38, v41;
	v41 =	vsel vm0, v21, v20;
	v40 =	vadd.s32 v40, v39;
	(pc) =	sbr.rel @p0 .LBB2_22-.Ltmp10, $3  }
0x159: {  	v39 =	vor.u32 v42, v41;
	v41 =	vand.u32 $0x7F, v44;
	v40 =	vand.u32 $0x3FF80, v40  }
0x15a: {  	v40 =	vor.u32 v41, v40;
	_ =	sdelay $0x1  }
0x15b: {  	[tilespmem:v43+s2+$0x0] =	vst.idx.add.f32.msk $0xffff, v3  }
0x15c: {  	_ =	sdelay $0x3  }
0x15d: {  	[tilespmem:v38+s2+$0x0] =	vst.idx.add.f32.msk $0xffff, v3  }
0x15e: {  	[tilespmem:v39+s2+$0x0] =	vst.idx.add.f32.msk $0xffff, v3  }
0x15f: {  	s0 =	simm.s32 $0x0;
	[tilespmem:v40+s2+$0x0] =	vst.idx.add.f32.msk $0xffff, v3  }
0x160: {  	[tilespmem:s24], [sflag:$0x2] =	stream.linear.gather [hbm4b:s9+s0], $0x2710, $0x38;
	[tilespmem:$0x16E80] =	vst v63  }
0x161: {  	_ =	swait.ge [sflag:s25], $0x2710  }
0x162: {  	[sflag:s25] =	ssyncset.done $0x0  }
0x163: {  	s1 =	simm.s32 $0x0;
	[sflag:s25] =	ssyncadd.s32 $0xFFFFD8F0  }
0x164: {  	v52 =	vld [tilespmem:s1+$0x12000];
	_ =	sdelay $0x4  }
0x165: {  	v53 =	vand.u32 $0x80, v52  }
0x166: {  	vm0 =	veq.s32 v53, $0x0  }
0x167: {  	v55 =	vand.u32 $0x7F, v52;
	v56 =	vsel vm0, v23, v22  }
0x168: {  	v54 =	vand.u32 $0x8000, v52;
	v39 =	vor.u32 v55, v56  }
0x169: {  	v41 =	vshrl.u32 v52, $0x8;
	v58 =	vand.u32 $0x800000, v52;
	v59 =	vshrl.u32 v52, $0x18  }
0x16a: {  	v60 =	vshrl.u32 v52, $0x10;
	vm15 =	vlt.s32 v52, $0x0;
	vm1 =	veq.s32 v54, $0x0  }
0x16b: {  	v57 =	vand.u32 $0x7F, v41;
	vm14 =	veq.s32 v58, $0x0;
	v42 =	vsel vm1, v23, v22  }
0x16c: {  	v61 =	vand.u32 $0x7F, v60;
	v43 =	vsel vm14, v23, v22;
	v40 =	vor.u32 v57, v42  }
0x16d: {  	v62 =	vand.u32 $0x7F, v59;
	v63 =	vsel vm15, v22, v23;
	[tilespmem:v39+s2+$0x0] =	vst.idx.add.f32.msk $0xffff, v3;
	v39 =	vor.u32 v61, v43  }
0x16e: {  	v38 =	vor.u32 v62, v63;
	_ =	sdelay $0x2  }
0x16f: {  	s1 =	simm.s32 $0x40;
	[tilespmem:v40+s2+$0x0] =	vst.idx.add.f32.msk $0xffff, v3  }
.LBB2_24:
0x170: {  	p0 =	sne.s32 s1, $0x9C00;
	[tilespmem:v39+s2+$0x0] =	vst.idx.add.f32.msk $0xffff, v3;
	s0 =	smov.u32 s1;
	s1 =	sadd.s32 $0x40, s1  }
0x171: {  	s0 =	sshra.s32 s0, $0x2;
	[tilespmem:v38+s2+$0x0] =	vst.idx.add.f32.msk $0xffff, v3  }
0x172: {  	v38 =	vld [tilespmem:s0+$0x12000];
	_ =	sdelay $0x4  }
0x173: {  	v39 =	vand.u32 $0x80, v38;
	v40 =	vand.u32 $0x8000, v38;
	v41 =	vshrl.u32 v38, $0x18  }
0x174: {  	vm0 =	veq.s32 v39, $0x0;
	v39 =	vand.u32 $0x7F, v38;
	vm1 =	veq.s32 v40, $0x0  }
0x175: {  	v43 =	vand.u32 $0x800000, v38;
	v40 =	vsel vm0, v23, v22;
	v42 =	vsel vm1, v23, v22  }
0x176: {  	vm0 =	veq.s32 v43, $0x0;
	v40 =	vor.u32 v39, v40;
	v39 =	vshrl.u32 v38, $0x8  }
0x177: {  	v43 =	vshrl.u32 v38, $0x10;
	v44 =	vsel vm0, v23, v22;
	v39 =	vand.u32 $0x7F, v39  }
0x178: {  	vm0 =	vlt.s32 v38, $0x0;
	v42 =	vor.u32 v39, v42;
	v39 =	vand.u32 $0x7F, v43  }
.Ltmp11:
0x179: {  	v38 =	vand.u32 $0x7F, v41;
	v41 =	vsel vm0, v22, v23;
	v39 =	vor.u32 v39, v44;
	(pc) =	sbr.rel @p0 .LBB2_24-.Ltmp11, $3  }
0x17a: {  	v38 =	vor.u32 v38, v41;
	_ =	sdelay $0x1  }
0x17b: {  	[tilespmem:v40+s2+$0x0] =	vst.idx.add.f32.msk $0xffff, v3  }
0x17c: {  	[tilespmem:v42+s2+$0x0] =	vst.idx.add.f32.msk $0xffff, v3  }
0x17d: {  	_ =	sdelay $0x3  }
0x17e: {  	[tilespmem:v39+s2+$0x0] =	vst.idx.add.f32.msk $0xffff, v3  }
0x17f: {  	s0 =	simm.s32 $0x0;
	[tilespmem:v38+s2+$0x0] =	vst.idx.add.f32.msk $0xffff, v3  }
0x180: {  	[tilespmem:s23], [sflag:$0x1] =	stream.linear.gather [hbm4b:s11+s0], $0x2710, $0x38;
	[tilespmem:$0x16E80] =	vst v63  }
0x181: {  	_ =	swait.ge [sflag:s26], $0x2710  }
0x182: {  	[sflag:s26] =	ssyncset.done $0x0  }
0x183: {  	s1 =	simm.s32 $0x0;
	[sflag:s26] =	ssyncadd.s32 $0xFFFFD8F0  }
0x184: {  	v55 =	vld [tilespmem:s1+$0x14710];
	_ =	sdelay $0x4  }
0x185: {  	v56 =	vand.u32 $0x80, v55;
	v40 =	vand.u32 $0x8000, v55;
	vm0 =	vlt.s32 v55, $0x0  }
0x186: {  	v41 =	vand.u32 $0x7F, v55;
	v43 =	vshrl.u32 v55, $0x10;
	v59 =	vand.u32 $0x800000, v55  }
0x187: {  	v44 =	vshrl.u32 v55, $0x8;
	v45 =	vshrl.u32 v55, $0x18;
	vm1 =	veq.s32 v56, $0x0  }
0x188: {  	vm2 =	veq.s32 v40, $0x0;
	v57 =	vsel vm0, v2, v0;
	v43 =	vand.u32 $0x7F, v43  }
0x189: {  	v60 =	vand.u32 $0x7F, v44;
	v61 =	vor.u32 $0x580, v45;
	v58 =	vsel vm1, v25, v24  }
0x18a: {  	vm15 =	veq.s32 v59, $0x0;
	v42 =	vsel vm2, v25, v24;
	v41 =	vor.u32 v41, v58  }
0x18b: {  	v39 =	vadd.s32 v61, v57;
	v40 =	vsel vm15, v25, v24;
	v38 =	vor.u32 v60, v42  }
0x18c: {  	v63 =	vand.u32 $0x7F, v45;
	v62 =	vand.u32 $0x3FF80, v39;
	v39 =	vor.u32 v43, v40  }
0x18d: {  	v40 =	vor.u32 v63, v62;
	_ =	sdelay $0x1  }
0x18e: {  	s1 =	simm.s32 $0x40;
	[tilespmem:v41+s2+$0x0] =	vst.idx.add.f32.msk $0xffff, v3  }
.LBB2_26:
0x18f: {  	p0 =	sne.s32 s1, $0x9C00;
	[tilespmem:v38+s2+$0x0] =	vst.idx.add.f32.msk $0xffff, v3;
	s0 =	smov.u32 s1;
	s1 =	sadd.s32 $0x40, s1  }
0x190: {  	[tilespmem:v39+s2+$0x0] =	vst.idx.add.f32.msk $0xffff, v3  }
0x191: {  	s0 =	sshra.s32 s0, $0x2;
	[tilespmem:v40+s2+$0x0] =	vst.idx.add.f32.msk $0xffff, v3  }
0x192: {  	v38 =	vld [tilespmem:s0+$0x14710];
	_ =	sdelay $0x4  }
0x193: {  	v39 =	vand.u32 $0x80, v38;
	v40 =	vand.u32 $0x8000, v38;
	vm0 =	vlt.s32 v38, $0x0  }
0x194: {  	vm1 =	veq.s32 v39, $0x0;
	vm2 =	veq.s32 v40, $0x0;
	v39 =	vsel vm0, v2, v0  }
0x195: {  	v42 =	vshrl.u32 v38, $0x10;
	v40 =	vsel vm1, v25, v24;
	v41 =	vsel vm2, v25, v24  }
0x196: {  	v43 =	vand.u32 $0x7F, v38;
	v44 =	vand.u32 $0x800000, v38;
	v42 =	vand.u32 $0x7F, v42  }
0x197: {  	v45 =	vshrl.u32 v38, $0x8;
	vm0 =	veq.s32 v44, $0x0;
	v44 =	vshrl.u32 v38, $0x18  }
0x198: {  	v38 =	vand.u32 $0x7F, v45;
	v43 =	vor.u32 v43, v40;
	v40 =	vor.u32 $0x580, v44  }
.Ltmp12:
0x199: {  	v38 =	vor.u32 v38, v41;
	v41 =	vsel vm0, v25, v24;
	v40 =	vadd.s32 v40, v39;
	(pc) =	sbr.rel @p0 .LBB2_26-.Ltmp12, $3  }
0x19a: {  	v39 =	vor.u32 v42, v41;
	v41 =	vand.u32 $0x7F, v44;
	v40 =	vand.u32 $0x3FF80, v40  }
0x19b: {  	v40 =	vor.u32 v41, v40;
	_ =	sdelay $0x1  }
0x19c: {  	[tilespmem:v43+s2+$0x0] =	vst.idx.add.f32.msk $0xffff, v3  }
0x19d: {  	_ =	sdelay $0x3  }
0x19e: {  	[tilespmem:v38+s2+$0x0] =	vst.idx.add.f32.msk $0xffff, v3  }
0x19f: {  	[tilespmem:v39+s2+$0x0] =	vst.idx.add.f32.msk $0xffff, v3  }
0x1a0: {  	s0 =	simm.s32 $0x0;
	[tilespmem:v40+s2+$0x0] =	vst.idx.add.f32.msk $0xffff, v3  }
0x1a1: {  	[tilespmem:s24], [sflag:$0x2] =	stream.linear.gather [hbm4b:s13+s0], $0x2710, $0x38;
	[tilespmem:$0x16E80] =	vst v63  }
0x1a2: {  	_ =	swait.ge [sflag:s25], $0x2710  }
0x1a3: {  	[sflag:s25] =	ssyncset.done $0x0  }
0x1a4: {  	s1 =	simm.s32 $0x0;
	[sflag:s25] =	ssyncadd.s32 $0xFFFFD8F0  }
0x1a5: {  	v52 =	vld [tilespmem:s1+$0x12000];
	_ =	sdelay $0x4  }
0x1a6: {  	v53 =	vand.u32 $0x80, v52  }
0x1a7: {  	vm0 =	veq.s32 v53, $0x0  }
0x1a8: {  	v55 =	vand.u32 $0x7F, v52;
	v56 =	vsel vm0, v27, v26  }
0x1a9: {  	v54 =	vand.u32 $0x8000, v52;
	v39 =	vor.u32 v55, v56  }
0x1aa: {  	v41 =	vshrl.u32 v52, $0x8;
	v58 =	vand.u32 $0x800000, v52;
	v59 =	vshrl.u32 v52, $0x18  }
0x1ab: {  	v60 =	vshrl.u32 v52, $0x10;
	vm15 =	vlt.s32 v52, $0x0;
	vm1 =	veq.s32 v54, $0x0  }
0x1ac: {  	v57 =	vand.u32 $0x7F, v41;
	vm14 =	veq.s32 v58, $0x0;
	v42 =	vsel vm1, v27, v26  }
0x1ad: {  	v61 =	vand.u32 $0x7F, v60;
	v43 =	vsel vm14, v27, v26;
	v40 =	vor.u32 v57, v42  }
0x1ae: {  	v62 =	vand.u32 $0x7F, v59;
	v63 =	vsel vm15, v26, v27;
	[tilespmem:v39+s2+$0x0] =	vst.idx.add.f32.msk $0xffff, v3;
	v39 =	vor.u32 v61, v43  }
0x1af: {  	v38 =	vor.u32 v62, v63;
	_ =	sdelay $0x2  }
0x1b0: {  	s1 =	simm.s32 $0x40;
	[tilespmem:v40+s2+$0x0] =	vst.idx.add.f32.msk $0xffff, v3  }
.LBB2_28:
0x1b1: {  	p0 =	sne.s32 s1, $0x9C00;
	[tilespmem:v39+s2+$0x0] =	vst.idx.add.f32.msk $0xffff, v3;
	s0 =	smov.u32 s1;
	s1 =	sadd.s32 $0x40, s1  }
0x1b2: {  	s0 =	sshra.s32 s0, $0x2;
	[tilespmem:v38+s2+$0x0] =	vst.idx.add.f32.msk $0xffff, v3  }
0x1b3: {  	v38 =	vld [tilespmem:s0+$0x12000];
	_ =	sdelay $0x4  }
0x1b4: {  	v39 =	vand.u32 $0x80, v38;
	v40 =	vand.u32 $0x8000, v38;
	v41 =	vshrl.u32 v38, $0x18  }
0x1b5: {  	vm0 =	veq.s32 v39, $0x0;
	v39 =	vand.u32 $0x7F, v38;
	vm1 =	veq.s32 v40, $0x0  }
0x1b6: {  	v43 =	vand.u32 $0x800000, v38;
	v40 =	vsel vm0, v27, v26;
	v42 =	vsel vm1, v27, v26  }
0x1b7: {  	vm0 =	veq.s32 v43, $0x0;
	v40 =	vor.u32 v39, v40;
	v39 =	vshrl.u32 v38, $0x8  }
0x1b8: {  	v43 =	vshrl.u32 v38, $0x10;
	v44 =	vsel vm0, v27, v26;
	v39 =	vand.u32 $0x7F, v39  }
0x1b9: {  	vm0 =	vlt.s32 v38, $0x0;
	v42 =	vor.u32 v39, v42;
	v39 =	vand.u32 $0x7F, v43  }
.Ltmp13:
0x1ba: {  	v38 =	vand.u32 $0x7F, v41;
	v41 =	vsel vm0, v26, v27;
	v39 =	vor.u32 v39, v44;
	(pc) =	sbr.rel @p0 .LBB2_28-.Ltmp13, $3  }
0x1bb: {  	v38 =	vor.u32 v38, v41;
	_ =	sdelay $0x1  }
0x1bc: {  	[tilespmem:v40+s2+$0x0] =	vst.idx.add.f32.msk $0xffff, v3  }
0x1bd: {  	[tilespmem:v42+s2+$0x0] =	vst.idx.add.f32.msk $0xffff, v3  }
0x1be: {  	_ =	sdelay $0x3  }
0x1bf: {  	[tilespmem:v39+s2+$0x0] =	vst.idx.add.f32.msk $0xffff, v3  }
0x1c0: {  	s0 =	simm.s32 $0x0;
	[tilespmem:v38+s2+$0x0] =	vst.idx.add.f32.msk $0xffff, v3  }
0x1c1: {  	[tilespmem:s23], [sflag:$0x1] =	stream.linear.gather [hbm4b:s15+s0], $0x2710, $0x38;
	[tilespmem:$0x16E80] =	vst v63  }
0x1c2: {  	_ =	swait.ge [sflag:s26], $0x2710  }
0x1c3: {  	[sflag:s26] =	ssyncset.done $0x0  }
0x1c4: {  	s1 =	simm.s32 $0x0;
	[sflag:s26] =	ssyncadd.s32 $0xFFFFD8F0  }
0x1c5: {  	v55 =	vld [tilespmem:s1+$0x14710];
	_ =	sdelay $0x4  }
0x1c6: {  	v56 =	vand.u32 $0x80, v55;
	v40 =	vand.u32 $0x8000, v55;
	vm0 =	vlt.s32 v55, $0x0  }
0x1c7: {  	v41 =	vand.u32 $0x7F, v55;
	v43 =	vshrl.u32 v55, $0x10;
	v59 =	vand.u32 $0x800000, v55  }
0x1c8: {  	v44 =	vshrl.u32 v55, $0x8;
	v45 =	vshrl.u32 v55, $0x18;
	vm1 =	veq.s32 v56, $0x0  }
0x1c9: {  	vm2 =	veq.s32 v40, $0x0;
	v57 =	vsel vm0, v2, v0;
	v43 =	vand.u32 $0x7F, v43  }
0x1ca: {  	v60 =	vand.u32 $0x7F, v44;
	v61 =	vor.u32 $0x680, v45;
	v58 =	vsel vm1, v29, v28  }
0x1cb: {  	vm15 =	veq.s32 v59, $0x0;
	v42 =	vsel vm2, v29, v28;
	v41 =	vor.u32 v41, v58  }
0x1cc: {  	v39 =	vadd.s32 v61, v57;
	v40 =	vsel vm15, v29, v28;
	v38 =	vor.u32 v60, v42  }
0x1cd: {  	v63 =	vand.u32 $0x7F, v45;
	v62 =	vand.u32 $0x3FF80, v39;
	v39 =	vor.u32 v43, v40  }
0x1ce: {  	v40 =	vor.u32 v63, v62;
	_ =	sdelay $0x1  }
0x1cf: {  	s1 =	simm.s32 $0x40;
	[tilespmem:v41+s2+$0x0] =	vst.idx.add.f32.msk $0xffff, v3  }
.LBB2_30:
0x1d0: {  	p0 =	sne.s32 s1, $0x9C00;
	[tilespmem:v38+s2+$0x0] =	vst.idx.add.f32.msk $0xffff, v3;
	s0 =	smov.u32 s1;
	s1 =	sadd.s32 $0x40, s1  }
0x1d1: {  	[tilespmem:v39+s2+$0x0] =	vst.idx.add.f32.msk $0xffff, v3  }
0x1d2: {  	s0 =	sshra.s32 s0, $0x2;
	[tilespmem:v40+s2+$0x0] =	vst.idx.add.f32.msk $0xffff, v3  }
0x1d3: {  	v38 =	vld [tilespmem:s0+$0x14710];
	_ =	sdelay $0x4  }
0x1d4: {  	v39 =	vand.u32 $0x80, v38;
	v40 =	vand.u32 $0x8000, v38;
	vm0 =	vlt.s32 v38, $0x0  }
0x1d5: {  	vm1 =	veq.s32 v39, $0x0;
	vm2 =	veq.s32 v40, $0x0;
	v39 =	vsel vm0, v2, v0  }
0x1d6: {  	v42 =	vshrl.u32 v38, $0x10;
	v40 =	vsel vm1, v29, v28;
	v41 =	vsel vm2, v29, v28  }
0x1d7: {  	v43 =	vand.u32 $0x7F, v38;
	v44 =	vand.u32 $0x800000, v38;
	v42 =	vand.u32 $0x7F, v42  }
0x1d8: {  	v45 =	vshrl.u32 v38, $0x8;
	vm0 =	veq.s32 v44, $0x0;
	v44 =	vshrl.u32 v38, $0x18  }
0x1d9: {  	v38 =	vand.u32 $0x7F, v45;
	v43 =	vor.u32 v43, v40;
	v40 =	vor.u32 $0x680, v44  }
.Ltmp14:
0x1da: {  	v38 =	vor.u32 v38, v41;
	v41 =	vsel vm0, v29, v28;
	v40 =	vadd.s32 v40, v39;
	(pc) =	sbr.rel @p0 .LBB2_30-.Ltmp14, $3  }
0x1db: {  	v39 =	vor.u32 v42, v41;
	v41 =	vand.u32 $0x7F, v44;
	v40 =	vand.u32 $0x3FF80, v40  }
0x1dc: {  	v40 =	vor.u32 v41, v40;
	_ =	sdelay $0x1  }
0x1dd: {  	[tilespmem:v43+s2+$0x0] =	vst.idx.add.f32.msk $0xffff, v3  }
0x1de: {  	_ =	sdelay $0x3  }
0x1df: {  	[tilespmem:v38+s2+$0x0] =	vst.idx.add.f32.msk $0xffff, v3  }
0x1e0: {  	[tilespmem:v39+s2+$0x0] =	vst.idx.add.f32.msk $0xffff, v3  }
0x1e1: {  	s0 =	simm.s32 $0x0;
	[tilespmem:v40+s2+$0x0] =	vst.idx.add.f32.msk $0xffff, v3  }
0x1e2: {  	[tilespmem:s24], [sflag:$0x2] =	stream.linear.gather [hbm4b:s17+s0], $0x2710, $0x38;
	[tilespmem:$0x16E80] =	vst v63  }
0x1e3: {  	_ =	swait.ge [sflag:s25], $0x2710  }
0x1e4: {  	[sflag:s25] =	ssyncset.done $0x0  }
0x1e5: {  	s1 =	simm.s32 $0x0;
	[sflag:s25] =	ssyncadd.s32 $0xFFFFD8F0  }
0x1e6: {  	v52 =	vld [tilespmem:s1+$0x12000];
	_ =	sdelay $0x4  }
0x1e7: {  	v53 =	vand.u32 $0x80, v52  }
0x1e8: {  	vm0 =	veq.s32 v53, $0x0  }
0x1e9: {  	v55 =	vand.u32 $0x7F, v52;
	v56 =	vsel vm0, v31, v30  }
0x1ea: {  	v54 =	vand.u32 $0x8000, v52;
	v39 =	vor.u32 v55, v56  }
0x1eb: {  	v41 =	vshrl.u32 v52, $0x8;
	v58 =	vand.u32 $0x800000, v52;
	v59 =	vshrl.u32 v52, $0x18  }
0x1ec: {  	v60 =	vshrl.u32 v52, $0x10;
	vm15 =	vlt.s32 v52, $0x0;
	vm1 =	veq.s32 v54, $0x0  }
0x1ed: {  	v57 =	vand.u32 $0x7F, v41;
	vm14 =	veq.s32 v58, $0x0;
	v42 =	vsel vm1, v31, v30  }
0x1ee: {  	v61 =	vand.u32 $0x7F, v60;
	v43 =	vsel vm14, v31, v30;
	v40 =	vor.u32 v57, v42  }
0x1ef: {  	v62 =	vand.u32 $0x7F, v59;
	v63 =	vsel vm15, v30, v31;
	[tilespmem:v39+s2+$0x0] =	vst.idx.add.f32.msk $0xffff, v3;
	v39 =	vor.u32 v61, v43  }
0x1f0: {  	v38 =	vor.u32 v62, v63;
	_ =	sdelay $0x2  }
0x1f1: {  	s1 =	simm.s32 $0x40;
	[tilespmem:v40+s2+$0x0] =	vst.idx.add.f32.msk $0xffff, v3  }
.LBB2_32:
0x1f2: {  	p0 =	sne.s32 s1, $0x9C00;
	[tilespmem:v39+s2+$0x0] =	vst.idx.add.f32.msk $0xffff, v3;
	s0 =	smov.u32 s1;
	s1 =	sadd.s32 $0x40, s1  }
0x1f3: {  	s0 =	sshra.s32 s0, $0x2;
	[tilespmem:v38+s2+$0x0] =	vst.idx.add.f32.msk $0xffff, v3  }
0x1f4: {  	v38 =	vld [tilespmem:s0+$0x12000];
	_ =	sdelay $0x4  }
0x1f5: {  	v39 =	vand.u32 $0x80, v38;
	v40 =	vand.u32 $0x8000, v38;
	v41 =	vshrl.u32 v38, $0x18  }
0x1f6: {  	vm0 =	veq.s32 v39, $0x0;
	v39 =	vand.u32 $0x7F, v38;
	vm1 =	veq.s32 v40, $0x0  }
0x1f7: {  	v43 =	vand.u32 $0x800000, v38;
	v40 =	vsel vm0, v31, v30;
	v42 =	vsel vm1, v31, v30  }
0x1f8: {  	vm0 =	veq.s32 v43, $0x0;
	v40 =	vor.u32 v39, v40;
	v39 =	vshrl.u32 v38, $0x8  }
0x1f9: {  	v43 =	vshrl.u32 v38, $0x10;
	v44 =	vsel vm0, v31, v30;
	v39 =	vand.u32 $0x7F, v39  }
0x1fa: {  	vm0 =	vlt.s32 v38, $0x0;
	v42 =	vor.u32 v39, v42;
	v39 =	vand.u32 $0x7F, v43  }
.Ltmp15:
0x1fb: {  	v38 =	vand.u32 $0x7F, v41;
	v41 =	vsel vm0, v30, v31;
	v39 =	vor.u32 v39, v44;
	(pc) =	sbr.rel @p0 .LBB2_32-.Ltmp15, $3  }
0x1fc: {  	v38 =	vor.u32 v38, v41;
	_ =	sdelay $0x1  }
0x1fd: {  	[tilespmem:v40+s2+$0x0] =	vst.idx.add.f32.msk $0xffff, v3  }
0x1fe: {  	[tilespmem:v42+s2+$0x0] =	vst.idx.add.f32.msk $0xffff, v3  }
0x1ff: {  	_ =	sdelay $0x3  }
0x200: {  	[tilespmem:v39+s2+$0x0] =	vst.idx.add.f32.msk $0xffff, v3  }
0x201: {  	s0 =	simm.s32 $0x0;
	[tilespmem:v38+s2+$0x0] =	vst.idx.add.f32.msk $0xffff, v3  }
0x202: {  	[tilespmem:s23], [sflag:$0x1] =	stream.linear.gather [hbm4b:s19+s0], $0x2710, $0x38;
	[tilespmem:$0x16E80] =	vst v63  }
0x203: {  	_ =	swait.ge [sflag:s26], $0x2710  }
0x204: {  	[sflag:s26] =	ssyncset.done $0x0  }
0x205: {  	s1 =	simm.s32 $0x0;
	[sflag:s26] =	ssyncadd.s32 $0xFFFFD8F0  }
0x206: {  	v55 =	vld [tilespmem:s1+$0x14710];
	_ =	sdelay $0x4  }
0x207: {  	v56 =	vand.u32 $0x80, v55;
	v40 =	vand.u32 $0x8000, v55;
	vm0 =	vlt.s32 v55, $0x0  }
0x208: {  	v41 =	vand.u32 $0x7F, v55;
	v43 =	vshrl.u32 v55, $0x10;
	v59 =	vand.u32 $0x800000, v55  }
0x209: {  	v44 =	vshrl.u32 v55, $0x8;
	v45 =	vshrl.u32 v55, $0x18;
	vm1 =	veq.s32 v56, $0x0  }
0x20a: {  	vm2 =	veq.s32 v40, $0x0;
	v57 =	vsel vm0, v2, v0;
	v43 =	vand.u32 $0x7F, v43  }
0x20b: {  	v60 =	vand.u32 $0x7F, v44;
	v61 =	vor.u32 $0x780, v45;
	v58 =	vsel vm1, v33, v32  }
0x20c: {  	vm15 =	veq.s32 v59, $0x0;
	v42 =	vsel vm2, v33, v32;
	v41 =	vor.u32 v41, v58  }
0x20d: {  	v39 =	vadd.s32 v61, v57;
	v40 =	vsel vm15, v33, v32;
	v38 =	vor.u32 v60, v42  }
0x20e: {  	v63 =	vand.u32 $0x7F, v45;
	v62 =	vand.u32 $0x3FF80, v39;
	v39 =	vor.u32 v43, v40  }
0x20f: {  	v40 =	vor.u32 v63, v62;
	_ =	sdelay $0x1  }
0x210: {  	s1 =	simm.s32 $0x40;
	[tilespmem:v41+s2+$0x0] =	vst.idx.add.f32.msk $0xffff, v3  }
.LBB2_34:
0x211: {  	p0 =	sne.s32 s1, $0x9C00;
	[tilespmem:v38+s2+$0x0] =	vst.idx.add.f32.msk $0xffff, v3;
	s0 =	smov.u32 s1;
	s1 =	sadd.s32 $0x40, s1  }
0x212: {  	[tilespmem:v39+s2+$0x0] =	vst.idx.add.f32.msk $0xffff, v3  }
0x213: {  	s0 =	sshra.s32 s0, $0x2;
	[tilespmem:v40+s2+$0x0] =	vst.idx.add.f32.msk $0xffff, v3  }
0x214: {  	v38 =	vld [tilespmem:s0+$0x14710];
	_ =	sdelay $0x4  }
0x215: {  	v39 =	vand.u32 $0x80, v38;
	v40 =	vand.u32 $0x8000, v38;
	vm0 =	vlt.s32 v38, $0x0  }
0x216: {  	vm1 =	veq.s32 v39, $0x0;
	vm2 =	veq.s32 v40, $0x0;
	v39 =	vsel vm0, v2, v0  }
0x217: {  	v42 =	vshrl.u32 v38, $0x10;
	v40 =	vsel vm1, v33, v32;
	v41 =	vsel vm2, v33, v32  }
0x218: {  	v43 =	vand.u32 $0x7F, v38;
	v44 =	vand.u32 $0x800000, v38;
	v42 =	vand.u32 $0x7F, v42  }
0x219: {  	v45 =	vshrl.u32 v38, $0x8;
	vm0 =	veq.s32 v44, $0x0;
	v44 =	vshrl.u32 v38, $0x18  }
0x21a: {  	v38 =	vand.u32 $0x7F, v45;
	v43 =	vor.u32 v43, v40;
	v40 =	vor.u32 $0x780, v44  }
.Ltmp16:
0x21b: {  	v38 =	vor.u32 v38, v41;
	v41 =	vsel vm0, v33, v32;
	v40 =	vadd.s32 v40, v39;
	(pc) =	sbr.rel @p0 .LBB2_34-.Ltmp16, $3  }
0x21c: {  	v39 =	vor.u32 v42, v41;
	v41 =	vand.u32 $0x7F, v44;
	v40 =	vand.u32 $0x3FF80, v40  }
0x21d: {  	v40 =	vor.u32 v41, v40;
	_ =	sdelay $0x1  }
0x21e: {  	[tilespmem:v43+s2+$0x0] =	vst.idx.add.f32.msk $0xffff, v3  }
0x21f: {  	_ =	sdelay $0x3  }
0x220: {  	[tilespmem:v38+s2+$0x0] =	vst.idx.add.f32.msk $0xffff, v3  }
0x221: {  	[tilespmem:v39+s2+$0x0] =	vst.idx.add.f32.msk $0xffff, v3  }
0x222: {  	s0 =	simm.s32 $0x0;
	[tilespmem:v40+s2+$0x0] =	vst.idx.add.f32.msk $0xffff, v3  }
0x223: {  	[tilespmem:s24], [sflag:$0x2] =	stream.linear.gather [hbm4b:s20+s0], $0x2710, $0x38;
	[tilespmem:$0x16E80] =	vst v63  }
0x224: {  	_ =	swait.ge [sflag:s25], $0x2710  }
0x225: {  	[sflag:s25] =	ssyncset.done $0x0  }
0x226: {  	s1 =	simm.s32 $0x0;
	[sflag:s25] =	ssyncadd.s32 $0xFFFFD8F0  }
0x227: {  	v52 =	vld [tilespmem:s1+$0x12000];
	_ =	sdelay $0x4  }
0x228: {  	v53 =	vand.u32 $0x80, v52  }
0x229: {  	vm0 =	veq.s32 v53, $0x0  }
0x22a: {  	v55 =	vand.u32 $0x7F, v52;
	v56 =	vsel vm0, v35, v34  }
0x22b: {  	v54 =	vand.u32 $0x8000, v52;
	v39 =	vor.u32 v55, v56  }
0x22c: {  	v41 =	vshrl.u32 v52, $0x8;
	v58 =	vand.u32 $0x800000, v52;
	v59 =	vshrl.u32 v52, $0x18  }
0x22d: {  	v60 =	vshrl.u32 v52, $0x10;
	vm15 =	vlt.s32 v52, $0x0;
	vm1 =	veq.s32 v54, $0x0  }
0x22e: {  	v57 =	vand.u32 $0x7F, v41;
	vm14 =	veq.s32 v58, $0x0;
	v42 =	vsel vm1, v35, v34  }
0x22f: {  	v61 =	vand.u32 $0x7F, v60;
	v43 =	vsel vm14, v35, v34;
	v40 =	vor.u32 v57, v42  }
0x230: {  	v62 =	vand.u32 $0x7F, v59;
	v63 =	vsel vm15, v34, v35;
	[tilespmem:v39+s2+$0x0] =	vst.idx.add.f32.msk $0xffff, v3;
	v39 =	vor.u32 v61, v43  }
0x231: {  	v38 =	vor.u32 v62, v63;
	_ =	sdelay $0x2  }
0x232: {  	s1 =	simm.s32 $0x40;
	[tilespmem:v40+s2+$0x0] =	vst.idx.add.f32.msk $0xffff, v3  }
.LBB2_36:
0x233: {  	p0 =	sne.s32 s1, $0x9C00;
	[tilespmem:v39+s2+$0x0] =	vst.idx.add.f32.msk $0xffff, v3;
	s0 =	smov.u32 s1;
	s1 =	sadd.s32 $0x40, s1  }
0x234: {  	s0 =	sshra.s32 s0, $0x2;
	[tilespmem:v38+s2+$0x0] =	vst.idx.add.f32.msk $0xffff, v3  }
0x235: {  	v38 =	vld [tilespmem:s0+$0x12000];
	_ =	sdelay $0x4  }
0x236: {  	v39 =	vand.u32 $0x80, v38;
	v40 =	vand.u32 $0x8000, v38;
	v41 =	vshrl.u32 v38, $0x18  }
0x237: {  	vm0 =	veq.s32 v39, $0x0;
	v39 =	vand.u32 $0x7F, v38;
	vm1 =	veq.s32 v40, $0x0  }
0x238: {  	v43 =	vand.u32 $0x800000, v38;
	v40 =	vsel vm0, v35, v34;
	v42 =	vsel vm1, v35, v34  }
0x239: {  	vm0 =	veq.s32 v43, $0x0;
	v40 =	vor.u32 v39, v40;
	v39 =	vshrl.u32 v38, $0x8  }
0x23a: {  	v43 =	vshrl.u32 v38, $0x10;
	v44 =	vsel vm0, v35, v34;
	v39 =	vand.u32 $0x7F, v39  }
0x23b: {  	vm0 =	vlt.s32 v38, $0x0;
	v42 =	vor.u32 v39, v42;
	v39 =	vand.u32 $0x7F, v43  }
.Ltmp17:
0x23c: {  	v38 =	vand.u32 $0x7F, v41;
	v41 =	vsel vm0, v34, v35;
	v39 =	vor.u32 v39, v44;
	(pc) =	sbr.rel @p0 .LBB2_36-.Ltmp17, $3  }
0x23d: {  	v38 =	vor.u32 v38, v41;
	_ =	sdelay $0x1  }
0x23e: {  	[tilespmem:v40+s2+$0x0] =	vst.idx.add.f32.msk $0xffff, v3  }
0x23f: {  	[tilespmem:v42+s2+$0x0] =	vst.idx.add.f32.msk $0xffff, v3  }
0x240: {  	_ =	sdelay $0x3  }
0x241: {  	[tilespmem:v39+s2+$0x0] =	vst.idx.add.f32.msk $0xffff, v3  }
0x242: {  	[tilespmem:v38+s2+$0x0] =	vst.idx.add.f32.msk $0xffff, v3  }
0x243: {  	_ =	swait.ge [sflag:s26], $0x2710  }
0x244: {  	[sflag:s26] =	ssyncset.done $0x0  }
0x245: {  	s0 =	simm.s32 $0x0;
	[sflag:s26] =	ssyncadd.s32 $0xFFFFD8F0  }
0x246: {  	v55 =	vld [tilespmem:s0+$0x14710];
	_ =	sdelay $0x4  }
0x247: {  	v56 =	vand.u32 $0x80, v55;
	v40 =	vand.u32 $0x8000, v55;
	vm0 =	vlt.s32 v55, $0x0  }
0x248: {  	v41 =	vand.u32 $0x7F, v55;
	v43 =	vshrl.u32 v55, $0x10;
	v59 =	vand.u32 $0x800000, v55  }
0x249: {  	v44 =	vshrl.u32 v55, $0x8;
	v45 =	vshrl.u32 v55, $0x18;
	vm1 =	veq.s32 v56, $0x0  }
0x24a: {  	vm2 =	veq.s32 v40, $0x0;
	v57 =	vsel vm0, v2, v0;
	v43 =	vand.u32 $0x7F, v43  }
0x24b: {  	v60 =	vand.u32 $0x7F, v44;
	v61 =	vor.u32 $0x880, v45;
	v58 =	vsel vm1, v37, v36  }
0x24c: {  	vm15 =	veq.s32 v59, $0x0;
	v42 =	vsel vm2, v37, v36;
	v41 =	vor.u32 v41, v58  }
0x24d: {  	v39 =	vadd.s32 v61, v57;
	v40 =	vsel vm15, v37, v36;
	v38 =	vor.u32 v60, v42  }
0x24e: {  	v63 =	vand.u32 $0x7F, v45;
	v62 =	vand.u32 $0x3FF80, v39;
	v39 =	vor.u32 v43, v40  }
0x24f: {  	v40 =	vor.u32 v63, v62;
	_ =	sdelay $0x1  }
0x250: {  	s1 =	simm.s32 $0x40;
	[tilespmem:v41+s2+$0x0] =	vst.idx.add.f32.msk $0xffff, v3  }
.LBB2_38:
0x251: {  	p0 =	sne.s32 s1, $0x9C00;
	[tilespmem:v38+s2+$0x0] =	vst.idx.add.f32.msk $0xffff, v3;
	s0 =	smov.u32 s1;
	s1 =	sadd.s32 $0x40, s1  }
0x252: {  	[tilespmem:v39+s2+$0x0] =	vst.idx.add.f32.msk $0xffff, v3  }
0x253: {  	s0 =	sshra.s32 s0, $0x2;
	[tilespmem:v40+s2+$0x0] =	vst.idx.add.f32.msk $0xffff, v3  }
0x254: {  	v38 =	vld [tilespmem:s0+$0x14710];
	_ =	sdelay $0x4  }
0x255: {  	v39 =	vand.u32 $0x80, v38;
	v40 =	vand.u32 $0x8000, v38;
	vm0 =	vlt.s32 v38, $0x0  }
0x256: {  	vm1 =	veq.s32 v39, $0x0;
	vm2 =	veq.s32 v40, $0x0;
	v39 =	vsel vm0, v2, v0  }
0x257: {  	v42 =	vshrl.u32 v38, $0x10;
	v40 =	vsel vm1, v37, v36;
	v41 =	vsel vm2, v37, v36  }
0x258: {  	v43 =	vand.u32 $0x7F, v38;
	v44 =	vand.u32 $0x800000, v38;
	v42 =	vand.u32 $0x7F, v42  }
0x259: {  	v45 =	vshrl.u32 v38, $0x8;
	vm0 =	veq.s32 v44, $0x0;
	v44 =	vshrl.u32 v38, $0x18  }
0x25a: {  	v38 =	vand.u32 $0x7F, v45;
	v43 =	vor.u32 v43, v40;
	v40 =	vor.u32 $0x880, v44  }
.Ltmp18:
0x25b: {  	v38 =	vor.u32 v38, v41;
	v41 =	vsel vm0, v37, v36;
	v40 =	vadd.s32 v40, v39;
	(pc) =	sbr.rel @p0 .LBB2_38-.Ltmp18, $3  }
0x25c: {  	v39 =	vor.u32 v42, v41;
	v41 =	vand.u32 $0x7F, v44;
	v40 =	vand.u32 $0x3FF80, v40  }
0x25d: {  	v40 =	vor.u32 v41, v40;
	_ =	sdelay $0x1  }
0x25e: {  	[tilespmem:v43+s2+$0x0] =	vst.idx.add.f32.msk $0xffff, v3  }
0x25f: {  	_ =	sdelay $0x3  }
0x260: {  	[tilespmem:v38+s2+$0x0] =	vst.idx.add.f32.msk $0xffff, v3;
	s31 =	sadd.s32 $0x1, s31  }
0x261: {  	[tilespmem:v39+s2+$0x0] =	vst.idx.add.f32.msk $0xffff, v3;
	p0 =	sne.s32 s31, s22  }
.Ltmp19:
0x262: {  	[tilespmem:v40+s2+$0x0] =	vst.idx.add.f32.msk $0xffff, v3;
	(pc) =	sbr.rel @p0 .LBB2_1-.Ltmp19, $4  }
0x263: {  	[hbm4b:s21+s28] =	stream.strided.scatter [tilespmem:s2], [sflag:$0x3], $0x12000, s29, s28, $0x38;
	[tilespmem:$0x16E80] =	vst v63  }
0x264: {  	_ =	swait.ge [sflag:s30], $0x12000  }
0x265: {  	[sflag:s30] =	ssyncset.done $0x0  }
0x266: {  	[sflag:s30] =	ssyncadd.s32 $0xFFFEE000  }
0x267: {  	_ =	sfence.sel $0x180000  }
0x268: {  	[bflag:$0x0] =	sbarrier.arrive $0xFFFF  }
0x269: {  	_ =	strace $0x90000047  }
0x26a: {  	s0 =	stileid.u32;
	[bflag:$0x2] =	sbarrier.arrive $0xFFFF  }
0x26b: {  	p0 =	sne.s32 s0, $0x0;
	s0 =	rddreg [dreg:$0x1]  }
0x26c: {  	s0 =	sadd.s32 @!p0 $0x100000, s0  }
0x26d: {  	[sflag:s0] =	ssyncadd.tile.s32 @!p0 $0x1;
	_ =	shalt  }
.Lfunc_end2:
_tile_overlayer_lowered:
.L_overlay_start_2:
0x26e: {  	(tag) =	ssettag $0x2  }
0x26f: {  	s0 =	rddreg [dreg:$0x0];
	s2 =	stileid.u32  }
0x270: {  	s1 =	rddreg [dreg:$0x1];
	p0 =	sne.s32 s2, $0x0  }
0x271: {  	s3 =	rddreg [dreg:$0x2];
	[bflag:$0x3] =	sbarrier.arrive $0xFFFF;
	s2 =	simm.s32 @!p0 $0x1C03  }
0x272: {  	[timem:s3], [sflag:s2] =	dma.local @!p0 [hbm:s0], s1  }
0x273: {  	s0 =	simm.s32 @!p0 $0x3  }
0x274: {  	_ =	swait.ge @!p0 [sflag:s0], s1  }
0x275: {  	s1 =	ssub.s32 @!p0 $0x0, s1;
	[sflag:s0] =	ssyncset.done @!p0 $0x0  }
0x276: {  	[sflag:s0] =	ssyncadd.s32 @!p0 s1  }
0x277: {  	[bflag:$0x3] =	sbarrier.arrive $0xFFFF  }
0x278: {  	_ =	shalt  }

</sc_bundles>
